<compile_context>
chip_gen: v7x
topology: tpu7x:2x2x1
jax: 0.10.2.dev20260603
libtpu: 0.0.44.dev20260713+nightly
codegen_flags: <defaults>
</compile_context>

<pallas_src>
import functools
import jax
import jax.numpy as jnp
import numpy as np
from jax import lax
from jax.experimental import pallas as pl
from jax.experimental.pallas import tpu as pltpu
from jax.experimental.pallas import tpu_sc as plsc

NC = 2
NS = 16
L = 16
NW = NC * NS

CW = 112


@functools.partial(jax.jit, static_argnums=(3, 4, 5, 6))
def _sc_gather(table, col, voff, n_chunks, n_var, C, S):
    rpw = n_chunks * CW
    mesh = plsc.VectorSubcoreMesh(
        core_axis_name="c", subcore_axis_name="s", num_cores=NC, num_subcores=NS
    )

    total = n_var * n_chunks
    nbuf = min(7, total)
    ahead = max(1, nbuf - 3)

    @functools.partial(
        pl.kernel,
        out_type=jax.ShapeDtypeStruct((n_var, S, C), jnp.float32),
        mesh=mesh,
        scratch_types=[
            pltpu.VMEM((rpw,), jnp.int32),
            pltpu.VMEM((total, CW), jnp.int32),
            pltpu.VMEM((n_var, L), jnp.int32),
            pltpu.VMEM((nbuf, CW, C), jnp.float32),
            [pltpu.SemaphoreType.DMA] * nbuf,
            [pltpu.SemaphoreType.DMA] * nbuf,
        ],
    )
    def k(table_h, adjc_h, voff_h, out_h, idx_raw, idx_adj, voff_v, rows, gsem, wsem):
        wid = lax.axis_index("s") * NC + lax.axis_index("c")
        start = lax.min(wid * rpw, S - rpw)
        pltpu.sync_copy(adjc_h.at[pl.ds(start, rpw)], idx_raw)
        pltpu.sync_copy(voff_h, voff_v)
        g = [None] * nbuf
        w = [None] * nbuf
        spc = CW // L
        for t in range(ahead):
            v, j = divmod(t, n_chunks)
            off = voff_v[v, :]
            for i in range(spc):
                sl = pl.ds(i * L, L)
                idx_adj[t, sl] = idx_raw[pl.ds(j * CW + i * L, L)] + off
            g[t % nbuf] = pltpu.async_copy(
                table_h.at[idx_adj.at[t]], rows.at[t % nbuf], gsem[t % nbuf]
            )
        for v in range(n_var):
            off = voff_v[v, :]

            def idx_body(k, _, off=off, v=v):
                lo = max(ahead - v * n_chunks, 0) * spc
                src = pl.ds(lo * L + k * L, L)
                dst_row = v * n_chunks + (lo + k) // spc
                dst_sl = pl.ds(((lo + k) % spc) * L, L)
                idx_adj[dst_row, dst_sl] = idx_raw[src] + off
                return _

            n_sl = n_chunks * spc - max(ahead - v * n_chunks, 0) * spc
            lax.fori_loop(0, n_sl, idx_body, None)
        for t in range(total):
            b = t % nbuf
            v, j = divmod(t, n_chunks)
            g[b].wait()
            w[b] = pltpu.async_copy(
                rows.at[b], out_h.at[v, pl.ds(start + j * CW, CW), :], wsem[b]
            )
            f = t + ahead
            if f < total:
                fb = f % nbuf
                if w[fb] is not None:
                    w[fb].wait()
                    w[fb] = None
                g[fb] = pltpu.async_copy(
                    table_h.at[idx_adj.at[f]], rows.at[fb], gsem[fb]
                )
        for b in range(nbuf):
            if w[b] is not None:
                w[b].wait()

    return k(table, col, voff)


def kernel(mg_emb, var_indices, adjc):
    n_vars, T, S, C = mg_emb.shape
    B, V = var_indices.shape
    n_var = B * V

    chunk_rows = NW * CW
    n_chunks = -(-S // chunk_rows)
    rpw = n_chunks * CW

    table = mg_emb.reshape(n_vars * T * S, C)
    vi = var_indices.reshape(-1).astype(jnp.int32)
    voff = jnp.broadcast_to((vi * (T * S))[:, None], (n_var, L))

    col = adjc[:, 0].astype(jnp.int32)
    out = _sc_gather(table, col, voff, n_chunks, n_var, C, S)
    return out.reshape(B, V, T, S, C)

# --- scband reference (transcript-rebuilt; emitter-appended) ---
"""Pipeline reference for scband-mgembedder-24103356465172 (READ-ONLY COPY).

The authoritative reference and input builder live on the scoring server;
editing this copy changes nothing except your own understanding.
"""

import jax, jax.numpy as jnp
import numpy as np

# Config: n_vars_total=4 -> get_embeddings_from_var_idx; zoom == emb_zoom (5) and
# in_channels == embed_dim (128) -> layer is IdentityLayer; sample_dict is empty,
# so get_patch uses grid_layer.adjc[:, [0]].

def setup_inputs(seed: int = 0) -> dict:
    key = jax.random.key(seed)
    k1, k2, k3 = jax.random.split(key, 3)
    n_vars_total = 4
    B, V, T, S, C = 1, 2, 1, 50000, 128
    nh = 16
    mg_emb = jax.random.normal(k1, (n_vars_total, T, S, C), dtype=jnp.float32)
    var_indices = jax.random.randint(k2, (B, V), 0, n_vars_total, dtype=jnp.int64) if jax.config.jax_enable_x64 else jax.random.randint(k2, (B, V), 0, n_vars_total, dtype=jnp.int32)
    adjc = jax.random.randint(k3, (S, nh), 0, S, dtype=jnp.int32)
    return {"mg_emb": mg_emb, "var_indices": var_indices, "adjc": adjc}


def reference(mg_emb, var_indices, adjc):
    # get_embeddings_from_var_idx: embs = mg_emb[var_indices]
    # mg_emb: [n_vars, T, S, C]; var_indices: [B, V] -> embs: [B, V, T, S, C]
    embs = jnp.take(mg_emb, var_indices, axis=0)
    # get_patch with empty sample_dict:
    # idx = adjc[:, [0]].unsqueeze(0) -> [1, S, 1]; view -> [1, 1, 1, S, 1]
    idx = adjc[:, 0:1][None, ...]
    idx = idx.reshape(idx.shape[0], 1, 1, -1, 1)
    # torch.gather(embs, dim=-2, index=idx.expand(*embs.shape[:3], N, C))
    idx_exp = jnp.broadcast_to(idx, embs.shape[:3] + (idx.shape[-2], embs.shape[-1]))
    embs = jnp.take_along_axis(embs, idx_exp, axis=-2)
    # IdentityLayer: no-op
    # final view: [*embs.shape[:3], -1, C] (already that shape)
    embs = embs.reshape(embs.shape[0], embs.shape[1], embs.shape[2], -1, embs.shape[-1])
    return embs

if __name__ == "__main__":
    import jax
    _d = setup_inputs()
    print(jax.jit(kernel)(*tuple(_d.values())))

</pallas_src>

<mosaic_0001>
#map = affine_map<(d0, d1) -> (0, 0)>
#map1 = affine_map<(d0, d1) -> (0)>
#map2 = affine_map<(d0, d1) -> (0, 0, 0)>
module attributes {stable_mosaic.version = 14 : i64} {
  func.func @k(%arg0: i32, %arg1: i32, %arg2: memref<200000x128xf32, #tpu.memory_space<hbm>>, %arg3: memref<50000xi32, #tpu.memory_space<hbm>>, %arg4: memref<2x16xi32, #tpu.memory_space<hbm>>, %arg5: memref<2x50000x128xf32, #tpu.memory_space<hbm>>, %arg6: memref<1568xi32, #tpu.memory_space<vmem>>, %arg7: memref<28x112xi32, #tpu.memory_space<vmem>>, %arg8: memref<2x16xi32, #tpu.memory_space<vmem>>, %arg9: memref<7x112x128xf32, #tpu.memory_space<vmem>>, %arg10: memref<!tpu.dma_semaphore, #tpu.memory_space<semaphore_mem>>, %arg11: memref<!tpu.dma_semaphore, #tpu.memory_space<semaphore_mem>>, %arg12: memref<!tpu.dma_semaphore, #tpu.memory_space<semaphore_mem>>, %arg13: memref<!tpu.dma_semaphore, #tpu.memory_space<semaphore_mem>>, %arg14: memref<!tpu.dma_semaphore, #tpu.memory_space<semaphore_mem>>, %arg15: memref<!tpu.dma_semaphore, #tpu.memory_space<semaphore_mem>>, %arg16: memref<!tpu.dma_semaphore, #tpu.memory_space<semaphore_mem>>, %arg17: memref<!tpu.dma_semaphore, #tpu.memory_space<semaphore_mem>>, %arg18: memref<!tpu.dma_semaphore, #tpu.memory_space<semaphore_mem>>, %arg19: memref<!tpu.dma_semaphore, #tpu.memory_space<semaphore_mem>>, %arg20: memref<!tpu.dma_semaphore, #tpu.memory_space<semaphore_mem>>, %arg21: memref<!tpu.dma_semaphore, #tpu.memory_space<semaphore_mem>>, %arg22: memref<!tpu.dma_semaphore, #tpu.memory_space<semaphore_mem>>, %arg23: memref<!tpu.dma_semaphore, #tpu.memory_space<semaphore_mem>>) attributes {dimension_semantics = [#tpu.dimension_semantics<core_parallel>, #tpu.dimension_semantics<subcore_parallel>], iteration_bounds = array<i64: 2, 16>, scalar_prefetch = 0 : i64, scratch_operands = 18 : i64, tpu.core_type = #tpu.core_type<sc_vector_subcore>, window_params = [{transform_indices = #map}, {transform_indices = #map1}, {transform_indices = #map}, {transform_indices = #map2}]} {
    %mul3A = arith.constant 2 : i32
    %mul3A_0 = arith.muli %arg1, %mul3A : i32
    %add3A = arith.addi %mul3A_0, %arg0 : i32
    %mul3A_1 = arith.constant 1568 : i32
    %mul3A_2 = arith.muli %add3A, %mul3A_1 : i32
    %min3A = arith.constant 48432 : i32
    %min3A_3 = arith.minsi %mul3A_2, %min3A : i32
    "tpu.region"() ({
      %run_scoped3A = tpu.sem_alloc : memref<!tpu.dma_semaphore, #tpu.memory_space<semaphore_mem>>
      %dma_start3A_1943 = tpu.memref_slice %arg3[%min3A_3] : memref<50000xi32, #tpu.memory_space<hbm>> -> memref<1568xi32, #tpu.memory_space<hbm>>
      %dma_start3A_1944 = tpu.memref_slice %arg3[%min3A_3] : memref<50000xi32, #tpu.memory_space<hbm>> -> memref<1568xi32, #tpu.memory_space<hbm>>
      tpu.enqueue_dma source(%dma_start3A_1944 : memref<1568xi32, #tpu.memory_space<hbm>>) target(%arg6 : memref<1568xi32, #tpu.memory_space<vmem>>) target_semaphore(%run_scoped3A : memref<!tpu.dma_semaphore, #tpu.memory_space<semaphore_mem>>)
      %dma_wait3A_1945 = tpu.memref_slice %arg3[%min3A_3] : memref<50000xi32, #tpu.memory_space<hbm>> -> memref<1568xi32, #tpu.memory_space<hbm>>
      %dma_wait3A_1946 = tpu.memref_slice %arg3[%min3A_3] : memref<50000xi32, #tpu.memory_space<hbm>> -> memref<1568xi32, #tpu.memory_space<hbm>>
      tpu.wait_dma2 semaphore(%run_scoped3A : memref<!tpu.dma_semaphore, #tpu.memory_space<semaphore_mem>>) src(%dma_wait3A_1946 : memref<1568xi32, #tpu.memory_space<hbm>>) dst(%arg6 : memref<1568xi32, #tpu.memory_space<vmem>>)
      tpu.yield
    }) : () -> ()
    "tpu.region"() ({
      %run_scoped3A = tpu.sem_alloc : memref<!tpu.dma_semaphore, #tpu.memory_space<semaphore_mem>>
      tpu.enqueue_dma source(%arg4 : memref<2x16xi32, #tpu.memory_space<hbm>>) target(%arg8 : memref<2x16xi32, #tpu.memory_space<vmem>>) target_semaphore(%run_scoped3A : memref<!tpu.dma_semaphore, #tpu.memory_space<semaphore_mem>>)
      tpu.wait_dma2 semaphore(%run_scoped3A : memref<!tpu.dma_semaphore, #tpu.memory_space<semaphore_mem>>) src(%arg4 : memref<2x16xi32, #tpu.memory_space<hbm>>) dst(%arg8 : memref<2x16xi32, #tpu.memory_space<vmem>>)
      tpu.yield
    }) : () -> ()
    %get3A = arith.constant 0 : i32
    %get3A_4 = arith.index_cast %get3A : i32 to index
    %get3A_5 = arith.constant 0 : index
    %get3A_6 = tpu.vector_load %arg8[%get3A_4, %get3A_5] {strides = array<i32>} : memref<2x16xi32, #tpu.memory_space<vmem>>, vector<1x16xi32>,
    %get3A_7 = vector.shape_cast %get3A_6 : vector<1x16xi32> to vector<16xi32>
    %get3A_8 = arith.constant 0 : index
    %get3A_9 = tpu.vector_load %arg6[%get3A_8] {strides = array<i32>} : memref<1568xi32, #tpu.memory_space<vmem>>, vector<16xi32>,
    %get3A_10 = vector.shape_cast %get3A_9 : vector<16xi32> to vector<16xi32>
    %add3A_11 = arith.addi %get3A_10, %get3A_7 : vector<16xi32>
    %swap3A = arith.constant 0 : i32
    %swap3A_12 = arith.index_cast %swap3A : i32 to index
    %swap3A_13 = arith.constant 0 : index
    %swap3A_14 = tpu.vector_load %arg7[%swap3A_12, %swap3A_13] {strides = array<i32>} : memref<28x112xi32, #tpu.memory_space<vmem>>, vector<1x16xi32>,
    %swap3A_15 = vector.shape_cast %swap3A_14 : vector<1x16xi32> to vector<16xi32>
    %swap3A_16 = vector.shape_cast %add3A_11 : vector<16xi32> to vector<1x16xi32>
    tpu.vector_store %arg7[%swap3A_12, %swap3A_13], %swap3A_16 {strides = array<i32>} : memref<28x112xi32, #tpu.memory_space<vmem>>, vector<1x16xi32>,
    %get3A_17 = arith.constant 16 : index
    %get3A_18 = tpu.vector_load %arg6[%get3A_17] {strides = array<i32>} : memref<1568xi32, #tpu.memory_space<vmem>>, vector<16xi32>,
    %get3A_19 = vector.shape_cast %get3A_18 : vector<16xi32> to vector<16xi32>
    %add3A_20 = arith.addi %get3A_19, %get3A_7 : vector<16xi32>
    %swap3A_21 = arith.constant 0 : i32
    %swap3A_22 = arith.index_cast %swap3A_21 : i32 to index
    %swap3A_23 = arith.constant 16 : index
    %swap3A_24 = tpu.vector_load %arg7[%swap3A_22, %swap3A_23] {strides = array<i32>} : memref<28x112xi32, #tpu.memory_space<vmem>>, vector<1x16xi32>,
    %swap3A_25 = vector.shape_cast %swap3A_24 : vector<1x16xi32> to vector<16xi32>
    %swap3A_26 = vector.shape_cast %add3A_20 : vector<16xi32> to vector<1x16xi32>
    tpu.vector_store %arg7[%swap3A_22, %swap3A_23], %swap3A_26 {strides = array<i32>} : memref<28x112xi32, #tpu.memory_space<vmem>>, vector<1x16xi32>,
    %get3A_27 = arith.constant 32 : index
    %get3A_28 = tpu.vector_load %arg6[%get3A_27] {strides = array<i32>} : memref<1568xi32, #tpu.memory_space<vmem>>, vector<16xi32>,
    %get3A_29 = vector.shape_cast %get3A_28 : vector<16xi32> to vector<16xi32>
    %add3A_30 = arith.addi %get3A_29, %get3A_7 : vector<16xi32>
    %swap3A_31 = arith.constant 0 : i32
    %swap3A_32 = arith.index_cast %swap3A_31 : i32 to index
    %swap3A_33 = arith.constant 32 : index
    %swap3A_34 = tpu.vector_load %arg7[%swap3A_32, %swap3A_33] {strides = array<i32>} : memref<28x112xi32, #tpu.memory_space<vmem>>, vector<1x16xi32>,
    %swap3A_35 = vector.shape_cast %swap3A_34 : vector<1x16xi32> to vector<16xi32>
    %swap3A_36 = vector.shape_cast %add3A_30 : vector<16xi32> to vector<1x16xi32>
    tpu.vector_store %arg7[%swap3A_32, %swap3A_33], %swap3A_36 {strides = array<i32>} : memref<28x112xi32, #tpu.memory_space<vmem>>, vector<1x16xi32>,
    %get3A_37 = arith.constant 48 : index
    %get3A_38 = tpu.vector_load %arg6[%get3A_37] {strides = array<i32>} : memref<1568xi32, #tpu.memory_space<vmem>>, vector<16xi32>,
    %get3A_39 = vector.shape_cast %get3A_38 : vector<16xi32> to vector<16xi32>
    %add3A_40 = arith.addi %get3A_39, %get3A_7 : vector<16xi32>
    %swap3A_41 = arith.constant 0 : i32
    %swap3A_42 = arith.index_cast %swap3A_41 : i32 to index
    %swap3A_43 = arith.constant 48 : index
    %swap3A_44 = tpu.vector_load %arg7[%swap3A_42, %swap3A_43] {strides = array<i32>} : memref<28x112xi32, #tpu.memory_space<vmem>>, vector<1x16xi32>,
    %swap3A_45 = vector.shape_cast %swap3A_44 : vector<1x16xi32> to vector<16xi32>
    %swap3A_46 = vector.shape_cast %add3A_40 : vector<16xi32> to vector<1x16xi32>
    tpu.vector_store %arg7[%swap3A_42, %swap3A_43], %swap3A_46 {strides = array<i32>} : memref<28x112xi32, #tpu.memory_space<vmem>>, vector<1x16xi32>,
    %get3A_47 = arith.constant 64 : index
    %get3A_48 = tpu.vector_load %arg6[%get3A_47] {strides = array<i32>} : memref<1568xi32, #tpu.memory_space<vmem>>, vector<16xi32>,
    %get3A_49 = vector.shape_cast %get3A_48 : vector<16xi32> to vector<16xi32>
    %add3A_50 = arith.addi %get3A_49, %get3A_7 : vector<16xi32>
    %swap3A_51 = arith.constant 0 : i32
    %swap3A_52 = arith.index_cast %swap3A_51 : i32 to index
    %swap3A_53 = arith.constant 64 : index
    %swap3A_54 = tpu.vector_load %arg7[%swap3A_52, %swap3A_53] {strides = array<i32>} : memref<28x112xi32, #tpu.memory_space<vmem>>, vector<1x16xi32>,
    %swap3A_55 = vector.shape_cast %swap3A_54 : vector<1x16xi32> to vector<16xi32>
    %swap3A_56 = vector.shape_cast %add3A_50 : vector<16xi32> to vector<1x16xi32>
    tpu.vector_store %arg7[%swap3A_52, %swap3A_53], %swap3A_56 {strides = array<i32>} : memref<28x112xi32, #tpu.memory_space<vmem>>, vector<1x16xi32>,
    %get3A_57 = arith.constant 80 : index
    %get3A_58 = tpu.vector_load %arg6[%get3A_57] {strides = array<i32>} : memref<1568xi32, #tpu.memory_space<vmem>>, vector<16xi32>,
    %get3A_59 = vector.shape_cast %get3A_58 : vector<16xi32> to vector<16xi32>
    %add3A_60 = arith.addi %get3A_59, %get3A_7 : vector<16xi32>
    %swap3A_61 = arith.constant 0 : i32
    %swap3A_62 = arith.index_cast %swap3A_61 : i32 to index
    %swap3A_63 = arith.constant 80 : index
    %swap3A_64 = tpu.vector_load %arg7[%swap3A_62, %swap3A_63] {strides = array<i32>} : memref<28x112xi32, #tpu.memory_space<vmem>>, vector<1x16xi32>,
    %swap3A_65 = vector.shape_cast %swap3A_64 : vector<1x16xi32> to vector<16xi32>
    %swap3A_66 = vector.shape_cast %add3A_60 : vector<16xi32> to vector<1x16xi32>
    tpu.vector_store %arg7[%swap3A_62, %swap3A_63], %swap3A_66 {strides = array<i32>} : memref<28x112xi32, #tpu.memory_space<vmem>>, vector<1x16xi32>,
    %get3A_67 = arith.constant 96 : index
    %get3A_68 = tpu.vector_load %arg6[%get3A_67] {strides = array<i32>} : memref<1568xi32, #tpu.memory_space<vmem>>, vector<16xi32>,
    %get3A_69 = vector.shape_cast %get3A_68 : vector<16xi32> to vector<16xi32>
    %add3A_70 = arith.addi %get3A_69, %get3A_7 : vector<16xi32>
    %swap3A_71 = arith.constant 0 : i32
    %swap3A_72 = arith.index_cast %swap3A_71 : i32 to index
    %swap3A_73 = arith.constant 96 : index
    %swap3A_74 = tpu.vector_load %arg7[%swap3A_72, %swap3A_73] {strides = array<i32>} : memref<28x112xi32, #tpu.memory_space<vmem>>, vector<1x16xi32>,
    %swap3A_75 = vector.shape_cast %swap3A_74 : vector<1x16xi32> to vector<16xi32>
    %swap3A_76 = vector.shape_cast %add3A_70 : vector<16xi32> to vector<1x16xi32>
    tpu.vector_store %arg7[%swap3A_72, %swap3A_73], %swap3A_76 {strides = array<i32>} : memref<28x112xi32, #tpu.memory_space<vmem>>, vector<1x16xi32>,
    %dma_start3A = arith.constant 0 : i32
    %dma_start3A_77 = arith.constant 0 : i32
    %dma_start3A_78 = arith.constant 0 : i32
    %dma_start3A_79 = arith.constant 0 : i32
    %dma_start3A_80 = tpu.memref_slice %arg9[%dma_start3A_77, %dma_start3A_78, %dma_start3A_79] : memref<7x112x128xf32, #tpu.memory_space<vmem>> -> memref<1x112x128xf32, #tpu.memory_space<vmem>>
    %dma_start3A_81 = tpu.memref_squeeze %dma_start3A_80 : memref<1x112x128xf32, #tpu.memory_space<vmem>> -> memref<112x128xf32, #tpu.memory_space<vmem>>
    %dma_start3A_82 = arith.constant 0 : i32
    %dma_start3A_83 = tpu.memref_slice %arg7[%dma_start3A, %dma_start3A_82] : memref<28x112xi32, #tpu.memory_space<vmem>> -> memref<1x112xi32, #tpu.memory_space<vmem>>
    %dma_start3A_84 = tpu.memref_squeeze %dma_start3A_83 : memref<1x112xi32, #tpu.memory_space<vmem>> -> memref<112xi32, #tpu.memory_space<vmem>>
    %dma_start3A_85 = arith.constant 0 : i32
    %dma_start3A_86 = arith.constant 0 : i32
    %dma_start3A_87 = tpu.memref_slice %arg2[%dma_start3A_85, %dma_start3A_86] : memref<200000x128xf32, #tpu.memory_space<hbm>> -> memref<200000x128xf32, #tpu.memory_space<hbm>>
    tpu.enqueue_indirect_dma source(%dma_start3A_87 : memref<200000x128xf32, #tpu.memory_space<hbm>>) target(%dma_start3A_81 : memref<112x128xf32, #tpu.memory_space<vmem>>) offsets(%dma_start3A_84 : memref<112xi32, #tpu.memory_space<vmem>>) semaphore(%arg10 : memref<!tpu.dma_semaphore, #tpu.memory_space<semaphore_mem>>)
    %get3A_88 = arith.constant 0 : i32
    %get3A_89 = arith.index_cast %get3A_88 : i32 to index
    %get3A_90 = arith.constant 0 : index
    %get3A_91 = tpu.vector_load %arg8[%get3A_89, %get3A_90] {strides = array<i32>} : memref<2x16xi32, #tpu.memory_space<vmem>>, vector<1x16xi32>,
    %get3A_92 = vector.shape_cast %get3A_91 : vector<1x16xi32> to vector<16xi32>
    %get3A_93 = arith.constant 112 : index
    %get3A_94 = tpu.vector_load %arg6[%get3A_93] {strides = array<i32>} : memref<1568xi32, #tpu.memory_space<vmem>>, vector<16xi32>,
    %get3A_95 = vector.shape_cast %get3A_94 : vector<16xi32> to vector<16xi32>
    %add3A_96 = arith.addi %get3A_95, %get3A_92 : vector<16xi32>
    %swap3A_97 = arith.constant 1 : i32
    %swap3A_98 = arith.index_cast %swap3A_97 : i32 to index
    %swap3A_99 = arith.constant 0 : index
    %swap3A_100 = tpu.vector_load %arg7[%swap3A_98, %swap3A_99] {strides = array<i32>} : memref<28x112xi32, #tpu.memory_space<vmem>>, vector<1x16xi32>,
    %swap3A_101 = vector.shape_cast %swap3A_100 : vector<1x16xi32> to vector<16xi32>
    %swap3A_102 = vector.shape_cast %add3A_96 : vector<16xi32> to vector<1x16xi32>
    tpu.vector_store %arg7[%swap3A_98, %swap3A_99], %swap3A_102 {strides = array<i32>} : memref<28x112xi32, #tpu.memory_space<vmem>>, vector<1x16xi32>,
    %get3A_103 = arith.constant 128 : index
    %get3A_104 = tpu.vector_load %arg6[%get3A_103] {strides = array<i32>} : memref<1568xi32, #tpu.memory_space<vmem>>, vector<16xi32>,
    %get3A_105 = vector.shape_cast %get3A_104 : vector<16xi32> to vector<16xi32>
    %add3A_106 = arith.addi %get3A_105, %get3A_92 : vector<16xi32>
    %swap3A_107 = arith.constant 1 : i32
    %swap3A_108 = arith.index_cast %swap3A_107 : i32 to index
    %swap3A_109 = arith.constant 16 : index
    %swap3A_110 = tpu.vector_load %arg7[%swap3A_108, %swap3A_109] {strides = array<i32>} : memref<28x112xi32, #tpu.memory_space<vmem>>, vector<1x16xi32>,
    %swap3A_111 = vector.shape_cast %swap3A_110 : vector<1x16xi32> to vector<16xi32>
    %swap3A_112 = vector.shape_cast %add3A_106 : vector<16xi32> to vector<1x16xi32>
    tpu.vector_store %arg7[%swap3A_108, %swap3A_109], %swap3A_112 {strides = array<i32>} : memref<28x112xi32, #tpu.memory_space<vmem>>, vector<1x16xi32>,
    %get3A_113 = arith.constant 144 : index
    %get3A_114 = tpu.vector_load %arg6[%get3A_113] {strides = array<i32>} : memref<1568xi32, #tpu.memory_space<vmem>>, vector<16xi32>,
    %get3A_115 = vector.shape_cast %get3A_114 : vector<16xi32> to vector<16xi32>
    %add3A_116 = arith.addi %get3A_115, %get3A_92 : vector<16xi32>
    %swap3A_117 = arith.constant 1 : i32
    %swap3A_118 = arith.index_cast %swap3A_117 : i32 to index
    %swap3A_119 = arith.constant 32 : index
    %swap3A_120 = tpu.vector_load %arg7[%swap3A_118, %swap3A_119] {strides = array<i32>} : memref<28x112xi32, #tpu.memory_space<vmem>>, vector<1x16xi32>,
    %swap3A_121 = vector.shape_cast %swap3A_120 : vector<1x16xi32> to vector<16xi32>
    %swap3A_122 = vector.shape_cast %add3A_116 : vector<16xi32> to vector<1x16xi32>
    tpu.vector_store %arg7[%swap3A_118, %swap3A_119], %swap3A_122 {strides = array<i32>} : memref<28x112xi32, #tpu.memory_space<vmem>>, vector<1x16xi32>,
    %get3A_123 = arith.constant 160 : index
    %get3A_124 = tpu.vector_load %arg6[%get3A_123] {strides = array<i32>} : memref<1568xi32, #tpu.memory_space<vmem>>, vector<16xi32>,
    %get3A_125 = vector.shape_cast %get3A_124 : vector<16xi32> to vector<16xi32>
    %add3A_126 = arith.addi %get3A_125, %get3A_92 : vector<16xi32>
    %swap3A_127 = arith.constant 1 : i32
    %swap3A_128 = arith.index_cast %swap3A_127 : i32 to index
    %swap3A_129 = arith.constant 48 : index
    %swap3A_130 = tpu.vector_load %arg7[%swap3A_128, %swap3A_129] {strides = array<i32>} : memref<28x112xi32, #tpu.memory_space<vmem>>, vector<1x16xi32>,
    %swap3A_131 = vector.shape_cast %swap3A_130 : vector<1x16xi32> to vector<16xi32>
    %swap3A_132 = vector.shape_cast %add3A_126 : vector<16xi32> to vector<1x16xi32>
    tpu.vector_store %arg7[%swap3A_128, %swap3A_129], %swap3A_132 {strides = array<i32>} : memref<28x112xi32, #tpu.memory_space<vmem>>, vector<1x16xi32>,
    %get3A_133 = arith.constant 176 : index
    %get3A_134 = tpu.vector_load %arg6[%get3A_133] {strides = array<i32>} : memref<1568xi32, #tpu.memory_space<vmem>>, vector<16xi32>,
    %get3A_135 = vector.shape_cast %get3A_134 : vector<16xi32> to vector<16xi32>
    %add3A_136 = arith.addi %get3A_135, %get3A_92 : vector<16xi32>
    %swap3A_137 = arith.constant 1 : i32
    %swap3A_138 = arith.index_cast %swap3A_137 : i32 to index
    %swap3A_139 = arith.constant 64 : index
    %swap3A_140 = tpu.vector_load %arg7[%swap3A_138, %swap3A_139] {strides = array<i32>} : memref<28x112xi32, #tpu.memory_space<vmem>>, vector<1x16xi32>,
    %swap3A_141 = vector.shape_cast %swap3A_140 : vector<1x16xi32> to vector<16xi32>
    %swap3A_142 = vector.shape_cast %add3A_136 : vector<16xi32> to vector<1x16xi32>
    tpu.vector_store %arg7[%swap3A_138, %swap3A_139], %swap3A_142 {strides = array<i32>} : memref<28x112xi32, #tpu.memory_space<vmem>>, vector<1x16xi32>,
    %get3A_143 = arith.constant 192 : index
    %get3A_144 = tpu.vector_load %arg6[%get3A_143] {strides = array<i32>} : memref<1568xi32, #tpu.memory_space<vmem>>, vector<16xi32>,
    %get3A_145 = vector.shape_cast %get3A_144 : vector<16xi32> to vector<16xi32>
    %add3A_146 = arith.addi %get3A_145, %get3A_92 : vector<16xi32>
    %swap3A_147 = arith.constant 1 : i32
    %swap3A_148 = arith.index_cast %swap3A_147 : i32 to index
    %swap3A_149 = arith.constant 80 : index
    %swap3A_150 = tpu.vector_load %arg7[%swap3A_148, %swap3A_149] {strides = array<i32>} : memref<28x112xi32, #tpu.memory_space<vmem>>, vector<1x16xi32>,
    %swap3A_151 = vector.shape_cast %swap3A_150 : vector<1x16xi32> to vector<16xi32>
    %swap3A_152 = vector.shape_cast %add3A_146 : vector<16xi32> to vector<1x16xi32>
    tpu.vector_store %arg7[%swap3A_148, %swap3A_149], %swap3A_152 {strides = array<i32>} : memref<28x112xi32, #tpu.memory_space<vmem>>, vector<1x16xi32>,
    %get3A_153 = arith.constant 208 : index
    %get3A_154 = tpu.vector_load %arg6[%get3A_153] {strides = array<i32>} : memref<1568xi32, #tpu.memory_space<vmem>>, vector<16xi32>,
    %get3A_155 = vector.shape_cast %get3A_154 : vector<16xi32> to vector<16xi32>
    %add3A_156 = arith.addi %get3A_155, %get3A_92 : vector<16xi32>
    %swap3A_157 = arith.constant 1 : i32
    %swap3A_158 = arith.index_cast %swap3A_157 : i32 to index
    %swap3A_159 = arith.constant 96 : index
    %swap3A_160 = tpu.vector_load %arg7[%swap3A_158, %swap3A_159] {strides = array<i32>} : memref<28x112xi32, #tpu.memory_space<vmem>>, vector<1x16xi32>,
    %swap3A_161 = vector.shape_cast %swap3A_160 : vector<1x16xi32> to vector<16xi32>
    %swap3A_162 = vector.shape_cast %add3A_156 : vector<16xi32> to vector<1x16xi32>
    tpu.vector_store %arg7[%swap3A_158, %swap3A_159], %swap3A_162 {strides = array<i32>} : memref<28x112xi32, #tpu.memory_space<vmem>>, vector<1x16xi32>,
    %dma_start3A_163 = arith.constant 1 : i32
    %dma_start3A_164 = arith.constant 1 : i32
    %dma_start3A_165 = arith.constant 0 : i32
    %dma_start3A_166 = arith.constant 0 : i32
    %dma_start3A_167 = tpu.memref_slice %arg9[%dma_start3A_164, %dma_start3A_165, %dma_start3A_166] : memref<7x112x128xf32, #tpu.memory_space<vmem>> -> memref<1x112x128xf32, #tpu.memory_space<vmem>>
    %dma_start3A_168 = tpu.memref_squeeze %dma_start3A_167 : memref<1x112x128xf32, #tpu.memory_space<vmem>> -> memref<112x128xf32, #tpu.memory_space<vmem>>
    %dma_start3A_169 = arith.constant 0 : i32
    %dma_start3A_170 = tpu.memref_slice %arg7[%dma_start3A_163, %dma_start3A_169] : memref<28x112xi32, #tpu.memory_space<vmem>> -> memref<1x112xi32, #tpu.memory_space<vmem>>
    %dma_start3A_171 = tpu.memref_squeeze %dma_start3A_170 : memref<1x112xi32, #tpu.memory_space<vmem>> -> memref<112xi32, #tpu.memory_space<vmem>>
    %dma_start3A_172 = arith.constant 0 : i32
    %dma_start3A_173 = arith.constant 0 : i32
    %dma_start3A_174 = tpu.memref_slice %arg2[%dma_start3A_172, %dma_start3A_173] : memref<200000x128xf32, #tpu.memory_space<hbm>> -> memref<200000x128xf32, #tpu.memory_space<hbm>>
    tpu.enqueue_indirect_dma source(%dma_start3A_174 : memref<200000x128xf32, #tpu.memory_space<hbm>>) target(%dma_start3A_168 : memref<112x128xf32, #tpu.memory_space<vmem>>) offsets(%dma_start3A_171 : memref<112xi32, #tpu.memory_space<vmem>>) semaphore(%arg11 : memref<!tpu.dma_semaphore, #tpu.memory_space<semaphore_mem>>)
    %get3A_175 = arith.constant 0 : i32
    %get3A_176 = arith.index_cast %get3A_175 : i32 to index
    %get3A_177 = arith.constant 0 : index
    %get3A_178 = tpu.vector_load %arg8[%get3A_176, %get3A_177] {strides = array<i32>} : memref<2x16xi32, #tpu.memory_space<vmem>>, vector<1x16xi32>,
    %get3A_179 = vector.shape_cast %get3A_178 : vector<1x16xi32> to vector<16xi32>
    %get3A_180 = arith.constant 224 : index
    %get3A_181 = tpu.vector_load %arg6[%get3A_180] {strides = array<i32>} : memref<1568xi32, #tpu.memory_space<vmem>>, vector<16xi32>,
    %get3A_182 = vector.shape_cast %get3A_181 : vector<16xi32> to vector<16xi32>
    %add3A_183 = arith.addi %get3A_182, %get3A_179 : vector<16xi32>
    %swap3A_184 = arith.constant 2 : i32
    %swap3A_185 = arith.index_cast %swap3A_184 : i32 to index
    %swap3A_186 = arith.constant 0 : index
    %swap3A_187 = tpu.vector_load %arg7[%swap3A_185, %swap3A_186] {strides = array<i32>} : memref<28x112xi32, #tpu.memory_space<vmem>>, vector<1x16xi32>,
    %swap3A_188 = vector.shape_cast %swap3A_187 : vector<1x16xi32> to vector<16xi32>
    %swap3A_189 = vector.shape_cast %add3A_183 : vector<16xi32> to vector<1x16xi32>
    tpu.vector_store %arg7[%swap3A_185, %swap3A_186], %swap3A_189 {strides = array<i32>} : memref<28x112xi32, #tpu.memory_space<vmem>>, vector<1x16xi32>,
    %get3A_190 = arith.constant 240 : index
    %get3A_191 = tpu.vector_load %arg6[%get3A_190] {strides = array<i32>} : memref<1568xi32, #tpu.memory_space<vmem>>, vector<16xi32>,
    %get3A_192 = vector.shape_cast %get3A_191 : vector<16xi32> to vector<16xi32>
    %add3A_193 = arith.addi %get3A_192, %get3A_179 : vector<16xi32>
    %swap3A_194 = arith.constant 2 : i32
    %swap3A_195 = arith.index_cast %swap3A_194 : i32 to index
    %swap3A_196 = arith.constant 16 : index
    %swap3A_197 = tpu.vector_load %arg7[%swap3A_195, %swap3A_196] {strides = array<i32>} : memref<28x112xi32, #tpu.memory_space<vmem>>, vector<1x16xi32>,
    %swap3A_198 = vector.shape_cast %swap3A_197 : vector<1x16xi32> to vector<16xi32>
    %swap3A_199 = vector.shape_cast %add3A_193 : vector<16xi32> to vector<1x16xi32>
    tpu.vector_store %arg7[%swap3A_195, %swap3A_196], %swap3A_199 {strides = array<i32>} : memref<28x112xi32, #tpu.memory_space<vmem>>, vector<1x16xi32>,
    %get3A_200 = arith.constant 256 : index
    %get3A_201 = tpu.vector_load %arg6[%get3A_200] {strides = array<i32>} : memref<1568xi32, #tpu.memory_space<vmem>>, vector<16xi32>,
    %get3A_202 = vector.shape_cast %get3A_201 : vector<16xi32> to vector<16xi32>
    %add3A_203 = arith.addi %get3A_202, %get3A_179 : vector<16xi32>
    %swap3A_204 = arith.constant 2 : i32
    %swap3A_205 = arith.index_cast %swap3A_204 : i32 to index
    %swap3A_206 = arith.constant 32 : index
    %swap3A_207 = tpu.vector_load %arg7[%swap3A_205, %swap3A_206] {strides = array<i32>} : memref<28x112xi32, #tpu.memory_space<vmem>>, vector<1x16xi32>,
    %swap3A_208 = vector.shape_cast %swap3A_207 : vector<1x16xi32> to vector<16xi32>
    %swap3A_209 = vector.shape_cast %add3A_203 : vector<16xi32> to vector<1x16xi32>
    tpu.vector_store %arg7[%swap3A_205, %swap3A_206], %swap3A_209 {strides = array<i32>} : memref<28x112xi32, #tpu.memory_space<vmem>>, vector<1x16xi32>,
    %get3A_210 = arith.constant 272 : index
    %get3A_211 = tpu.vector_load %arg6[%get3A_210] {strides = array<i32>} : memref<1568xi32, #tpu.memory_space<vmem>>, vector<16xi32>,
    %get3A_212 = vector.shape_cast %get3A_211 : vector<16xi32> to vector<16xi32>
    %add3A_213 = arith.addi %get3A_212, %get3A_179 : vector<16xi32>
    %swap3A_214 = arith.constant 2 : i32
    %swap3A_215 = arith.index_cast %swap3A_214 : i32 to index
    %swap3A_216 = arith.constant 48 : index
    %swap3A_217 = tpu.vector_load %arg7[%swap3A_215, %swap3A_216] {strides = array<i32>} : memref<28x112xi32, #tpu.memory_space<vmem>>, vector<1x16xi32>,
    %swap3A_218 = vector.shape_cast %swap3A_217 : vector<1x16xi32> to vector<16xi32>
    %swap3A_219 = vector.shape_cast %add3A_213 : vector<16xi32> to vector<1x16xi32>
    tpu.vector_store %arg7[%swap3A_215, %swap3A_216], %swap3A_219 {strides = array<i32>} : memref<28x112xi32, #tpu.memory_space<vmem>>, vector<1x16xi32>,
    %get3A_220 = arith.constant 288 : index
    %get3A_221 = tpu.vector_load %arg6[%get3A_220] {strides = array<i32>} : memref<1568xi32, #tpu.memory_space<vmem>>, vector<16xi32>,
    %get3A_222 = vector.shape_cast %get3A_221 : vector<16xi32> to vector<16xi32>
    %add3A_223 = arith.addi %get3A_222, %get3A_179 : vector<16xi32>
    %swap3A_224 = arith.constant 2 : i32
    %swap3A_225 = arith.index_cast %swap3A_224 : i32 to index
    %swap3A_226 = arith.constant 64 : index
    %swap3A_227 = tpu.vector_load %arg7[%swap3A_225, %swap3A_226] {strides = array<i32>} : memref<28x112xi32, #tpu.memory_space<vmem>>, vector<1x16xi32>,
    %swap3A_228 = vector.shape_cast %swap3A_227 : vector<1x16xi32> to vector<16xi32>
    %swap3A_229 = vector.shape_cast %add3A_223 : vector<16xi32> to vector<1x16xi32>
    tpu.vector_store %arg7[%swap3A_225, %swap3A_226], %swap3A_229 {strides = array<i32>} : memref<28x112xi32, #tpu.memory_space<vmem>>, vector<1x16xi32>,
    %get3A_230 = arith.constant 304 : index
    %get3A_231 = tpu.vector_load %arg6[%get3A_230] {strides = array<i32>} : memref<1568xi32, #tpu.memory_space<vmem>>, vector<16xi32>,
    %get3A_232 = vector.shape_cast %get3A_231 : vector<16xi32> to vector<16xi32>
    %add3A_233 = arith.addi %get3A_232, %get3A_179 : vector<16xi32>
    %swap3A_234 = arith.constant 2 : i32
    %swap3A_235 = arith.index_cast %swap3A_234 : i32 to index
    %swap3A_236 = arith.constant 80 : index
    %swap3A_237 = tpu.vector_load %arg7[%swap3A_235, %swap3A_236] {strides = array<i32>} : memref<28x112xi32, #tpu.memory_space<vmem>>, vector<1x16xi32>,
    %swap3A_238 = vector.shape_cast %swap3A_237 : vector<1x16xi32> to vector<16xi32>
    %swap3A_239 = vector.shape_cast %add3A_233 : vector<16xi32> to vector<1x16xi32>
    tpu.vector_store %arg7[%swap3A_235, %swap3A_236], %swap3A_239 {strides = array<i32>} : memref<28x112xi32, #tpu.memory_space<vmem>>, vector<1x16xi32>,
    %get3A_240 = arith.constant 320 : index
    %get3A_241 = tpu.vector_load %arg6[%get3A_240] {strides = array<i32>} : memref<1568xi32, #tpu.memory_space<vmem>>, vector<16xi32>,
    %get3A_242 = vector.shape_cast %get3A_241 : vector<16xi32> to vector<16xi32>
    %add3A_243 = arith.addi %get3A_242, %get3A_179 : vector<16xi32>
    %swap3A_244 = arith.constant 2 : i32
    %swap3A_245 = arith.index_cast %swap3A_244 : i32 to index
    %swap3A_246 = arith.constant 96 : index
    %swap3A_247 = tpu.vector_load %arg7[%swap3A_245, %swap3A_246] {strides = array<i32>} : memref<28x112xi32, #tpu.memory_space<vmem>>, vector<1x16xi32>,
    %swap3A_248 = vector.shape_cast %swap3A_247 : vector<1x16xi32> to vector<16xi32>
    %swap3A_249 = vector.shape_cast %add3A_243 : vector<16xi32> to vector<1x16xi32>
    tpu.vector_store %arg7[%swap3A_245, %swap3A_246], %swap3A_249 {strides = array<i32>} : memref<28x112xi32, #tpu.memory_space<vmem>>, vector<1x16xi32>,
    %dma_start3A_250 = arith.constant 2 : i32
    %dma_start3A_251 = arith.constant 2 : i32
    %dma_start3A_252 = arith.constant 0 : i32
    %dma_start3A_253 = arith.constant 0 : i32
    %dma_start3A_254 = tpu.memref_slice %arg9[%dma_start3A_251, %dma_start3A_252, %dma_start3A_253] : memref<7x112x128xf32, #tpu.memory_space<vmem>> -> memref<1x112x128xf32, #tpu.memory_space<vmem>>
    %dma_start3A_255 = tpu.memref_squeeze %dma_start3A_254 : memref<1x112x128xf32, #tpu.memory_space<vmem>> -> memref<112x128xf32, #tpu.memory_space<vmem>>
    %dma_start3A_256 = arith.constant 0 : i32
    %dma_start3A_257 = tpu.memref_slice %arg7[%dma_start3A_250, %dma_start3A_256] : memref<28x112xi32, #tpu.memory_space<vmem>> -> memref<1x112xi32, #tpu.memory_space<vmem>>
    %dma_start3A_258 = tpu.memref_squeeze %dma_start3A_257 : memref<1x112xi32, #tpu.memory_space<vmem>> -> memref<112xi32, #tpu.memory_space<vmem>>
    %dma_start3A_259 = arith.constant 0 : i32
    %dma_start3A_260 = arith.constant 0 : i32
    %dma_start3A_261 = tpu.memref_slice %arg2[%dma_start3A_259, %dma_start3A_260] : memref<200000x128xf32, #tpu.memory_space<hbm>> -> memref<200000x128xf32, #tpu.memory_space<hbm>>
    tpu.enqueue_indirect_dma source(%dma_start3A_261 : memref<200000x128xf32, #tpu.memory_space<hbm>>) target(%dma_start3A_255 : memref<112x128xf32, #tpu.memory_space<vmem>>) offsets(%dma_start3A_258 : memref<112xi32, #tpu.memory_space<vmem>>) semaphore(%arg12 : memref<!tpu.dma_semaphore, #tpu.memory_space<semaphore_mem>>)
    %get3A_262 = arith.constant 0 : i32
    %get3A_263 = arith.index_cast %get3A_262 : i32 to index
    %get3A_264 = arith.constant 0 : index
    %get3A_265 = tpu.vector_load %arg8[%get3A_263, %get3A_264] {strides = array<i32>} : memref<2x16xi32, #tpu.memory_space<vmem>>, vector<1x16xi32>,
    %get3A_266 = vector.shape_cast %get3A_265 : vector<1x16xi32> to vector<16xi32>
    %get3A_267 = arith.constant 336 : index
    %get3A_268 = tpu.vector_load %arg6[%get3A_267] {strides = array<i32>} : memref<1568xi32, #tpu.memory_space<vmem>>, vector<16xi32>,
    %get3A_269 = vector.shape_cast %get3A_268 : vector<16xi32> to vector<16xi32>
    %add3A_270 = arith.addi %get3A_269, %get3A_266 : vector<16xi32>
    %swap3A_271 = arith.constant 3 : i32
    %swap3A_272 = arith.index_cast %swap3A_271 : i32 to index
    %swap3A_273 = arith.constant 0 : index
    %swap3A_274 = tpu.vector_load %arg7[%swap3A_272, %swap3A_273] {strides = array<i32>} : memref<28x112xi32, #tpu.memory_space<vmem>>, vector<1x16xi32>,
    %swap3A_275 = vector.shape_cast %swap3A_274 : vector<1x16xi32> to vector<16xi32>
    %swap3A_276 = vector.shape_cast %add3A_270 : vector<16xi32> to vector<1x16xi32>
    tpu.vector_store %arg7[%swap3A_272, %swap3A_273], %swap3A_276 {strides = array<i32>} : memref<28x112xi32, #tpu.memory_space<vmem>>, vector<1x16xi32>,
    %get3A_277 = arith.constant 352 : index
    %get3A_278 = tpu.vector_load %arg6[%get3A_277] {strides = array<i32>} : memref<1568xi32, #tpu.memory_space<vmem>>, vector<16xi32>,
    %get3A_279 = vector.shape_cast %get3A_278 : vector<16xi32> to vector<16xi32>
    %add3A_280 = arith.addi %get3A_279, %get3A_266 : vector<16xi32>
    %swap3A_281 = arith.constant 3 : i32
    %swap3A_282 = arith.index_cast %swap3A_281 : i32 to index
    %swap3A_283 = arith.constant 16 : index
    %swap3A_284 = tpu.vector_load %arg7[%swap3A_282, %swap3A_283] {strides = array<i32>} : memref<28x112xi32, #tpu.memory_space<vmem>>, vector<1x16xi32>,
    %swap3A_285 = vector.shape_cast %swap3A_284 : vector<1x16xi32> to vector<16xi32>
    %swap3A_286 = vector.shape_cast %add3A_280 : vector<16xi32> to vector<1x16xi32>
    tpu.vector_store %arg7[%swap3A_282, %swap3A_283], %swap3A_286 {strides = array<i32>} : memref<28x112xi32, #tpu.memory_space<vmem>>, vector<1x16xi32>,
    %get3A_287 = arith.constant 368 : index
    %get3A_288 = tpu.vector_load %arg6[%get3A_287] {strides = array<i32>} : memref<1568xi32, #tpu.memory_space<vmem>>, vector<16xi32>,
    %get3A_289 = vector.shape_cast %get3A_288 : vector<16xi32> to vector<16xi32>
    %add3A_290 = arith.addi %get3A_289, %get3A_266 : vector<16xi32>
    %swap3A_291 = arith.constant 3 : i32
    %swap3A_292 = arith.index_cast %swap3A_291 : i32 to index
    %swap3A_293 = arith.constant 32 : index
    %swap3A_294 = tpu.vector_load %arg7[%swap3A_292, %swap3A_293] {strides = array<i32>} : memref<28x112xi32, #tpu.memory_space<vmem>>, vector<1x16xi32>,
    %swap3A_295 = vector.shape_cast %swap3A_294 : vector<1x16xi32> to vector<16xi32>
    %swap3A_296 = vector.shape_cast %add3A_290 : vector<16xi32> to vector<1x16xi32>
    tpu.vector_store %arg7[%swap3A_292, %swap3A_293], %swap3A_296 {strides = array<i32>} : memref<28x112xi32, #tpu.memory_space<vmem>>, vector<1x16xi32>,
    %get3A_297 = arith.constant 384 : index
    %get3A_298 = tpu.vector_load %arg6[%get3A_297] {strides = array<i32>} : memref<1568xi32, #tpu.memory_space<vmem>>, vector<16xi32>,
    %get3A_299 = vector.shape_cast %get3A_298 : vector<16xi32> to vector<16xi32>
    %add3A_300 = arith.addi %get3A_299, %get3A_266 : vector<16xi32>
    %swap3A_301 = arith.constant 3 : i32
    %swap3A_302 = arith.index_cast %swap3A_301 : i32 to index
    %swap3A_303 = arith.constant 48 : index
    %swap3A_304 = tpu.vector_load %arg7[%swap3A_302, %swap3A_303] {strides = array<i32>} : memref<28x112xi32, #tpu.memory_space<vmem>>, vector<1x16xi32>,
    %swap3A_305 = vector.shape_cast %swap3A_304 : vector<1x16xi32> to vector<16xi32>
    %swap3A_306 = vector.shape_cast %add3A_300 : vector<16xi32> to vector<1x16xi32>
    tpu.vector_store %arg7[%swap3A_302, %swap3A_303], %swap3A_306 {strides = array<i32>} : memref<28x112xi32, #tpu.memory_space<vmem>>, vector<1x16xi32>,
    %get3A_307 = arith.constant 400 : index
    %get3A_308 = tpu.vector_load %arg6[%get3A_307] {strides = array<i32>} : memref<1568xi32, #tpu.memory_space<vmem>>, vector<16xi32>,
    %get3A_309 = vector.shape_cast %get3A_308 : vector<16xi32> to vector<16xi32>
    %add3A_310 = arith.addi %get3A_309, %get3A_266 : vector<16xi32>
    %swap3A_311 = arith.constant 3 : i32
    %swap3A_312 = arith.index_cast %swap3A_311 : i32 to index
    %swap3A_313 = arith.constant 64 : index
    %swap3A_314 = tpu.vector_load %arg7[%swap3A_312, %swap3A_313] {strides = array<i32>} : memref<28x112xi32, #tpu.memory_space<vmem>>, vector<1x16xi32>,
    %swap3A_315 = vector.shape_cast %swap3A_314 : vector<1x16xi32> to vector<16xi32>
    %swap3A_316 = vector.shape_cast %add3A_310 : vector<16xi32> to vector<1x16xi32>
    tpu.vector_store %arg7[%swap3A_312, %swap3A_313], %swap3A_316 {strides = array<i32>} : memref<28x112xi32, #tpu.memory_space<vmem>>, vector<1x16xi32>,
    %get3A_317 = arith.constant 416 : index
    %get3A_318 = tpu.vector_load %arg6[%get3A_317] {strides = array<i32>} : memref<1568xi32, #tpu.memory_space<vmem>>, vector<16xi32>,
    %get3A_319 = vector.shape_cast %get3A_318 : vector<16xi32> to vector<16xi32>
    %add3A_320 = arith.addi %get3A_319, %get3A_266 : vector<16xi32>
    %swap3A_321 = arith.constant 3 : i32
    %swap3A_322 = arith.index_cast %swap3A_321 : i32 to index
    %swap3A_323 = arith.constant 80 : index
    %swap3A_324 = tpu.vector_load %arg7[%swap3A_322, %swap3A_323] {strides = array<i32>} : memref<28x112xi32, #tpu.memory_space<vmem>>, vector<1x16xi32>,
    %swap3A_325 = vector.shape_cast %swap3A_324 : vector<1x16xi32> to vector<16xi32>
    %swap3A_326 = vector.shape_cast %add3A_320 : vector<16xi32> to vector<1x16xi32>
    tpu.vector_store %arg7[%swap3A_322, %swap3A_323], %swap3A_326 {strides = array<i32>} : memref<28x112xi32, #tpu.memory_space<vmem>>, vector<1x16xi32>,
    %get3A_327 = arith.constant 432 : index
    %get3A_328 = tpu.vector_load %arg6[%get3A_327] {strides = array<i32>} : memref<1568xi32, #tpu.memory_space<vmem>>, vector<16xi32>,
    %get3A_329 = vector.shape_cast %get3A_328 : vector<16xi32> to vector<16xi32>
    %add3A_330 = arith.addi %get3A_329, %get3A_266 : vector<16xi32>
    %swap3A_331 = arith.constant 3 : i32
    %swap3A_332 = arith.index_cast %swap3A_331 : i32 to index
    %swap3A_333 = arith.constant 96 : index
    %swap3A_334 = tpu.vector_load %arg7[%swap3A_332, %swap3A_333] {strides = array<i32>} : memref<28x112xi32, #tpu.memory_space<vmem>>, vector<1x16xi32>,
    %swap3A_335 = vector.shape_cast %swap3A_334 : vector<1x16xi32> to vector<16xi32>
    %swap3A_336 = vector.shape_cast %add3A_330 : vector<16xi32> to vector<1x16xi32>
    tpu.vector_store %arg7[%swap3A_332, %swap3A_333], %swap3A_336 {strides = array<i32>} : memref<28x112xi32, #tpu.memory_space<vmem>>, vector<1x16xi32>,
    %dma_start3A_337 = arith.constant 3 : i32
    %dma_start3A_338 = arith.constant 3 : i32
    %dma_start3A_339 = arith.constant 0 : i32
    %dma_start3A_340 = arith.constant 0 : i32
    %dma_start3A_341 = tpu.memref_slice %arg9[%dma_start3A_338, %dma_start3A_339, %dma_start3A_340] : memref<7x112x128xf32, #tpu.memory_space<vmem>> -> memref<1x112x128xf32, #tpu.memory_space<vmem>>
    %dma_start3A_342 = tpu.memref_squeeze %dma_start3A_341 : memref<1x112x128xf32, #tpu.memory_space<vmem>> -> memref<112x128xf32, #tpu.memory_space<vmem>>
    %dma_start3A_343 = arith.constant 0 : i32
    %dma_start3A_344 = tpu.memref_slice %arg7[%dma_start3A_337, %dma_start3A_343] : memref<28x112xi32, #tpu.memory_space<vmem>> -> memref<1x112xi32, #tpu.memory_space<vmem>>
    %dma_start3A_345 = tpu.memref_squeeze %dma_start3A_344 : memref<1x112xi32, #tpu.memory_space<vmem>> -> memref<112xi32, #tpu.memory_space<vmem>>
    %dma_start3A_346 = arith.constant 0 : i32
    %dma_start3A_347 = arith.constant 0 : i32
    %dma_start3A_348 = tpu.memref_slice %arg2[%dma_start3A_346, %dma_start3A_347] : memref<200000x128xf32, #tpu.memory_space<hbm>> -> memref<200000x128xf32, #tpu.memory_space<hbm>>
    tpu.enqueue_indirect_dma source(%dma_start3A_348 : memref<200000x128xf32, #tpu.memory_space<hbm>>) target(%dma_start3A_342 : memref<112x128xf32, #tpu.memory_space<vmem>>) offsets(%dma_start3A_345 : memref<112xi32, #tpu.memory_space<vmem>>) semaphore(%arg13 : memref<!tpu.dma_semaphore, #tpu.memory_space<semaphore_mem>>)
    %get3A_349 = arith.constant 0 : i32
    %get3A_350 = arith.index_cast %get3A_349 : i32 to index
    %get3A_351 = arith.constant 0 : index
    %get3A_352 = tpu.vector_load %arg8[%get3A_350, %get3A_351] {strides = array<i32>} : memref<2x16xi32, #tpu.memory_space<vmem>>, vector<1x16xi32>,
    %get3A_353 = vector.shape_cast %get3A_352 : vector<1x16xi32> to vector<16xi32>
    %scan3A = arith.constant 0 : i32
    %scan3A_354 = arith.constant 70 : i32
    %scan3A_355 = arith.addi %scan3A, %scan3A_354 : i32
    %scan3A_356 = arith.constant 1 : i32
    scf.for %scan3A_1943 = %scan3A to %scan3A_355 step %scan3A_356  : i32 {
      %mul3A_1944 = arith.constant 16 : i32
      %mul3A_1945 = arith.muli %scan3A_1943, %mul3A_1944 : i32
      %add3A_1946 = arith.constant 448 : i32
      %add3A_1947 = arith.addi %add3A_1946, %mul3A_1945 : i32
      %add3A_1948 = arith.constant 28 : i32
      %add3A_1949 = arith.addi %add3A_1948, %scan3A_1943 : i32
      %jit3A = arith.constant 7 : i32
      %div3A = arith.divsi %add3A_1949, %jit3A : i32
      %sign3A = arith.constant 0 : i32
      %sign3A_1950 = arith.cmpi sgt, %add3A_1949, %sign3A : i32
      %sign3A_1951 = arith.extui %sign3A_1950 : i1 to i32
      %sign3A_1952 = arith.constant 0 : i32
      %sign3A_1953 = arith.cmpi slt, %add3A_1949, %sign3A_1952 : i32
      %sign3A_1954 = arith.extui %sign3A_1953 : i1 to i32
      %sign3A_1955 = arith.subi %sign3A_1951, %sign3A_1954 : i32
      %sign3A_1956 = arith.constant 0 : i32
      %sign3A_1957 = arith.cmpi sgt, %jit3A, %sign3A_1956 : i32
      %sign3A_1958 = arith.extui %sign3A_1957 : i1 to i32
      %sign3A_1959 = arith.constant 0 : i32
      %sign3A_1960 = arith.cmpi slt, %jit3A, %sign3A_1959 : i32
      %sign3A_1961 = arith.extui %sign3A_1960 : i1 to i32
      %sign3A_1962 = arith.subi %sign3A_1958, %sign3A_1961 : i32
      %ne3A = arith.cmpi ne, %sign3A_1955, %sign3A_1962 : i32
      %rem3A = arith.remsi %add3A_1949, %jit3A : i32
      %ne3A_1963 = arith.constant 0 : i32
      %ne3A_1964 = arith.cmpi ne, %rem3A, %ne3A_1963 : i32
      %and3A = arith.andi %ne3A, %ne3A_1964 : i1
      %sub3A = arith.constant 1 : i32
      %sub3A_1965 = arith.subi %div3A, %sub3A : i32
      %select_n3A = arith.select %and3A, %sub3A_1965, %div3A : i32
      %add3A_1966 = arith.constant 0 : i32
      %add3A_1967 = arith.addi %add3A_1966, %select_n3A : i32
      %add3A_1968 = arith.constant 28 : i32
      %add3A_1969 = arith.addi %add3A_1968, %scan3A_1943 : i32
      %jit3A_1970 = arith.constant 7 : i32
      %eq3A = arith.constant 0 : i32
      %eq3A_1971 = arith.cmpi eq, %jit3A_1970, %eq3A : i32
      %jit3A_1972 = arith.constant 1 : i32
      %select_n3A_1973 = arith.select %eq3A_1971, %jit3A_1972, %jit3A_1970 : i32
      %rem3A_1974 = arith.remsi %add3A_1969, %select_n3A_1973 : i32
      %ne3A_1975 = arith.constant 0 : i32
      %ne3A_1976 = arith.cmpi ne, %rem3A_1974, %ne3A_1975 : i32
      %lt3A = arith.constant 0 : i32
      %lt3A_1977 = arith.cmpi slt, %rem3A_1974, %lt3A : i32
      %lt3A_1978 = arith.constant 0 : i32
      %lt3A_1979 = arith.cmpi slt, %select_n3A_1973, %lt3A_1978 : i32
      %ne3A_1980 = arith.xori %lt3A_1977, %lt3A_1979 : i1
      %and3A_1981 = arith.andi %ne3A_1980, %ne3A_1976 : i1
      %add3A_1982 = arith.addi %rem3A_1974, %select_n3A_1973 : i32
      %select_n3A_1983 = arith.select %and3A_1981, %add3A_1982, %rem3A_1974 : i32
      %mul3A_1984 = arith.constant 16 : i32
      %mul3A_1985 = arith.muli %select_n3A_1983, %mul3A_1984 : i32
      %get3A_1986 = arith.index_cast %add3A_1947 : i32 to index
      %get3A_1987 = tpu.vector_load %arg6[%get3A_1986] {strides = array<i32>} : memref<1568xi32, #tpu.memory_space<vmem>>, vector<16xi32>,
      %get3A_1988 = vector.shape_cast %get3A_1987 : vector<16xi32> to vector<16xi32>
      %add3A_1989 = arith.addi %get3A_1988, %get3A_353 : vector<16xi32>
      %swap3A_1990 = arith.index_cast %add3A_1967 : i32 to index
      %swap3A_1991 = arith.index_cast %mul3A_1985 : i32 to index
      %swap3A_1992 = tpu.vector_load %arg7[%swap3A_1990, %swap3A_1991] {strides = array<i32>} : memref<28x112xi32, #tpu.memory_space<vmem>>, vector<1x16xi32>,
      %swap3A_1993 = vector.shape_cast %swap3A_1992 : vector<1x16xi32> to vector<16xi32>
      %swap3A_1994 = vector.shape_cast %add3A_1989 : vector<16xi32> to vector<1x16xi32>
      tpu.vector_store %arg7[%swap3A_1990, %swap3A_1991], %swap3A_1994 {strides = array<i32>} : memref<28x112xi32, #tpu.memory_space<vmem>>, vector<1x16xi32>,
    }
    %scan3A_357 = arith.constant 70 : i32
    %get3A_358 = arith.constant 1 : i32
    %get3A_359 = arith.index_cast %get3A_358 : i32 to index
    %get3A_360 = arith.constant 0 : index
    %get3A_361 = tpu.vector_load %arg8[%get3A_359, %get3A_360] {strides = array<i32>} : memref<2x16xi32, #tpu.memory_space<vmem>>, vector<1x16xi32>,
    %get3A_362 = vector.shape_cast %get3A_361 : vector<1x16xi32> to vector<16xi32>
    %scan3A_363 = arith.constant 0 : i32
    %scan3A_364 = arith.constant 98 : i32
    %scan3A_365 = arith.addi %scan3A_363, %scan3A_364 : i32
    %scan3A_366 = arith.constant 1 : i32
    scf.for %scan3A_1943 = %scan3A_363 to %scan3A_365 step %scan3A_366  : i32 {
      %mul3A_1944 = arith.constant 16 : i32
      %mul3A_1945 = arith.muli %scan3A_1943, %mul3A_1944 : i32
      %add3A_1946 = arith.constant 0 : i32
      %add3A_1947 = arith.addi %add3A_1946, %mul3A_1945 : i32
      %add3A_1948 = arith.constant 0 : i32
      %add3A_1949 = arith.addi %add3A_1948, %scan3A_1943 : i32
      %jit3A = arith.constant 7 : i32
      %div3A = arith.divsi %add3A_1949, %jit3A : i32
      %sign3A = arith.constant 0 : i32
      %sign3A_1950 = arith.cmpi sgt, %add3A_1949, %sign3A : i32
      %sign3A_1951 = arith.extui %sign3A_1950 : i1 to i32
      %sign3A_1952 = arith.constant 0 : i32
      %sign3A_1953 = arith.cmpi slt, %add3A_1949, %sign3A_1952 : i32
      %sign3A_1954 = arith.extui %sign3A_1953 : i1 to i32
      %sign3A_1955 = arith.subi %sign3A_1951, %sign3A_1954 : i32
      %sign3A_1956 = arith.constant 0 : i32
      %sign3A_1957 = arith.cmpi sgt, %jit3A, %sign3A_1956 : i32
      %sign3A_1958 = arith.extui %sign3A_1957 : i1 to i32
      %sign3A_1959 = arith.constant 0 : i32
      %sign3A_1960 = arith.cmpi slt, %jit3A, %sign3A_1959 : i32
      %sign3A_1961 = arith.extui %sign3A_1960 : i1 to i32
      %sign3A_1962 = arith.subi %sign3A_1958, %sign3A_1961 : i32
      %ne3A = arith.cmpi ne, %sign3A_1955, %sign3A_1962 : i32
      %rem3A = arith.remsi %add3A_1949, %jit3A : i32
      %ne3A_1963 = arith.constant 0 : i32
      %ne3A_1964 = arith.cmpi ne, %rem3A, %ne3A_1963 : i32
      %and3A = arith.andi %ne3A, %ne3A_1964 : i1
      %sub3A = arith.constant 1 : i32
      %sub3A_1965 = arith.subi %div3A, %sub3A : i32
      %select_n3A = arith.select %and3A, %sub3A_1965, %div3A : i32
      %add3A_1966 = arith.constant 14 : i32
      %add3A_1967 = arith.addi %add3A_1966, %select_n3A : i32
      %add3A_1968 = arith.constant 0 : i32
      %add3A_1969 = arith.addi %add3A_1968, %scan3A_1943 : i32
      %jit3A_1970 = arith.constant 7 : i32
      %eq3A = arith.constant 0 : i32
      %eq3A_1971 = arith.cmpi eq, %jit3A_1970, %eq3A : i32
      %jit3A_1972 = arith.constant 1 : i32
      %select_n3A_1973 = arith.select %eq3A_1971, %jit3A_1972, %jit3A_1970 : i32
      %rem3A_1974 = arith.remsi %add3A_1969, %select_n3A_1973 : i32
      %ne3A_1975 = arith.constant 0 : i32
      %ne3A_1976 = arith.cmpi ne, %rem3A_1974, %ne3A_1975 : i32
      %lt3A = arith.constant 0 : i32
      %lt3A_1977 = arith.cmpi slt, %rem3A_1974, %lt3A : i32
      %lt3A_1978 = arith.constant 0 : i32
      %lt3A_1979 = arith.cmpi slt, %select_n3A_1973, %lt3A_1978 : i32
      %ne3A_1980 = arith.xori %lt3A_1977, %lt3A_1979 : i1
      %and3A_1981 = arith.andi %ne3A_1980, %ne3A_1976 : i1
      %add3A_1982 = arith.addi %rem3A_1974, %select_n3A_1973 : i32
      %select_n3A_1983 = arith.select %and3A_1981, %add3A_1982, %rem3A_1974 : i32
      %mul3A_1984 = arith.constant 16 : i32
      %mul3A_1985 = arith.muli %select_n3A_1983, %mul3A_1984 : i32
      %get3A_1986 = arith.index_cast %add3A_1947 : i32 to index
      %get3A_1987 = tpu.vector_load %arg6[%get3A_1986] {strides = array<i32>} : memref<1568xi32, #tpu.memory_space<vmem>>, vector<16xi32>,
      %get3A_1988 = vector.shape_cast %get3A_1987 : vector<16xi32> to vector<16xi32>
      %add3A_1989 = arith.addi %get3A_1988, %get3A_362 : vector<16xi32>
      %swap3A_1990 = arith.index_cast %add3A_1967 : i32 to index
      %swap3A_1991 = arith.index_cast %mul3A_1985 : i32 to index
      %swap3A_1992 = tpu.vector_load %arg7[%swap3A_1990, %swap3A_1991] {strides = array<i32>} : memref<28x112xi32, #tpu.memory_space<vmem>>, vector<1x16xi32>,
      %swap3A_1993 = vector.shape_cast %swap3A_1992 : vector<1x16xi32> to vector<16xi32>
      %swap3A_1994 = vector.shape_cast %add3A_1989 : vector<16xi32> to vector<1x16xi32>
      tpu.vector_store %arg7[%swap3A_1990, %swap3A_1991], %swap3A_1994 {strides = array<i32>} : memref<28x112xi32, #tpu.memory_space<vmem>>, vector<1x16xi32>,
    }
    %scan3A_367 = arith.constant 98 : i32
    %dma_wait3A = arith.constant 0 : i32
    %dma_wait3A_368 = arith.constant 0 : i32
    %dma_wait3A_369 = arith.constant 0 : i32
    %dma_wait3A_370 = arith.constant 0 : i32
    %dma_wait3A_371 = tpu.memref_slice %arg9[%dma_wait3A_368, %dma_wait3A_369, %dma_wait3A_370] : memref<7x112x128xf32, #tpu.memory_space<vmem>> -> memref<1x112x128xf32, #tpu.memory_space<vmem>>
    %dma_wait3A_372 = tpu.memref_squeeze %dma_wait3A_371 : memref<1x112x128xf32, #tpu.memory_space<vmem>> -> memref<112x128xf32, #tpu.memory_space<vmem>>
    %dma_wait3A_373 = arith.constant 0 : i32
    %dma_wait3A_374 = tpu.memref_slice %arg7[%dma_wait3A, %dma_wait3A_373] : memref<28x112xi32, #tpu.memory_space<vmem>> -> memref<1x112xi32, #tpu.memory_space<vmem>>
    %dma_wait3A_375 = tpu.memref_squeeze %dma_wait3A_374 : memref<1x112xi32, #tpu.memory_space<vmem>> -> memref<112xi32, #tpu.memory_space<vmem>>
    %dma_wait3A_376 = arith.constant 0 : i32
    %dma_wait3A_377 = arith.constant 0 : i32
    %dma_wait3A_378 = tpu.memref_slice %arg2[%dma_wait3A_376, %dma_wait3A_377] : memref<200000x128xf32, #tpu.memory_space<hbm>> -> memref<200000x128xf32, #tpu.memory_space<hbm>>
    tpu.wait_indirect_dma semaphore(%arg10 : memref<!tpu.dma_semaphore, #tpu.memory_space<semaphore_mem>>) src(%dma_wait3A_378 : memref<200000x128xf32, #tpu.memory_space<hbm>>) dst(%dma_wait3A_372 : memref<112x128xf32, #tpu.memory_space<vmem>>)
    %add3A_379 = arith.constant 0 : i32
    %add3A_380 = arith.addi %min3A_3, %add3A_379 : i32
    %dma_start3A_381 = arith.constant 0 : i32
    %dma_start3A_382 = arith.constant 0 : i32
    %dma_start3A_383 = arith.constant 0 : i32
    %dma_start3A_384 = arith.constant 0 : i32
    %dma_start3A_385 = tpu.memref_slice %arg9[%dma_start3A_381, %dma_start3A_383, %dma_start3A_384] : memref<7x112x128xf32, #tpu.memory_space<vmem>> -> memref<1x112x128xf32, #tpu.memory_space<vmem>>
    %dma_start3A_386 = tpu.memref_squeeze %dma_start3A_385 : memref<1x112x128xf32, #tpu.memory_space<vmem>> -> memref<112x128xf32, #tpu.memory_space<vmem>>
    %dma_start3A_387 = arith.constant 0 : i32
    %dma_start3A_388 = tpu.memref_slice %arg5[%dma_start3A_382, %add3A_380, %dma_start3A_387] : memref<2x50000x128xf32, #tpu.memory_space<hbm>> -> memref<1x112x128xf32, #tpu.memory_space<hbm>>
    %dma_start3A_389 = tpu.memref_squeeze %dma_start3A_388 : memref<1x112x128xf32, #tpu.memory_space<hbm>> -> memref<112x128xf32, #tpu.memory_space<hbm>>
    %dma_start3A_390 = arith.constant 0 : i32
    %dma_start3A_391 = tpu.memref_slice %arg5[%dma_start3A_382, %add3A_380, %dma_start3A_390] : memref<2x50000x128xf32, #tpu.memory_space<hbm>> -> memref<1x112x128xf32, #tpu.memory_space<hbm>>
    %dma_start3A_392 = tpu.memref_squeeze %dma_start3A_391 : memref<1x112x128xf32, #tpu.memory_space<hbm>> -> memref<112x128xf32, #tpu.memory_space<hbm>>
    %dma_start3A_393 = arith.constant 0 : i32
    %dma_start3A_394 = arith.constant 0 : i32
    %dma_start3A_395 = tpu.memref_slice %arg9[%dma_start3A_381, %dma_start3A_393, %dma_start3A_394] : memref<7x112x128xf32, #tpu.memory_space<vmem>> -> memref<1x112x128xf32, #tpu.memory_space<vmem>>
    %dma_start3A_396 = tpu.memref_squeeze %dma_start3A_395 : memref<1x112x128xf32, #tpu.memory_space<vmem>> -> memref<112x128xf32, #tpu.memory_space<vmem>>
    tpu.enqueue_dma source(%dma_start3A_396 : memref<112x128xf32, #tpu.memory_space<vmem>>) target(%dma_start3A_392 : memref<112x128xf32, #tpu.memory_space<hbm>>) target_semaphore(%arg17 : memref<!tpu.dma_semaphore, #tpu.memory_space<semaphore_mem>>)
    %dma_start3A_397 = arith.constant 4 : i32
    %dma_start3A_398 = arith.constant 4 : i32
    %dma_start3A_399 = arith.constant 0 : i32
    %dma_start3A_400 = arith.constant 0 : i32
    %dma_start3A_401 = tpu.memref_slice %arg9[%dma_start3A_398, %dma_start3A_399, %dma_start3A_400] : memref<7x112x128xf32, #tpu.memory_space<vmem>> -> memref<1x112x128xf32, #tpu.memory_space<vmem>>
    %dma_start3A_402 = tpu.memref_squeeze %dma_start3A_401 : memref<1x112x128xf32, #tpu.memory_space<vmem>> -> memref<112x128xf32, #tpu.memory_space<vmem>>
    %dma_start3A_403 = arith.constant 0 : i32
    %dma_start3A_404 = tpu.memref_slice %arg7[%dma_start3A_397, %dma_start3A_403] : memref<28x112xi32, #tpu.memory_space<vmem>> -> memref<1x112xi32, #tpu.memory_space<vmem>>
    %dma_start3A_405 = tpu.memref_squeeze %dma_start3A_404 : memref<1x112xi32, #tpu.memory_space<vmem>> -> memref<112xi32, #tpu.memory_space<vmem>>
    %dma_start3A_406 = arith.constant 0 : i32
    %dma_start3A_407 = arith.constant 0 : i32
    %dma_start3A_408 = tpu.memref_slice %arg2[%dma_start3A_406, %dma_start3A_407] : memref<200000x128xf32, #tpu.memory_space<hbm>> -> memref<200000x128xf32, #tpu.memory_space<hbm>>
    tpu.enqueue_indirect_dma source(%dma_start3A_408 : memref<200000x128xf32, #tpu.memory_space<hbm>>) target(%dma_start3A_402 : memref<112x128xf32, #tpu.memory_space<vmem>>) offsets(%dma_start3A_405 : memref<112xi32, #tpu.memory_space<vmem>>) semaphore(%arg14 : memref<!tpu.dma_semaphore, #tpu.memory_space<semaphore_mem>>)
    %dma_wait3A_409 = arith.constant 1 : i32
    %dma_wait3A_410 = arith.constant 1 : i32
    %dma_wait3A_411 = arith.constant 0 : i32
    %dma_wait3A_412 = arith.constant 0 : i32
    %dma_wait3A_413 = tpu.memref_slice %arg9[%dma_wait3A_410, %dma_wait3A_411, %dma_wait3A_412] : memref<7x112x128xf32, #tpu.memory_space<vmem>> -> memref<1x112x128xf32, #tpu.memory_space<vmem>>
    %dma_wait3A_414 = tpu.memref_squeeze %dma_wait3A_413 : memref<1x112x128xf32, #tpu.memory_space<vmem>> -> memref<112x128xf32, #tpu.memory_space<vmem>>
    %dma_wait3A_415 = arith.constant 0 : i32
    %dma_wait3A_416 = tpu.memref_slice %arg7[%dma_wait3A_409, %dma_wait3A_415] : memref<28x112xi32, #tpu.memory_space<vmem>> -> memref<1x112xi32, #tpu.memory_space<vmem>>
    %dma_wait3A_417 = tpu.memref_squeeze %dma_wait3A_416 : memref<1x112xi32, #tpu.memory_space<vmem>> -> memref<112xi32, #tpu.memory_space<vmem>>
    %dma_wait3A_418 = arith.constant 0 : i32
    %dma_wait3A_419 = arith.constant 0 : i32
    %dma_wait3A_420 = tpu.memref_slice %arg2[%dma_wait3A_418, %dma_wait3A_419] : memref<200000x128xf32, #tpu.memory_space<hbm>> -> memref<200000x128xf32, #tpu.memory_space<hbm>>
    tpu.wait_indirect_dma semaphore(%arg11 : memref<!tpu.dma_semaphore, #tpu.memory_space<semaphore_mem>>) src(%dma_wait3A_420 : memref<200000x128xf32, #tpu.memory_space<hbm>>) dst(%dma_wait3A_414 : memref<112x128xf32, #tpu.memory_space<vmem>>)
    %add3A_421 = arith.constant 112 : i32
    %add3A_422 = arith.addi %min3A_3, %add3A_421 : i32
    %dma_start3A_423 = arith.constant 1 : i32
    %dma_start3A_424 = arith.constant 0 : i32
    %dma_start3A_425 = arith.constant 0 : i32
    %dma_start3A_426 = arith.constant 0 : i32
    %dma_start3A_427 = tpu.memref_slice %arg9[%dma_start3A_423, %dma_start3A_425, %dma_start3A_426] : memref<7x112x128xf32, #tpu.memory_space<vmem>> -> memref<1x112x128xf32, #tpu.memory_space<vmem>>
    %dma_start3A_428 = tpu.memref_squeeze %dma_start3A_427 : memref<1x112x128xf32, #tpu.memory_space<vmem>> -> memref<112x128xf32, #tpu.memory_space<vmem>>
    %dma_start3A_429 = arith.constant 0 : i32
    %dma_start3A_430 = tpu.memref_slice %arg5[%dma_start3A_424, %add3A_422, %dma_start3A_429] : memref<2x50000x128xf32, #tpu.memory_space<hbm>> -> memref<1x112x128xf32, #tpu.memory_space<hbm>>
    %dma_start3A_431 = tpu.memref_squeeze %dma_start3A_430 : memref<1x112x128xf32, #tpu.memory_space<hbm>> -> memref<112x128xf32, #tpu.memory_space<hbm>>
    %dma_start3A_432 = arith.constant 0 : i32
    %dma_start3A_433 = tpu.memref_slice %arg5[%dma_start3A_424, %add3A_422, %dma_start3A_432] : memref<2x50000x128xf32, #tpu.memory_space<hbm>> -> memref<1x112x128xf32, #tpu.memory_space<hbm>>
    %dma_start3A_434 = tpu.memref_squeeze %dma_start3A_433 : memref<1x112x128xf32, #tpu.memory_space<hbm>> -> memref<112x128xf32, #tpu.memory_space<hbm>>
    %dma_start3A_435 = arith.constant 0 : i32
    %dma_start3A_436 = arith.constant 0 : i32
    %dma_start3A_437 = tpu.memref_slice %arg9[%dma_start3A_423, %dma_start3A_435, %dma_start3A_436] : memref<7x112x128xf32, #tpu.memory_space<vmem>> -> memref<1x112x128xf32, #tpu.memory_space<vmem>>
    %dma_start3A_438 = tpu.memref_squeeze %dma_start3A_437 : memref<1x112x128xf32, #tpu.memory_space<vmem>> -> memref<112x128xf32, #tpu.memory_space<vmem>>
    tpu.enqueue_dma source(%dma_start3A_438 : memref<112x128xf32, #tpu.memory_space<vmem>>) target(%dma_start3A_434 : memref<112x128xf32, #tpu.memory_space<hbm>>) target_semaphore(%arg18 : memref<!tpu.dma_semaphore, #tpu.memory_space<semaphore_mem>>)
    %dma_start3A_439 = arith.constant 5 : i32
    %dma_start3A_440 = arith.constant 5 : i32
    %dma_start3A_441 = arith.constant 0 : i32
    %dma_start3A_442 = arith.constant 0 : i32
    %dma_start3A_443 = tpu.memref_slice %arg9[%dma_start3A_440, %dma_start3A_441, %dma_start3A_442] : memref<7x112x128xf32, #tpu.memory_space<vmem>> -> memref<1x112x128xf32, #tpu.memory_space<vmem>>
    %dma_start3A_444 = tpu.memref_squeeze %dma_start3A_443 : memref<1x112x128xf32, #tpu.memory_space<vmem>> -> memref<112x128xf32, #tpu.memory_space<vmem>>
    %dma_start3A_445 = arith.constant 0 : i32
    %dma_start3A_446 = tpu.memref_slice %arg7[%dma_start3A_439, %dma_start3A_445] : memref<28x112xi32, #tpu.memory_space<vmem>> -> memref<1x112xi32, #tpu.memory_space<vmem>>
    %dma_start3A_447 = tpu.memref_squeeze %dma_start3A_446 : memref<1x112xi32, #tpu.memory_space<vmem>> -> memref<112xi32, #tpu.memory_space<vmem>>
    %dma_start3A_448 = arith.constant 0 : i32
    %dma_start3A_449 = arith.constant 0 : i32
    %dma_start3A_450 = tpu.memref_slice %arg2[%dma_start3A_448, %dma_start3A_449] : memref<200000x128xf32, #tpu.memory_space<hbm>> -> memref<200000x128xf32, #tpu.memory_space<hbm>>
    tpu.enqueue_indirect_dma source(%dma_start3A_450 : memref<200000x128xf32, #tpu.memory_space<hbm>>) target(%dma_start3A_444 : memref<112x128xf32, #tpu.memory_space<vmem>>) offsets(%dma_start3A_447 : memref<112xi32, #tpu.memory_space<vmem>>) semaphore(%arg15 : memref<!tpu.dma_semaphore, #tpu.memory_space<semaphore_mem>>)
    %dma_wait3A_451 = arith.constant 2 : i32
    %dma_wait3A_452 = arith.constant 2 : i32
    %dma_wait3A_453 = arith.constant 0 : i32
    %dma_wait3A_454 = arith.constant 0 : i32
    %dma_wait3A_455 = tpu.memref_slice %arg9[%dma_wait3A_452, %dma_wait3A_453, %dma_wait3A_454] : memref<7x112x128xf32, #tpu.memory_space<vmem>> -> memref<1x112x128xf32, #tpu.memory_space<vmem>>
    %dma_wait3A_456 = tpu.memref_squeeze %dma_wait3A_455 : memref<1x112x128xf32, #tpu.memory_space<vmem>> -> memref<112x128xf32, #tpu.memory_space<vmem>>
    %dma_wait3A_457 = arith.constant 0 : i32
    %dma_wait3A_458 = tpu.memref_slice %arg7[%dma_wait3A_451, %dma_wait3A_457] : memref<28x112xi32, #tpu.memory_space<vmem>> -> memref<1x112xi32, #tpu.memory_space<vmem>>
    %dma_wait3A_459 = tpu.memref_squeeze %dma_wait3A_458 : memref<1x112xi32, #tpu.memory_space<vmem>> -> memref<112xi32, #tpu.memory_space<vmem>>
    %dma_wait3A_460 = arith.constant 0 : i32
    %dma_wait3A_461 = arith.constant 0 : i32
    %dma_wait3A_462 = tpu.memref_slice %arg2[%dma_wait3A_460, %dma_wait3A_461] : memref<200000x128xf32, #tpu.memory_space<hbm>> -> memref<200000x128xf32, #tpu.memory_space<hbm>>
    tpu.wait_indirect_dma semaphore(%arg12 : memref<!tpu.dma_semaphore, #tpu.memory_space<semaphore_mem>>) src(%dma_wait3A_462 : memref<200000x128xf32, #tpu.memory_space<hbm>>) dst(%dma_wait3A_456 : memref<112x128xf32, #tpu.memory_space<vmem>>)
    %add3A_463 = arith.constant 224 : i32
    %add3A_464 = arith.addi %min3A_3, %add3A_463 : i32
    %dma_start3A_465 = arith.constant 2 : i32
    %dma_start3A_466 = arith.constant 0 : i32
    %dma_start3A_467 = arith.constant 0 : i32
    %dma_start3A_468 = arith.constant 0 : i32
    %dma_start3A_469 = tpu.memref_slice %arg9[%dma_start3A_465, %dma_start3A_467, %dma_start3A_468] : memref<7x112x128xf32, #tpu.memory_space<vmem>> -> memref<1x112x128xf32, #tpu.memory_space<vmem>>
    %dma_start3A_470 = tpu.memref_squeeze %dma_start3A_469 : memref<1x112x128xf32, #tpu.memory_space<vmem>> -> memref<112x128xf32, #tpu.memory_space<vmem>>
    %dma_start3A_471 = arith.constant 0 : i32
    %dma_start3A_472 = tpu.memref_slice %arg5[%dma_start3A_466, %add3A_464, %dma_start3A_471] : memref<2x50000x128xf32, #tpu.memory_space<hbm>> -> memref<1x112x128xf32, #tpu.memory_space<hbm>>
    %dma_start3A_473 = tpu.memref_squeeze %dma_start3A_472 : memref<1x112x128xf32, #tpu.memory_space<hbm>> -> memref<112x128xf32, #tpu.memory_space<hbm>>
    %dma_start3A_474 = arith.constant 0 : i32
    %dma_start3A_475 = tpu.memref_slice %arg5[%dma_start3A_466, %add3A_464, %dma_start3A_474] : memref<2x50000x128xf32, #tpu.memory_space<hbm>> -> memref<1x112x128xf32, #tpu.memory_space<hbm>>
    %dma_start3A_476 = tpu.memref_squeeze %dma_start3A_475 : memref<1x112x128xf32, #tpu.memory_space<hbm>> -> memref<112x128xf32, #tpu.memory_space<hbm>>
    %dma_start3A_477 = arith.constant 0 : i32
    %dma_start3A_478 = arith.constant 0 : i32
    %dma_start3A_479 = tpu.memref_slice %arg9[%dma_start3A_465, %dma_start3A_477, %dma_start3A_478] : memref<7x112x128xf32, #tpu.memory_space<vmem>> -> memref<1x112x128xf32, #tpu.memory_space<vmem>>
    %dma_start3A_480 = tpu.memref_squeeze %dma_start3A_479 : memref<1x112x128xf32, #tpu.memory_space<vmem>> -> memref<112x128xf32, #tpu.memory_space<vmem>>
    tpu.enqueue_dma source(%dma_start3A_480 : memref<112x128xf32, #tpu.memory_space<vmem>>) target(%dma_start3A_476 : memref<112x128xf32, #tpu.memory_space<hbm>>) target_semaphore(%arg19 : memref<!tpu.dma_semaphore, #tpu.memory_space<semaphore_mem>>)
    %dma_start3A_481 = arith.constant 6 : i32
    %dma_start3A_482 = arith.constant 6 : i32
    %dma_start3A_483 = arith.constant 0 : i32
    %dma_start3A_484 = arith.constant 0 : i32
    %dma_start3A_485 = tpu.memref_slice %arg9[%dma_start3A_482, %dma_start3A_483, %dma_start3A_484] : memref<7x112x128xf32, #tpu.memory_space<vmem>> -> memref<1x112x128xf32, #tpu.memory_space<vmem>>
    %dma_start3A_486 = tpu.memref_squeeze %dma_start3A_485 : memref<1x112x128xf32, #tpu.memory_space<vmem>> -> memref<112x128xf32, #tpu.memory_space<vmem>>
    %dma_start3A_487 = arith.constant 0 : i32
    %dma_start3A_488 = tpu.memref_slice %arg7[%dma_start3A_481, %dma_start3A_487] : memref<28x112xi32, #tpu.memory_space<vmem>> -> memref<1x112xi32, #tpu.memory_space<vmem>>
    %dma_start3A_489 = tpu.memref_squeeze %dma_start3A_488 : memref<1x112xi32, #tpu.memory_space<vmem>> -> memref<112xi32, #tpu.memory_space<vmem>>
    %dma_start3A_490 = arith.constant 0 : i32
    %dma_start3A_491 = arith.constant 0 : i32
    %dma_start3A_492 = tpu.memref_slice %arg2[%dma_start3A_490, %dma_start3A_491] : memref<200000x128xf32, #tpu.memory_space<hbm>> -> memref<200000x128xf32, #tpu.memory_space<hbm>>
    tpu.enqueue_indirect_dma source(%dma_start3A_492 : memref<200000x128xf32, #tpu.memory_space<hbm>>) target(%dma_start3A_486 : memref<112x128xf32, #tpu.memory_space<vmem>>) offsets(%dma_start3A_489 : memref<112xi32, #tpu.memory_space<vmem>>) semaphore(%arg16 : memref<!tpu.dma_semaphore, #tpu.memory_space<semaphore_mem>>)
    %dma_wait3A_493 = arith.constant 3 : i32
    %dma_wait3A_494 = arith.constant 3 : i32
    %dma_wait3A_495 = arith.constant 0 : i32
    %dma_wait3A_496 = arith.constant 0 : i32
    %dma_wait3A_497 = tpu.memref_slice %arg9[%dma_wait3A_494, %dma_wait3A_495, %dma_wait3A_496] : memref<7x112x128xf32, #tpu.memory_space<vmem>> -> memref<1x112x128xf32, #tpu.memory_space<vmem>>
    %dma_wait3A_498 = tpu.memref_squeeze %dma_wait3A_497 : memref<1x112x128xf32, #tpu.memory_space<vmem>> -> memref<112x128xf32, #tpu.memory_space<vmem>>
    %dma_wait3A_499 = arith.constant 0 : i32
    %dma_wait3A_500 = tpu.memref_slice %arg7[%dma_wait3A_493, %dma_wait3A_499] : memref<28x112xi32, #tpu.memory_space<vmem>> -> memref<1x112xi32, #tpu.memory_space<vmem>>
    %dma_wait3A_501 = tpu.memref_squeeze %dma_wait3A_500 : memref<1x112xi32, #tpu.memory_space<vmem>> -> memref<112xi32, #tpu.memory_space<vmem>>
    %dma_wait3A_502 = arith.constant 0 : i32
    %dma_wait3A_503 = arith.constant 0 : i32
    %dma_wait3A_504 = tpu.memref_slice %arg2[%dma_wait3A_502, %dma_wait3A_503] : memref<200000x128xf32, #tpu.memory_space<hbm>> -> memref<200000x128xf32, #tpu.memory_space<hbm>>
    tpu.wait_indirect_dma semaphore(%arg13 : memref<!tpu.dma_semaphore, #tpu.memory_space<semaphore_mem>>) src(%dma_wait3A_504 : memref<200000x128xf32, #tpu.memory_space<hbm>>) dst(%dma_wait3A_498 : memref<112x128xf32, #tpu.memory_space<vmem>>)
    %add3A_505 = arith.constant 336 : i32
    %add3A_506 = arith.addi %min3A_3, %add3A_505 : i32
    %dma_start3A_507 = arith.constant 3 : i32
    %dma_start3A_508 = arith.constant 0 : i32
    %dma_start3A_509 = arith.constant 0 : i32
    %dma_start3A_510 = arith.constant 0 : i32
    %dma_start3A_511 = tpu.memref_slice %arg9[%dma_start3A_507, %dma_start3A_509, %dma_start3A_510] : memref<7x112x128xf32, #tpu.memory_space<vmem>> -> memref<1x112x128xf32, #tpu.memory_space<vmem>>
    %dma_start3A_512 = tpu.memref_squeeze %dma_start3A_511 : memref<1x112x128xf32, #tpu.memory_space<vmem>> -> memref<112x128xf32, #tpu.memory_space<vmem>>
    %dma_start3A_513 = arith.constant 0 : i32
    %dma_start3A_514 = tpu.memref_slice %arg5[%dma_start3A_508, %add3A_506, %dma_start3A_513] : memref<2x50000x128xf32, #tpu.memory_space<hbm>> -> memref<1x112x128xf32, #tpu.memory_space<hbm>>
    %dma_start3A_515 = tpu.memref_squeeze %dma_start3A_514 : memref<1x112x128xf32, #tpu.memory_space<hbm>> -> memref<112x128xf32, #tpu.memory_space<hbm>>
    %dma_start3A_516 = arith.constant 0 : i32
    %dma_start3A_517 = tpu.memref_slice %arg5[%dma_start3A_508, %add3A_506, %dma_start3A_516] : memref<2x50000x128xf32, #tpu.memory_space<hbm>> -> memref<1x112x128xf32, #tpu.memory_space<hbm>>
    %dma_start3A_518 = tpu.memref_squeeze %dma_start3A_517 : memref<1x112x128xf32, #tpu.memory_space<hbm>> -> memref<112x128xf32, #tpu.memory_space<hbm>>
    %dma_start3A_519 = arith.constant 0 : i32
    %dma_start3A_520 = arith.constant 0 : i32
    %dma_start3A_521 = tpu.memref_slice %arg9[%dma_start3A_507, %dma_start3A_519, %dma_start3A_520] : memref<7x112x128xf32, #tpu.memory_space<vmem>> -> memref<1x112x128xf32, #tpu.memory_space<vmem>>
    %dma_start3A_522 = tpu.memref_squeeze %dma_start3A_521 : memref<1x112x128xf32, #tpu.memory_space<vmem>> -> memref<112x128xf32, #tpu.memory_space<vmem>>
    tpu.enqueue_dma source(%dma_start3A_522 : memref<112x128xf32, #tpu.memory_space<vmem>>) target(%dma_start3A_518 : memref<112x128xf32, #tpu.memory_space<hbm>>) target_semaphore(%arg20 : memref<!tpu.dma_semaphore, #tpu.memory_space<semaphore_mem>>)
    %dma_wait3A_523 = arith.constant 0 : i32
    %dma_wait3A_524 = arith.constant 0 : i32
    %dma_wait3A_525 = arith.constant 0 : i32
    %dma_wait3A_526 = arith.constant 0 : i32
    %dma_wait3A_527 = tpu.memref_slice %arg9[%dma_wait3A_523, %dma_wait3A_525, %dma_wait3A_526] : memref<7x112x128xf32, #tpu.memory_space<vmem>> -> memref<1x112x128xf32, #tpu.memory_space<vmem>>
    %dma_wait3A_528 = tpu.memref_squeeze %dma_wait3A_527 : memref<1x112x128xf32, #tpu.memory_space<vmem>> -> memref<112x128xf32, #tpu.memory_space<vmem>>
    %dma_wait3A_529 = arith.constant 0 : i32
    %dma_wait3A_530 = tpu.memref_slice %arg5[%dma_wait3A_524, %add3A_380, %dma_wait3A_529] : memref<2x50000x128xf32, #tpu.memory_space<hbm>> -> memref<1x112x128xf32, #tpu.memory_space<hbm>>
    %dma_wait3A_531 = tpu.memref_squeeze %dma_wait3A_530 : memref<1x112x128xf32, #tpu.memory_space<hbm>> -> memref<112x128xf32, #tpu.memory_space<hbm>>
    %dma_wait3A_532 = arith.constant 0 : i32
    %dma_wait3A_533 = tpu.memref_slice %arg5[%dma_wait3A_524, %add3A_380, %dma_wait3A_532] : memref<2x50000x128xf32, #tpu.memory_space<hbm>> -> memref<1x112x128xf32, #tpu.memory_space<hbm>>
    %dma_wait3A_534 = tpu.memref_squeeze %dma_wait3A_533 : memref<1x112x128xf32, #tpu.memory_space<hbm>> -> memref<112x128xf32, #tpu.memory_space<hbm>>
    %dma_wait3A_535 = arith.constant 0 : i32
    %dma_wait3A_536 = arith.constant 0 : i32
    %dma_wait3A_537 = tpu.memref_slice %arg9[%dma_wait3A_523, %dma_wait3A_535, %dma_wait3A_536] : memref<7x112x128xf32, #tpu.memory_space<vmem>> -> memref<1x112x128xf32, #tpu.memory_space<vmem>>
    %dma_wait3A_538 = tpu.memref_squeeze %dma_wait3A_537 : memref<1x112x128xf32, #tpu.memory_space<vmem>> -> memref<112x128xf32, #tpu.memory_space<vmem>>
    tpu.wait_dma2 semaphore(%arg17 : memref<!tpu.dma_semaphore, #tpu.memory_space<semaphore_mem>>) src(%dma_wait3A_538 : memref<112x128xf32, #tpu.memory_space<vmem>>) dst(%dma_wait3A_534 : memref<112x128xf32, #tpu.memory_space<hbm>>)
    %dma_start3A_539 = arith.constant 7 : i32
    %dma_start3A_540 = arith.constant 0 : i32
    %dma_start3A_541 = arith.constant 0 : i32
    %dma_start3A_542 = arith.constant 0 : i32
    %dma_start3A_543 = tpu.memref_slice %arg9[%dma_start3A_540, %dma_start3A_541, %dma_start3A_542] : memref<7x112x128xf32, #tpu.memory_space<vmem>> -> memref<1x112x128xf32, #tpu.memory_space<vmem>>
    %dma_start3A_544 = tpu.memref_squeeze %dma_start3A_543 : memref<1x112x128xf32, #tpu.memory_space<vmem>> -> memref<112x128xf32, #tpu.memory_space<vmem>>
    %dma_start3A_545 = arith.constant 0 : i32
    %dma_start3A_546 = tpu.memref_slice %arg7[%dma_start3A_539, %dma_start3A_545] : memref<28x112xi32, #tpu.memory_space<vmem>> -> memref<1x112xi32, #tpu.memory_space<vmem>>
    %dma_start3A_547 = tpu.memref_squeeze %dma_start3A_546 : memref<1x112xi32, #tpu.memory_space<vmem>> -> memref<112xi32, #tpu.memory_space<vmem>>
    %dma_start3A_548 = arith.constant 0 : i32
    %dma_start3A_549 = arith.constant 0 : i32
    %dma_start3A_550 = tpu.memref_slice %arg2[%dma_start3A_548, %dma_start3A_549] : memref<200000x128xf32, #tpu.memory_space<hbm>> -> memref<200000x128xf32, #tpu.memory_space<hbm>>
    tpu.enqueue_indirect_dma source(%dma_start3A_550 : memref<200000x128xf32, #tpu.memory_space<hbm>>) target(%dma_start3A_544 : memref<112x128xf32, #tpu.memory_space<vmem>>) offsets(%dma_start3A_547 : memref<112xi32, #tpu.memory_space<vmem>>) semaphore(%arg10 : memref<!tpu.dma_semaphore, #tpu.memory_space<semaphore_mem>>)
    %dma_wait3A_551 = arith.constant 4 : i32
    %dma_wait3A_552 = arith.constant 4 : i32
    %dma_wait3A_553 = arith.constant 0 : i32
    %dma_wait3A_554 = arith.constant 0 : i32
    %dma_wait3A_555 = tpu.memref_slice %arg9[%dma_wait3A_552, %dma_wait3A_553, %dma_wait3A_554] : memref<7x112x128xf32, #tpu.memory_space<vmem>> -> memref<1x112x128xf32, #tpu.memory_space<vmem>>
    %dma_wait3A_556 = tpu.memref_squeeze %dma_wait3A_555 : memref<1x112x128xf32, #tpu.memory_space<vmem>> -> memref<112x128xf32, #tpu.memory_space<vmem>>
    %dma_wait3A_557 = arith.constant 0 : i32
    %dma_wait3A_558 = tpu.memref_slice %arg7[%dma_wait3A_551, %dma_wait3A_557] : memref<28x112xi32, #tpu.memory_space<vmem>> -> memref<1x112xi32, #tpu.memory_space<vmem>>
    %dma_wait3A_559 = tpu.memref_squeeze %dma_wait3A_558 : memref<1x112xi32, #tpu.memory_space<vmem>> -> memref<112xi32, #tpu.memory_space<vmem>>
    %dma_wait3A_560 = arith.constant 0 : i32
    %dma_wait3A_561 = arith.constant 0 : i32
    %dma_wait3A_562 = tpu.memref_slice %arg2[%dma_wait3A_560, %dma_wait3A_561] : memref<200000x128xf32, #tpu.memory_space<hbm>> -> memref<200000x128xf32, #tpu.memory_space<hbm>>
    tpu.wait_indirect_dma semaphore(%arg14 : memref<!tpu.dma_semaphore, #tpu.memory_space<semaphore_mem>>) src(%dma_wait3A_562 : memref<200000x128xf32, #tpu.memory_space<hbm>>) dst(%dma_wait3A_556 : memref<112x128xf32, #tpu.memory_space<vmem>>)
    %add3A_563 = arith.constant 448 : i32
    %add3A_564 = arith.addi %min3A_3, %add3A_563 : i32
    %dma_start3A_565 = arith.constant 4 : i32
    %dma_start3A_566 = arith.constant 0 : i32
    %dma_start3A_567 = arith.constant 0 : i32
    %dma_start3A_568 = arith.constant 0 : i32
    %dma_start3A_569 = tpu.memref_slice %arg9[%dma_start3A_565, %dma_start3A_567, %dma_start3A_568] : memref<7x112x128xf32, #tpu.memory_space<vmem>> -> memref<1x112x128xf32, #tpu.memory_space<vmem>>
    %dma_start3A_570 = tpu.memref_squeeze %dma_start3A_569 : memref<1x112x128xf32, #tpu.memory_space<vmem>> -> memref<112x128xf32, #tpu.memory_space<vmem>>
    %dma_start3A_571 = arith.constant 0 : i32
    %dma_start3A_572 = tpu.memref_slice %arg5[%dma_start3A_566, %add3A_564, %dma_start3A_571] : memref<2x50000x128xf32, #tpu.memory_space<hbm>> -> memref<1x112x128xf32, #tpu.memory_space<hbm>>
    %dma_start3A_573 = tpu.memref_squeeze %dma_start3A_572 : memref<1x112x128xf32, #tpu.memory_space<hbm>> -> memref<112x128xf32, #tpu.memory_space<hbm>>
    %dma_start3A_574 = arith.constant 0 : i32
    %dma_start3A_575 = tpu.memref_slice %arg5[%dma_start3A_566, %add3A_564, %dma_start3A_574] : memref<2x50000x128xf32, #tpu.memory_space<hbm>> -> memref<1x112x128xf32, #tpu.memory_space<hbm>>
    %dma_start3A_576 = tpu.memref_squeeze %dma_start3A_575 : memref<1x112x128xf32, #tpu.memory_space<hbm>> -> memref<112x128xf32, #tpu.memory_space<hbm>>
    %dma_start3A_577 = arith.constant 0 : i32
    %dma_start3A_578 = arith.constant 0 : i32
    %dma_start3A_579 = tpu.memref_slice %arg9[%dma_start3A_565, %dma_start3A_577, %dma_start3A_578] : memref<7x112x128xf32, #tpu.memory_space<vmem>> -> memref<1x112x128xf32, #tpu.memory_space<vmem>>
    %dma_start3A_580 = tpu.memref_squeeze %dma_start3A_579 : memref<1x112x128xf32, #tpu.memory_space<vmem>> -> memref<112x128xf32, #tpu.memory_space<vmem>>
    tpu.enqueue_dma source(%dma_start3A_580 : memref<112x128xf32, #tpu.memory_space<vmem>>) target(%dma_start3A_576 : memref<112x128xf32, #tpu.memory_space<hbm>>) target_semaphore(%arg21 : memref<!tpu.dma_semaphore, #tpu.memory_space<semaphore_mem>>)
    %dma_wait3A_581 = arith.constant 1 : i32
    %dma_wait3A_582 = arith.constant 0 : i32
    %dma_wait3A_583 = arith.constant 0 : i32
    %dma_wait3A_584 = arith.constant 0 : i32
    %dma_wait3A_585 = tpu.memref_slice %arg9[%dma_wait3A_581, %dma_wait3A_583, %dma_wait3A_584] : memref<7x112x128xf32, #tpu.memory_space<vmem>> -> memref<1x112x128xf32, #tpu.memory_space<vmem>>
    %dma_wait3A_586 = tpu.memref_squeeze %dma_wait3A_585 : memref<1x112x128xf32, #tpu.memory_space<vmem>> -> memref<112x128xf32, #tpu.memory_space<vmem>>
    %dma_wait3A_587 = arith.constant 0 : i32
    %dma_wait3A_588 = tpu.memref_slice %arg5[%dma_wait3A_582, %add3A_422, %dma_wait3A_587] : memref<2x50000x128xf32, #tpu.memory_space<hbm>> -> memref<1x112x128xf32, #tpu.memory_space<hbm>>
    %dma_wait3A_589 = tpu.memref_squeeze %dma_wait3A_588 : memref<1x112x128xf32, #tpu.memory_space<hbm>> -> memref<112x128xf32, #tpu.memory_space<hbm>>
    %dma_wait3A_590 = arith.constant 0 : i32
    %dma_wait3A_591 = tpu.memref_slice %arg5[%dma_wait3A_582, %add3A_422, %dma_wait3A_590] : memref<2x50000x128xf32, #tpu.memory_space<hbm>> -> memref<1x112x128xf32, #tpu.memory_space<hbm>>
    %dma_wait3A_592 = tpu.memref_squeeze %dma_wait3A_591 : memref<1x112x128xf32, #tpu.memory_space<hbm>> -> memref<112x128xf32, #tpu.memory_space<hbm>>
    %dma_wait3A_593 = arith.constant 0 : i32
    %dma_wait3A_594 = arith.constant 0 : i32
    %dma_wait3A_595 = tpu.memref_slice %arg9[%dma_wait3A_581, %dma_wait3A_593, %dma_wait3A_594] : memref<7x112x128xf32, #tpu.memory_space<vmem>> -> memref<1x112x128xf32, #tpu.memory_space<vmem>>
    %dma_wait3A_596 = tpu.memref_squeeze %dma_wait3A_595 : memref<1x112x128xf32, #tpu.memory_space<vmem>> -> memref<112x128xf32, #tpu.memory_space<vmem>>
    tpu.wait_dma2 semaphore(%arg18 : memref<!tpu.dma_semaphore, #tpu.memory_space<semaphore_mem>>) src(%dma_wait3A_596 : memref<112x128xf32, #tpu.memory_space<vmem>>) dst(%dma_wait3A_592 : memref<112x128xf32, #tpu.memory_space<hbm>>)
    %dma_start3A_597 = arith.constant 8 : i32
    %dma_start3A_598 = arith.constant 1 : i32
    %dma_start3A_599 = arith.constant 0 : i32
    %dma_start3A_600 = arith.constant 0 : i32
    %dma_start3A_601 = tpu.memref_slice %arg9[%dma_start3A_598, %dma_start3A_599, %dma_start3A_600] : memref<7x112x128xf32, #tpu.memory_space<vmem>> -> memref<1x112x128xf32, #tpu.memory_space<vmem>>
    %dma_start3A_602 = tpu.memref_squeeze %dma_start3A_601 : memref<1x112x128xf32, #tpu.memory_space<vmem>> -> memref<112x128xf32, #tpu.memory_space<vmem>>
    %dma_start3A_603 = arith.constant 0 : i32
    %dma_start3A_604 = tpu.memref_slice %arg7[%dma_start3A_597, %dma_start3A_603] : memref<28x112xi32, #tpu.memory_space<vmem>> -> memref<1x112xi32, #tpu.memory_space<vmem>>
    %dma_start3A_605 = tpu.memref_squeeze %dma_start3A_604 : memref<1x112xi32, #tpu.memory_space<vmem>> -> memref<112xi32, #tpu.memory_space<vmem>>
    %dma_start3A_606 = arith.constant 0 : i32
    %dma_start3A_607 = arith.constant 0 : i32
    %dma_start3A_608 = tpu.memref_slice %arg2[%dma_start3A_606, %dma_start3A_607] : memref<200000x128xf32, #tpu.memory_space<hbm>> -> memref<200000x128xf32, #tpu.memory_space<hbm>>
    tpu.enqueue_indirect_dma source(%dma_start3A_608 : memref<200000x128xf32, #tpu.memory_space<hbm>>) target(%dma_start3A_602 : memref<112x128xf32, #tpu.memory_space<vmem>>) offsets(%dma_start3A_605 : memref<112xi32, #tpu.memory_space<vmem>>) semaphore(%arg11 : memref<!tpu.dma_semaphore, #tpu.memory_space<semaphore_mem>>)
    %dma_wait3A_609 = arith.constant 5 : i32
    %dma_wait3A_610 = arith.constant 5 : i32
    %dma_wait3A_611 = arith.constant 0 : i32
    %dma_wait3A_612 = arith.constant 0 : i32
    %dma_wait3A_613 = tpu.memref_slice %arg9[%dma_wait3A_610, %dma_wait3A_611, %dma_wait3A_612] : memref<7x112x128xf32, #tpu.memory_space<vmem>> -> memref<1x112x128xf32, #tpu.memory_space<vmem>>
    %dma_wait3A_614 = tpu.memref_squeeze %dma_wait3A_613 : memref<1x112x128xf32, #tpu.memory_space<vmem>> -> memref<112x128xf32, #tpu.memory_space<vmem>>
    %dma_wait3A_615 = arith.constant 0 : i32
    %dma_wait3A_616 = tpu.memref_slice %arg7[%dma_wait3A_609, %dma_wait3A_615] : memref<28x112xi32, #tpu.memory_space<vmem>> -> memref<1x112xi32, #tpu.memory_space<vmem>>
    %dma_wait3A_617 = tpu.memref_squeeze %dma_wait3A_616 : memref<1x112xi32, #tpu.memory_space<vmem>> -> memref<112xi32, #tpu.memory_space<vmem>>
    %dma_wait3A_618 = arith.constant 0 : i32
    %dma_wait3A_619 = arith.constant 0 : i32
    %dma_wait3A_620 = tpu.memref_slice %arg2[%dma_wait3A_618, %dma_wait3A_619] : memref<200000x128xf32, #tpu.memory_space<hbm>> -> memref<200000x128xf32, #tpu.memory_space<hbm>>
    tpu.wait_indirect_dma semaphore(%arg15 : memref<!tpu.dma_semaphore, #tpu.memory_space<semaphore_mem>>) src(%dma_wait3A_620 : memref<200000x128xf32, #tpu.memory_space<hbm>>) dst(%dma_wait3A_614 : memref<112x128xf32, #tpu.memory_space<vmem>>)
    %add3A_621 = arith.constant 560 : i32
    %add3A_622 = arith.addi %min3A_3, %add3A_621 : i32
    %dma_start3A_623 = arith.constant 5 : i32
    %dma_start3A_624 = arith.constant 0 : i32
    %dma_start3A_625 = arith.constant 0 : i32
    %dma_start3A_626 = arith.constant 0 : i32
    %dma_start3A_627 = tpu.memref_slice %arg9[%dma_start3A_623, %dma_start3A_625, %dma_start3A_626] : memref<7x112x128xf32, #tpu.memory_space<vmem>> -> memref<1x112x128xf32, #tpu.memory_space<vmem>>
    %dma_start3A_628 = tpu.memref_squeeze %dma_start3A_627 : memref<1x112x128xf32, #tpu.memory_space<vmem>> -> memref<112x128xf32, #tpu.memory_space<vmem>>
    %dma_start3A_629 = arith.constant 0 : i32
    %dma_start3A_630 = tpu.memref_slice %arg5[%dma_start3A_624, %add3A_622, %dma_start3A_629] : memref<2x50000x128xf32, #tpu.memory_space<hbm>> -> memref<1x112x128xf32, #tpu.memory_space<hbm>>
    %dma_start3A_631 = tpu.memref_squeeze %dma_start3A_630 : memref<1x112x128xf32, #tpu.memory_space<hbm>> -> memref<112x128xf32, #tpu.memory_space<hbm>>
    %dma_start3A_632 = arith.constant 0 : i32
    %dma_start3A_633 = tpu.memref_slice %arg5[%dma_start3A_624, %add3A_622, %dma_start3A_632] : memref<2x50000x128xf32, #tpu.memory_space<hbm>> -> memref<1x112x128xf32, #tpu.memory_space<hbm>>
    %dma_start3A_634 = tpu.memref_squeeze %dma_start3A_633 : memref<1x112x128xf32, #tpu.memory_space<hbm>> -> memref<112x128xf32, #tpu.memory_space<hbm>>
    %dma_start3A_635 = arith.constant 0 : i32
    %dma_start3A_636 = arith.constant 0 : i32
    %dma_start3A_637 = tpu.memref_slice %arg9[%dma_start3A_623, %dma_start3A_635, %dma_start3A_636] : memref<7x112x128xf32, #tpu.memory_space<vmem>> -> memref<1x112x128xf32, #tpu.memory_space<vmem>>
    %dma_start3A_638 = tpu.memref_squeeze %dma_start3A_637 : memref<1x112x128xf32, #tpu.memory_space<vmem>> -> memref<112x128xf32, #tpu.memory_space<vmem>>
    tpu.enqueue_dma source(%dma_start3A_638 : memref<112x128xf32, #tpu.memory_space<vmem>>) target(%dma_start3A_634 : memref<112x128xf32, #tpu.memory_space<hbm>>) target_semaphore(%arg22 : memref<!tpu.dma_semaphore, #tpu.memory_space<semaphore_mem>>)
    %dma_wait3A_639 = arith.constant 2 : i32
    %dma_wait3A_640 = arith.constant 0 : i32
    %dma_wait3A_641 = arith.constant 0 : i32
    %dma_wait3A_642 = arith.constant 0 : i32
    %dma_wait3A_643 = tpu.memref_slice %arg9[%dma_wait3A_639, %dma_wait3A_641, %dma_wait3A_642] : memref<7x112x128xf32, #tpu.memory_space<vmem>> -> memref<1x112x128xf32, #tpu.memory_space<vmem>>
    %dma_wait3A_644 = tpu.memref_squeeze %dma_wait3A_643 : memref<1x112x128xf32, #tpu.memory_space<vmem>> -> memref<112x128xf32, #tpu.memory_space<vmem>>
    %dma_wait3A_645 = arith.constant 0 : i32
    %dma_wait3A_646 = tpu.memref_slice %arg5[%dma_wait3A_640, %add3A_464, %dma_wait3A_645] : memref<2x50000x128xf32, #tpu.memory_space<hbm>> -> memref<1x112x128xf32, #tpu.memory_space<hbm>>
    %dma_wait3A_647 = tpu.memref_squeeze %dma_wait3A_646 : memref<1x112x128xf32, #tpu.memory_space<hbm>> -> memref<112x128xf32, #tpu.memory_space<hbm>>
    %dma_wait3A_648 = arith.constant 0 : i32
    %dma_wait3A_649 = tpu.memref_slice %arg5[%dma_wait3A_640, %add3A_464, %dma_wait3A_648] : memref<2x50000x128xf32, #tpu.memory_space<hbm>> -> memref<1x112x128xf32, #tpu.memory_space<hbm>>
    %dma_wait3A_650 = tpu.memref_squeeze %dma_wait3A_649 : memref<1x112x128xf32, #tpu.memory_space<hbm>> -> memref<112x128xf32, #tpu.memory_space<hbm>>
    %dma_wait3A_651 = arith.constant 0 : i32
    %dma_wait3A_652 = arith.constant 0 : i32
    %dma_wait3A_653 = tpu.memref_slice %arg9[%dma_wait3A_639, %dma_wait3A_651, %dma_wait3A_652] : memref<7x112x128xf32, #tpu.memory_space<vmem>> -> memref<1x112x128xf32, #tpu.memory_space<vmem>>
    %dma_wait3A_654 = tpu.memref_squeeze %dma_wait3A_653 : memref<1x112x128xf32, #tpu.memory_space<vmem>> -> memref<112x128xf32, #tpu.memory_space<vmem>>
    tpu.wait_dma2 semaphore(%arg19 : memref<!tpu.dma_semaphore, #tpu.memory_space<semaphore_mem>>) src(%dma_wait3A_654 : memref<112x128xf32, #tpu.memory_space<vmem>>) dst(%dma_wait3A_650 : memref<112x128xf32, #tpu.memory_space<hbm>>)
    %dma_start3A_655 = arith.constant 9 : i32
    %dma_start3A_656 = arith.constant 2 : i32
    %dma_start3A_657 = arith.constant 0 : i32
    %dma_start3A_658 = arith.constant 0 : i32
    %dma_start3A_659 = tpu.memref_slice %arg9[%dma_start3A_656, %dma_start3A_657, %dma_start3A_658] : memref<7x112x128xf32, #tpu.memory_space<vmem>> -> memref<1x112x128xf32, #tpu.memory_space<vmem>>
    %dma_start3A_660 = tpu.memref_squeeze %dma_start3A_659 : memref<1x112x128xf32, #tpu.memory_space<vmem>> -> memref<112x128xf32, #tpu.memory_space<vmem>>
    %dma_start3A_661 = arith.constant 0 : i32
    %dma_start3A_662 = tpu.memref_slice %arg7[%dma_start3A_655, %dma_start3A_661] : memref<28x112xi32, #tpu.memory_space<vmem>> -> memref<1x112xi32, #tpu.memory_space<vmem>>
    %dma_start3A_663 = tpu.memref_squeeze %dma_start3A_662 : memref<1x112xi32, #tpu.memory_space<vmem>> -> memref<112xi32, #tpu.memory_space<vmem>>
    %dma_start3A_664 = arith.constant 0 : i32
    %dma_start3A_665 = arith.constant 0 : i32
    %dma_start3A_666 = tpu.memref_slice %arg2[%dma_start3A_664, %dma_start3A_665] : memref<200000x128xf32, #tpu.memory_space<hbm>> -> memref<200000x128xf32, #tpu.memory_space<hbm>>
    tpu.enqueue_indirect_dma source(%dma_start3A_666 : memref<200000x128xf32, #tpu.memory_space<hbm>>) target(%dma_start3A_660 : memref<112x128xf32, #tpu.memory_space<vmem>>) offsets(%dma_start3A_663 : memref<112xi32, #tpu.memory_space<vmem>>) semaphore(%arg12 : memref<!tpu.dma_semaphore, #tpu.memory_space<semaphore_mem>>)
    %dma_wait3A_667 = arith.constant 6 : i32
    %dma_wait3A_668 = arith.constant 6 : i32
    %dma_wait3A_669 = arith.constant 0 : i32
    %dma_wait3A_670 = arith.constant 0 : i32
    %dma_wait3A_671 = tpu.memref_slice %arg9[%dma_wait3A_668, %dma_wait3A_669, %dma_wait3A_670] : memref<7x112x128xf32, #tpu.memory_space<vmem>> -> memref<1x112x128xf32, #tpu.memory_space<vmem>>
    %dma_wait3A_672 = tpu.memref_squeeze %dma_wait3A_671 : memref<1x112x128xf32, #tpu.memory_space<vmem>> -> memref<112x128xf32, #tpu.memory_space<vmem>>
    %dma_wait3A_673 = arith.constant 0 : i32
    %dma_wait3A_674 = tpu.memref_slice %arg7[%dma_wait3A_667, %dma_wait3A_673] : memref<28x112xi32, #tpu.memory_space<vmem>> -> memref<1x112xi32, #tpu.memory_space<vmem>>
    %dma_wait3A_675 = tpu.memref_squeeze %dma_wait3A_674 : memref<1x112xi32, #tpu.memory_space<vmem>> -> memref<112xi32, #tpu.memory_space<vmem>>
    %dma_wait3A_676 = arith.constant 0 : i32
    %dma_wait3A_677 = arith.constant 0 : i32
    %dma_wait3A_678 = tpu.memref_slice %arg2[%dma_wait3A_676, %dma_wait3A_677] : memref<200000x128xf32, #tpu.memory_space<hbm>> -> memref<200000x128xf32, #tpu.memory_space<hbm>>
    tpu.wait_indirect_dma semaphore(%arg16 : memref<!tpu.dma_semaphore, #tpu.memory_space<semaphore_mem>>) src(%dma_wait3A_678 : memref<200000x128xf32, #tpu.memory_space<hbm>>) dst(%dma_wait3A_672 : memref<112x128xf32, #tpu.memory_space<vmem>>)
    %add3A_679 = arith.constant 672 : i32
    %add3A_680 = arith.addi %min3A_3, %add3A_679 : i32
    %dma_start3A_681 = arith.constant 6 : i32
    %dma_start3A_682 = arith.constant 0 : i32
    %dma_start3A_683 = arith.constant 0 : i32
    %dma_start3A_684 = arith.constant 0 : i32
    %dma_start3A_685 = tpu.memref_slice %arg9[%dma_start3A_681, %dma_start3A_683, %dma_start3A_684] : memref<7x112x128xf32, #tpu.memory_space<vmem>> -> memref<1x112x128xf32, #tpu.memory_space<vmem>>
    %dma_start3A_686 = tpu.memref_squeeze %dma_start3A_685 : memref<1x112x128xf32, #tpu.memory_space<vmem>> -> memref<112x128xf32, #tpu.memory_space<vmem>>
    %dma_start3A_687 = arith.constant 0 : i32
    %dma_start3A_688 = tpu.memref_slice %arg5[%dma_start3A_682, %add3A_680, %dma_start3A_687] : memref<2x50000x128xf32, #tpu.memory_space<hbm>> -> memref<1x112x128xf32, #tpu.memory_space<hbm>>
    %dma_start3A_689 = tpu.memref_squeeze %dma_start3A_688 : memref<1x112x128xf32, #tpu.memory_space<hbm>> -> memref<112x128xf32, #tpu.memory_space<hbm>>
    %dma_start3A_690 = arith.constant 0 : i32
    %dma_start3A_691 = tpu.memref_slice %arg5[%dma_start3A_682, %add3A_680, %dma_start3A_690] : memref<2x50000x128xf32, #tpu.memory_space<hbm>> -> memref<1x112x128xf32, #tpu.memory_space<hbm>>
    %dma_start3A_692 = tpu.memref_squeeze %dma_start3A_691 : memref<1x112x128xf32, #tpu.memory_space<hbm>> -> memref<112x128xf32, #tpu.memory_space<hbm>>
    %dma_start3A_693 = arith.constant 0 : i32
    %dma_start3A_694 = arith.constant 0 : i32
    %dma_start3A_695 = tpu.memref_slice %arg9[%dma_start3A_681, %dma_start3A_693, %dma_start3A_694] : memref<7x112x128xf32, #tpu.memory_space<vmem>> -> memref<1x112x128xf32, #tpu.memory_space<vmem>>
    %dma_start3A_696 = tpu.memref_squeeze %dma_start3A_695 : memref<1x112x128xf32, #tpu.memory_space<vmem>> -> memref<112x128xf32, #tpu.memory_space<vmem>>
    tpu.enqueue_dma source(%dma_start3A_696 : memref<112x128xf32, #tpu.memory_space<vmem>>) target(%dma_start3A_692 : memref<112x128xf32, #tpu.memory_space<hbm>>) target_semaphore(%arg23 : memref<!tpu.dma_semaphore, #tpu.memory_space<semaphore_mem>>)
    %dma_wait3A_697 = arith.constant 3 : i32
    %dma_wait3A_698 = arith.constant 0 : i32
    %dma_wait3A_699 = arith.constant 0 : i32
    %dma_wait3A_700 = arith.constant 0 : i32
    %dma_wait3A_701 = tpu.memref_slice %arg9[%dma_wait3A_697, %dma_wait3A_699, %dma_wait3A_700] : memref<7x112x128xf32, #tpu.memory_space<vmem>> -> memref<1x112x128xf32, #tpu.memory_space<vmem>>
    %dma_wait3A_702 = tpu.memref_squeeze %dma_wait3A_701 : memref<1x112x128xf32, #tpu.memory_space<vmem>> -> memref<112x128xf32, #tpu.memory_space<vmem>>
    %dma_wait3A_703 = arith.constant 0 : i32
    %dma_wait3A_704 = tpu.memref_slice %arg5[%dma_wait3A_698, %add3A_506, %dma_wait3A_703] : memref<2x50000x128xf32, #tpu.memory_space<hbm>> -> memref<1x112x128xf32, #tpu.memory_space<hbm>>
    %dma_wait3A_705 = tpu.memref_squeeze %dma_wait3A_704 : memref<1x112x128xf32, #tpu.memory_space<hbm>> -> memref<112x128xf32, #tpu.memory_space<hbm>>
    %dma_wait3A_706 = arith.constant 0 : i32
    %dma_wait3A_707 = tpu.memref_slice %arg5[%dma_wait3A_698, %add3A_506, %dma_wait3A_706] : memref<2x50000x128xf32, #tpu.memory_space<hbm>> -> memref<1x112x128xf32, #tpu.memory_space<hbm>>
    %dma_wait3A_708 = tpu.memref_squeeze %dma_wait3A_707 : memref<1x112x128xf32, #tpu.memory_space<hbm>> -> memref<112x128xf32, #tpu.memory_space<hbm>>
    %dma_wait3A_709 = arith.constant 0 : i32
    %dma_wait3A_710 = arith.constant 0 : i32
    %dma_wait3A_711 = tpu.memref_slice %arg9[%dma_wait3A_697, %dma_wait3A_709, %dma_wait3A_710] : memref<7x112x128xf32, #tpu.memory_space<vmem>> -> memref<1x112x128xf32, #tpu.memory_space<vmem>>
    %dma_wait3A_712 = tpu.memref_squeeze %dma_wait3A_711 : memref<1x112x128xf32, #tpu.memory_space<vmem>> -> memref<112x128xf32, #tpu.memory_space<vmem>>
    tpu.wait_dma2 semaphore(%arg20 : memref<!tpu.dma_semaphore, #tpu.memory_space<semaphore_mem>>) src(%dma_wait3A_712 : memref<112x128xf32, #tpu.memory_space<vmem>>) dst(%dma_wait3A_708 : memref<112x128xf32, #tpu.memory_space<hbm>>)
    %dma_start3A_713 = arith.constant 10 : i32
    %dma_start3A_714 = arith.constant 3 : i32
    %dma_start3A_715 = arith.constant 0 : i32
    %dma_start3A_716 = arith.constant 0 : i32
    %dma_start3A_717 = tpu.memref_slice %arg9[%dma_start3A_714, %dma_start3A_715, %dma_start3A_716] : memref<7x112x128xf32, #tpu.memory_space<vmem>> -> memref<1x112x128xf32, #tpu.memory_space<vmem>>
    %dma_start3A_718 = tpu.memref_squeeze %dma_start3A_717 : memref<1x112x128xf32, #tpu.memory_space<vmem>> -> memref<112x128xf32, #tpu.memory_space<vmem>>
    %dma_start3A_719 = arith.constant 0 : i32
    %dma_start3A_720 = tpu.memref_slice %arg7[%dma_start3A_713, %dma_start3A_719] : memref<28x112xi32, #tpu.memory_space<vmem>> -> memref<1x112xi32, #tpu.memory_space<vmem>>
    %dma_start3A_721 = tpu.memref_squeeze %dma_start3A_720 : memref<1x112xi32, #tpu.memory_space<vmem>> -> memref<112xi32, #tpu.memory_space<vmem>>
    %dma_start3A_722 = arith.constant 0 : i32
    %dma_start3A_723 = arith.constant 0 : i32
    %dma_start3A_724 = tpu.memref_slice %arg2[%dma_start3A_722, %dma_start3A_723] : memref<200000x128xf32, #tpu.memory_space<hbm>> -> memref<200000x128xf32, #tpu.memory_space<hbm>>
    tpu.enqueue_indirect_dma source(%dma_start3A_724 : memref<200000x128xf32, #tpu.memory_space<hbm>>) target(%dma_start3A_718 : memref<112x128xf32, #tpu.memory_space<vmem>>) offsets(%dma_start3A_721 : memref<112xi32, #tpu.memory_space<vmem>>) semaphore(%arg13 : memref<!tpu.dma_semaphore, #tpu.memory_space<semaphore_mem>>)
    %dma_wait3A_725 = arith.constant 7 : i32
    %dma_wait3A_726 = arith.constant 0 : i32
    %dma_wait3A_727 = arith.constant 0 : i32
    %dma_wait3A_728 = arith.constant 0 : i32
    %dma_wait3A_729 = tpu.memref_slice %arg9[%dma_wait3A_726, %dma_wait3A_727, %dma_wait3A_728] : memref<7x112x128xf32, #tpu.memory_space<vmem>> -> memref<1x112x128xf32, #tpu.memory_space<vmem>>
    %dma_wait3A_730 = tpu.memref_squeeze %dma_wait3A_729 : memref<1x112x128xf32, #tpu.memory_space<vmem>> -> memref<112x128xf32, #tpu.memory_space<vmem>>
    %dma_wait3A_731 = arith.constant 0 : i32
    %dma_wait3A_732 = tpu.memref_slice %arg7[%dma_wait3A_725, %dma_wait3A_731] : memref<28x112xi32, #tpu.memory_space<vmem>> -> memref<1x112xi32, #tpu.memory_space<vmem>>
    %dma_wait3A_733 = tpu.memref_squeeze %dma_wait3A_732 : memref<1x112xi32, #tpu.memory_space<vmem>> -> memref<112xi32, #tpu.memory_space<vmem>>
    %dma_wait3A_734 = arith.constant 0 : i32
    %dma_wait3A_735 = arith.constant 0 : i32
    %dma_wait3A_736 = tpu.memref_slice %arg2[%dma_wait3A_734, %dma_wait3A_735] : memref<200000x128xf32, #tpu.memory_space<hbm>> -> memref<200000x128xf32, #tpu.memory_space<hbm>>
    tpu.wait_indirect_dma semaphore(%arg10 : memref<!tpu.dma_semaphore, #tpu.memory_space<semaphore_mem>>) src(%dma_wait3A_736 : memref<200000x128xf32, #tpu.memory_space<hbm>>) dst(%dma_wait3A_730 : memref<112x128xf32, #tpu.memory_space<vmem>>)
    %add3A_737 = arith.constant 784 : i32
    %add3A_738 = arith.addi %min3A_3, %add3A_737 : i32
    %dma_start3A_739 = arith.constant 0 : i32
    %dma_start3A_740 = arith.constant 0 : i32
    %dma_start3A_741 = arith.constant 0 : i32
    %dma_start3A_742 = arith.constant 0 : i32
    %dma_start3A_743 = tpu.memref_slice %arg9[%dma_start3A_739, %dma_start3A_741, %dma_start3A_742] : memref<7x112x128xf32, #tpu.memory_space<vmem>> -> memref<1x112x128xf32, #tpu.memory_space<vmem>>
    %dma_start3A_744 = tpu.memref_squeeze %dma_start3A_743 : memref<1x112x128xf32, #tpu.memory_space<vmem>> -> memref<112x128xf32, #tpu.memory_space<vmem>>
    %dma_start3A_745 = arith.constant 0 : i32
    %dma_start3A_746 = tpu.memref_slice %arg5[%dma_start3A_740, %add3A_738, %dma_start3A_745] : memref<2x50000x128xf32, #tpu.memory_space<hbm>> -> memref<1x112x128xf32, #tpu.memory_space<hbm>>
    %dma_start3A_747 = tpu.memref_squeeze %dma_start3A_746 : memref<1x112x128xf32, #tpu.memory_space<hbm>> -> memref<112x128xf32, #tpu.memory_space<hbm>>
    %dma_start3A_748 = arith.constant 0 : i32
    %dma_start3A_749 = tpu.memref_slice %arg5[%dma_start3A_740, %add3A_738, %dma_start3A_748] : memref<2x50000x128xf32, #tpu.memory_space<hbm>> -> memref<1x112x128xf32, #tpu.memory_space<hbm>>
    %dma_start3A_750 = tpu.memref_squeeze %dma_start3A_749 : memref<1x112x128xf32, #tpu.memory_space<hbm>> -> memref<112x128xf32, #tpu.memory_space<hbm>>
    %dma_start3A_751 = arith.constant 0 : i32
    %dma_start3A_752 = arith.constant 0 : i32
    %dma_start3A_753 = tpu.memref_slice %arg9[%dma_start3A_739, %dma_start3A_751, %dma_start3A_752] : memref<7x112x128xf32, #tpu.memory_space<vmem>> -> memref<1x112x128xf32, #tpu.memory_space<vmem>>
    %dma_start3A_754 = tpu.memref_squeeze %dma_start3A_753 : memref<1x112x128xf32, #tpu.memory_space<vmem>> -> memref<112x128xf32, #tpu.memory_space<vmem>>
    tpu.enqueue_dma source(%dma_start3A_754 : memref<112x128xf32, #tpu.memory_space<vmem>>) target(%dma_start3A_750 : memref<112x128xf32, #tpu.memory_space<hbm>>) target_semaphore(%arg17 : memref<!tpu.dma_semaphore, #tpu.memory_space<semaphore_mem>>)
    %dma_wait3A_755 = arith.constant 4 : i32
    %dma_wait3A_756 = arith.constant 0 : i32
    %dma_wait3A_757 = arith.constant 0 : i32
    %dma_wait3A_758 = arith.constant 0 : i32
    %dma_wait3A_759 = tpu.memref_slice %arg9[%dma_wait3A_755, %dma_wait3A_757, %dma_wait3A_758] : memref<7x112x128xf32, #tpu.memory_space<vmem>> -> memref<1x112x128xf32, #tpu.memory_space<vmem>>
    %dma_wait3A_760 = tpu.memref_squeeze %dma_wait3A_759 : memref<1x112x128xf32, #tpu.memory_space<vmem>> -> memref<112x128xf32, #tpu.memory_space<vmem>>
    %dma_wait3A_761 = arith.constant 0 : i32
    %dma_wait3A_762 = tpu.memref_slice %arg5[%dma_wait3A_756, %add3A_564, %dma_wait3A_761] : memref<2x50000x128xf32, #tpu.memory_space<hbm>> -> memref<1x112x128xf32, #tpu.memory_space<hbm>>
    %dma_wait3A_763 = tpu.memref_squeeze %dma_wait3A_762 : memref<1x112x128xf32, #tpu.memory_space<hbm>> -> memref<112x128xf32, #tpu.memory_space<hbm>>
    %dma_wait3A_764 = arith.constant 0 : i32
    %dma_wait3A_765 = tpu.memref_slice %arg5[%dma_wait3A_756, %add3A_564, %dma_wait3A_764] : memref<2x50000x128xf32, #tpu.memory_space<hbm>> -> memref<1x112x128xf32, #tpu.memory_space<hbm>>
    %dma_wait3A_766 = tpu.memref_squeeze %dma_wait3A_765 : memref<1x112x128xf32, #tpu.memory_space<hbm>> -> memref<112x128xf32, #tpu.memory_space<hbm>>
    %dma_wait3A_767 = arith.constant 0 : i32
    %dma_wait3A_768 = arith.constant 0 : i32
    %dma_wait3A_769 = tpu.memref_slice %arg9[%dma_wait3A_755, %dma_wait3A_767, %dma_wait3A_768] : memref<7x112x128xf32, #tpu.memory_space<vmem>> -> memref<1x112x128xf32, #tpu.memory_space<vmem>>
    %dma_wait3A_770 = tpu.memref_squeeze %dma_wait3A_769 : memref<1x112x128xf32, #tpu.memory_space<vmem>> -> memref<112x128xf32, #tpu.memory_space<vmem>>
    tpu.wait_dma2 semaphore(%arg21 : memref<!tpu.dma_semaphore, #tpu.memory_space<semaphore_mem>>) src(%dma_wait3A_770 : memref<112x128xf32, #tpu.memory_space<vmem>>) dst(%dma_wait3A_766 : memref<112x128xf32, #tpu.memory_space<hbm>>)
    %dma_start3A_771 = arith.constant 11 : i32
    %dma_start3A_772 = arith.constant 4 : i32
    %dma_start3A_773 = arith.constant 0 : i32
    %dma_start3A_774 = arith.constant 0 : i32
    %dma_start3A_775 = tpu.memref_slice %arg9[%dma_start3A_772, %dma_start3A_773, %dma_start3A_774] : memref<7x112x128xf32, #tpu.memory_space<vmem>> -> memref<1x112x128xf32, #tpu.memory_space<vmem>>
    %dma_start3A_776 = tpu.memref_squeeze %dma_start3A_775 : memref<1x112x128xf32, #tpu.memory_space<vmem>> -> memref<112x128xf32, #tpu.memory_space<vmem>>
    %dma_start3A_777 = arith.constant 0 : i32
    %dma_start3A_778 = tpu.memref_slice %arg7[%dma_start3A_771, %dma_start3A_777] : memref<28x112xi32, #tpu.memory_space<vmem>> -> memref<1x112xi32, #tpu.memory_space<vmem>>
    %dma_start3A_779 = tpu.memref_squeeze %dma_start3A_778 : memref<1x112xi32, #tpu.memory_space<vmem>> -> memref<112xi32, #tpu.memory_space<vmem>>
    %dma_start3A_780 = arith.constant 0 : i32
    %dma_start3A_781 = arith.constant 0 : i32
    %dma_start3A_782 = tpu.memref_slice %arg2[%dma_start3A_780, %dma_start3A_781] : memref<200000x128xf32, #tpu.memory_space<hbm>> -> memref<200000x128xf32, #tpu.memory_space<hbm>>
    tpu.enqueue_indirect_dma source(%dma_start3A_782 : memref<200000x128xf32, #tpu.memory_space<hbm>>) target(%dma_start3A_776 : memref<112x128xf32, #tpu.memory_space<vmem>>) offsets(%dma_start3A_779 : memref<112xi32, #tpu.memory_space<vmem>>) semaphore(%arg14 : memref<!tpu.dma_semaphore, #tpu.memory_space<semaphore_mem>>)
    %dma_wait3A_783 = arith.constant 8 : i32
    %dma_wait3A_784 = arith.constant 1 : i32
    %dma_wait3A_785 = arith.constant 0 : i32
    %dma_wait3A_786 = arith.constant 0 : i32
    %dma_wait3A_787 = tpu.memref_slice %arg9[%dma_wait3A_784, %dma_wait3A_785, %dma_wait3A_786] : memref<7x112x128xf32, #tpu.memory_space<vmem>> -> memref<1x112x128xf32, #tpu.memory_space<vmem>>
    %dma_wait3A_788 = tpu.memref_squeeze %dma_wait3A_787 : memref<1x112x128xf32, #tpu.memory_space<vmem>> -> memref<112x128xf32, #tpu.memory_space<vmem>>
    %dma_wait3A_789 = arith.constant 0 : i32
    %dma_wait3A_790 = tpu.memref_slice %arg7[%dma_wait3A_783, %dma_wait3A_789] : memref<28x112xi32, #tpu.memory_space<vmem>> -> memref<1x112xi32, #tpu.memory_space<vmem>>
    %dma_wait3A_791 = tpu.memref_squeeze %dma_wait3A_790 : memref<1x112xi32, #tpu.memory_space<vmem>> -> memref<112xi32, #tpu.memory_space<vmem>>
    %dma_wait3A_792 = arith.constant 0 : i32
    %dma_wait3A_793 = arith.constant 0 : i32
    %dma_wait3A_794 = tpu.memref_slice %arg2[%dma_wait3A_792, %dma_wait3A_793] : memref<200000x128xf32, #tpu.memory_space<hbm>> -> memref<200000x128xf32, #tpu.memory_space<hbm>>
    tpu.wait_indirect_dma semaphore(%arg11 : memref<!tpu.dma_semaphore, #tpu.memory_space<semaphore_mem>>) src(%dma_wait3A_794 : memref<200000x128xf32, #tpu.memory_space<hbm>>) dst(%dma_wait3A_788 : memref<112x128xf32, #tpu.memory_space<vmem>>)
    %add3A_795 = arith.constant 896 : i32
    %add3A_796 = arith.addi %min3A_3, %add3A_795 : i32
    %dma_start3A_797 = arith.constant 1 : i32
    %dma_start3A_798 = arith.constant 0 : i32
    %dma_start3A_799 = arith.constant 0 : i32
    %dma_start3A_800 = arith.constant 0 : i32
    %dma_start3A_801 = tpu.memref_slice %arg9[%dma_start3A_797, %dma_start3A_799, %dma_start3A_800] : memref<7x112x128xf32, #tpu.memory_space<vmem>> -> memref<1x112x128xf32, #tpu.memory_space<vmem>>
    %dma_start3A_802 = tpu.memref_squeeze %dma_start3A_801 : memref<1x112x128xf32, #tpu.memory_space<vmem>> -> memref<112x128xf32, #tpu.memory_space<vmem>>
    %dma_start3A_803 = arith.constant 0 : i32
    %dma_start3A_804 = tpu.memref_slice %arg5[%dma_start3A_798, %add3A_796, %dma_start3A_803] : memref<2x50000x128xf32, #tpu.memory_space<hbm>> -> memref<1x112x128xf32, #tpu.memory_space<hbm>>
    %dma_start3A_805 = tpu.memref_squeeze %dma_start3A_804 : memref<1x112x128xf32, #tpu.memory_space<hbm>> -> memref<112x128xf32, #tpu.memory_space<hbm>>
    %dma_start3A_806 = arith.constant 0 : i32
    %dma_start3A_807 = tpu.memref_slice %arg5[%dma_start3A_798, %add3A_796, %dma_start3A_806] : memref<2x50000x128xf32, #tpu.memory_space<hbm>> -> memref<1x112x128xf32, #tpu.memory_space<hbm>>
    %dma_start3A_808 = tpu.memref_squeeze %dma_start3A_807 : memref<1x112x128xf32, #tpu.memory_space<hbm>> -> memref<112x128xf32, #tpu.memory_space<hbm>>
    %dma_start3A_809 = arith.constant 0 : i32
    %dma_start3A_810 = arith.constant 0 : i32
    %dma_start3A_811 = tpu.memref_slice %arg9[%dma_start3A_797, %dma_start3A_809, %dma_start3A_810] : memref<7x112x128xf32, #tpu.memory_space<vmem>> -> memref<1x112x128xf32, #tpu.memory_space<vmem>>
    %dma_start3A_812 = tpu.memref_squeeze %dma_start3A_811 : memref<1x112x128xf32, #tpu.memory_space<vmem>> -> memref<112x128xf32, #tpu.memory_space<vmem>>
    tpu.enqueue_dma source(%dma_start3A_812 : memref<112x128xf32, #tpu.memory_space<vmem>>) target(%dma_start3A_808 : memref<112x128xf32, #tpu.memory_space<hbm>>) target_semaphore(%arg18 : memref<!tpu.dma_semaphore, #tpu.memory_space<semaphore_mem>>)
    %dma_wait3A_813 = arith.constant 5 : i32
    %dma_wait3A_814 = arith.constant 0 : i32
    %dma_wait3A_815 = arith.constant 0 : i32
    %dma_wait3A_816 = arith.constant 0 : i32
    %dma_wait3A_817 = tpu.memref_slice %arg9[%dma_wait3A_813, %dma_wait3A_815, %dma_wait3A_816] : memref<7x112x128xf32, #tpu.memory_space<vmem>> -> memref<1x112x128xf32, #tpu.memory_space<vmem>>
    %dma_wait3A_818 = tpu.memref_squeeze %dma_wait3A_817 : memref<1x112x128xf32, #tpu.memory_space<vmem>> -> memref<112x128xf32, #tpu.memory_space<vmem>>
    %dma_wait3A_819 = arith.constant 0 : i32
    %dma_wait3A_820 = tpu.memref_slice %arg5[%dma_wait3A_814, %add3A_622, %dma_wait3A_819] : memref<2x50000x128xf32, #tpu.memory_space<hbm>> -> memref<1x112x128xf32, #tpu.memory_space<hbm>>
    %dma_wait3A_821 = tpu.memref_squeeze %dma_wait3A_820 : memref<1x112x128xf32, #tpu.memory_space<hbm>> -> memref<112x128xf32, #tpu.memory_space<hbm>>
    %dma_wait3A_822 = arith.constant 0 : i32
    %dma_wait3A_823 = tpu.memref_slice %arg5[%dma_wait3A_814, %add3A_622, %dma_wait3A_822] : memref<2x50000x128xf32, #tpu.memory_space<hbm>> -> memref<1x112x128xf32, #tpu.memory_space<hbm>>
    %dma_wait3A_824 = tpu.memref_squeeze %dma_wait3A_823 : memref<1x112x128xf32, #tpu.memory_space<hbm>> -> memref<112x128xf32, #tpu.memory_space<hbm>>
    %dma_wait3A_825 = arith.constant 0 : i32
    %dma_wait3A_826 = arith.constant 0 : i32
    %dma_wait3A_827 = tpu.memref_slice %arg9[%dma_wait3A_813, %dma_wait3A_825, %dma_wait3A_826] : memref<7x112x128xf32, #tpu.memory_space<vmem>> -> memref<1x112x128xf32, #tpu.memory_space<vmem>>
    %dma_wait3A_828 = tpu.memref_squeeze %dma_wait3A_827 : memref<1x112x128xf32, #tpu.memory_space<vmem>> -> memref<112x128xf32, #tpu.memory_space<vmem>>
    tpu.wait_dma2 semaphore(%arg22 : memref<!tpu.dma_semaphore, #tpu.memory_space<semaphore_mem>>) src(%dma_wait3A_828 : memref<112x128xf32, #tpu.memory_space<vmem>>) dst(%dma_wait3A_824 : memref<112x128xf32, #tpu.memory_space<hbm>>)
    %dma_start3A_829 = arith.constant 12 : i32
    %dma_start3A_830 = arith.constant 5 : i32
    %dma_start3A_831 = arith.constant 0 : i32
    %dma_start3A_832 = arith.constant 0 : i32
    %dma_start3A_833 = tpu.memref_slice %arg9[%dma_start3A_830, %dma_start3A_831, %dma_start3A_832] : memref<7x112x128xf32, #tpu.memory_space<vmem>> -> memref<1x112x128xf32, #tpu.memory_space<vmem>>
    %dma_start3A_834 = tpu.memref_squeeze %dma_start3A_833 : memref<1x112x128xf32, #tpu.memory_space<vmem>> -> memref<112x128xf32, #tpu.memory_space<vmem>>
    %dma_start3A_835 = arith.constant 0 : i32
    %dma_start3A_836 = tpu.memref_slice %arg7[%dma_start3A_829, %dma_start3A_835] : memref<28x112xi32, #tpu.memory_space<vmem>> -> memref<1x112xi32, #tpu.memory_space<vmem>>
    %dma_start3A_837 = tpu.memref_squeeze %dma_start3A_836 : memref<1x112xi32, #tpu.memory_space<vmem>> -> memref<112xi32, #tpu.memory_space<vmem>>
    %dma_start3A_838 = arith.constant 0 : i32
    %dma_start3A_839 = arith.constant 0 : i32
    %dma_start3A_840 = tpu.memref_slice %arg2[%dma_start3A_838, %dma_start3A_839] : memref<200000x128xf32, #tpu.memory_space<hbm>> -> memref<200000x128xf32, #tpu.memory_space<hbm>>
    tpu.enqueue_indirect_dma source(%dma_start3A_840 : memref<200000x128xf32, #tpu.memory_space<hbm>>) target(%dma_start3A_834 : memref<112x128xf32, #tpu.memory_space<vmem>>) offsets(%dma_start3A_837 : memref<112xi32, #tpu.memory_space<vmem>>) semaphore(%arg15 : memref<!tpu.dma_semaphore, #tpu.memory_space<semaphore_mem>>)
    %dma_wait3A_841 = arith.constant 9 : i32
    %dma_wait3A_842 = arith.constant 2 : i32
    %dma_wait3A_843 = arith.constant 0 : i32
    %dma_wait3A_844 = arith.constant 0 : i32
    %dma_wait3A_845 = tpu.memref_slice %arg9[%dma_wait3A_842, %dma_wait3A_843, %dma_wait3A_844] : memref<7x112x128xf32, #tpu.memory_space<vmem>> -> memref<1x112x128xf32, #tpu.memory_space<vmem>>
    %dma_wait3A_846 = tpu.memref_squeeze %dma_wait3A_845 : memref<1x112x128xf32, #tpu.memory_space<vmem>> -> memref<112x128xf32, #tpu.memory_space<vmem>>
    %dma_wait3A_847 = arith.constant 0 : i32
    %dma_wait3A_848 = tpu.memref_slice %arg7[%dma_wait3A_841, %dma_wait3A_847] : memref<28x112xi32, #tpu.memory_space<vmem>> -> memref<1x112xi32, #tpu.memory_space<vmem>>
    %dma_wait3A_849 = tpu.memref_squeeze %dma_wait3A_848 : memref<1x112xi32, #tpu.memory_space<vmem>> -> memref<112xi32, #tpu.memory_space<vmem>>
    %dma_wait3A_850 = arith.constant 0 : i32
    %dma_wait3A_851 = arith.constant 0 : i32
    %dma_wait3A_852 = tpu.memref_slice %arg2[%dma_wait3A_850, %dma_wait3A_851] : memref<200000x128xf32, #tpu.memory_space<hbm>> -> memref<200000x128xf32, #tpu.memory_space<hbm>>
    tpu.wait_indirect_dma semaphore(%arg12 : memref<!tpu.dma_semaphore, #tpu.memory_space<semaphore_mem>>) src(%dma_wait3A_852 : memref<200000x128xf32, #tpu.memory_space<hbm>>) dst(%dma_wait3A_846 : memref<112x128xf32, #tpu.memory_space<vmem>>)
    %add3A_853 = arith.constant 1008 : i32
    %add3A_854 = arith.addi %min3A_3, %add3A_853 : i32
    %dma_start3A_855 = arith.constant 2 : i32
    %dma_start3A_856 = arith.constant 0 : i32
    %dma_start3A_857 = arith.constant 0 : i32
    %dma_start3A_858 = arith.constant 0 : i32
    %dma_start3A_859 = tpu.memref_slice %arg9[%dma_start3A_855, %dma_start3A_857, %dma_start3A_858] : memref<7x112x128xf32, #tpu.memory_space<vmem>> -> memref<1x112x128xf32, #tpu.memory_space<vmem>>
    %dma_start3A_860 = tpu.memref_squeeze %dma_start3A_859 : memref<1x112x128xf32, #tpu.memory_space<vmem>> -> memref<112x128xf32, #tpu.memory_space<vmem>>
    %dma_start3A_861 = arith.constant 0 : i32
    %dma_start3A_862 = tpu.memref_slice %arg5[%dma_start3A_856, %add3A_854, %dma_start3A_861] : memref<2x50000x128xf32, #tpu.memory_space<hbm>> -> memref<1x112x128xf32, #tpu.memory_space<hbm>>
    %dma_start3A_863 = tpu.memref_squeeze %dma_start3A_862 : memref<1x112x128xf32, #tpu.memory_space<hbm>> -> memref<112x128xf32, #tpu.memory_space<hbm>>
    %dma_start3A_864 = arith.constant 0 : i32
    %dma_start3A_865 = tpu.memref_slice %arg5[%dma_start3A_856, %add3A_854, %dma_start3A_864] : memref<2x50000x128xf32, #tpu.memory_space<hbm>> -> memref<1x112x128xf32, #tpu.memory_space<hbm>>
    %dma_start3A_866 = tpu.memref_squeeze %dma_start3A_865 : memref<1x112x128xf32, #tpu.memory_space<hbm>> -> memref<112x128xf32, #tpu.memory_space<hbm>>
    %dma_start3A_867 = arith.constant 0 : i32
    %dma_start3A_868 = arith.constant 0 : i32
    %dma_start3A_869 = tpu.memref_slice %arg9[%dma_start3A_855, %dma_start3A_867, %dma_start3A_868] : memref<7x112x128xf32, #tpu.memory_space<vmem>> -> memref<1x112x128xf32, #tpu.memory_space<vmem>>
    %dma_start3A_870 = tpu.memref_squeeze %dma_start3A_869 : memref<1x112x128xf32, #tpu.memory_space<vmem>> -> memref<112x128xf32, #tpu.memory_space<vmem>>
    tpu.enqueue_dma source(%dma_start3A_870 : memref<112x128xf32, #tpu.memory_space<vmem>>) target(%dma_start3A_866 : memref<112x128xf32, #tpu.memory_space<hbm>>) target_semaphore(%arg19 : memref<!tpu.dma_semaphore, #tpu.memory_space<semaphore_mem>>)
    %dma_wait3A_871 = arith.constant 6 : i32
    %dma_wait3A_872 = arith.constant 0 : i32
    %dma_wait3A_873 = arith.constant 0 : i32
    %dma_wait3A_874 = arith.constant 0 : i32
    %dma_wait3A_875 = tpu.memref_slice %arg9[%dma_wait3A_871, %dma_wait3A_873, %dma_wait3A_874] : memref<7x112x128xf32, #tpu.memory_space<vmem>> -> memref<1x112x128xf32, #tpu.memory_space<vmem>>
    %dma_wait3A_876 = tpu.memref_squeeze %dma_wait3A_875 : memref<1x112x128xf32, #tpu.memory_space<vmem>> -> memref<112x128xf32, #tpu.memory_space<vmem>>
    %dma_wait3A_877 = arith.constant 0 : i32
    %dma_wait3A_878 = tpu.memref_slice %arg5[%dma_wait3A_872, %add3A_680, %dma_wait3A_877] : memref<2x50000x128xf32, #tpu.memory_space<hbm>> -> memref<1x112x128xf32, #tpu.memory_space<hbm>>
    %dma_wait3A_879 = tpu.memref_squeeze %dma_wait3A_878 : memref<1x112x128xf32, #tpu.memory_space<hbm>> -> memref<112x128xf32, #tpu.memory_space<hbm>>
    %dma_wait3A_880 = arith.constant 0 : i32
    %dma_wait3A_881 = tpu.memref_slice %arg5[%dma_wait3A_872, %add3A_680, %dma_wait3A_880] : memref<2x50000x128xf32, #tpu.memory_space<hbm>> -> memref<1x112x128xf32, #tpu.memory_space<hbm>>
    %dma_wait3A_882 = tpu.memref_squeeze %dma_wait3A_881 : memref<1x112x128xf32, #tpu.memory_space<hbm>> -> memref<112x128xf32, #tpu.memory_space<hbm>>
    %dma_wait3A_883 = arith.constant 0 : i32
    %dma_wait3A_884 = arith.constant 0 : i32
    %dma_wait3A_885 = tpu.memref_slice %arg9[%dma_wait3A_871, %dma_wait3A_883, %dma_wait3A_884] : memref<7x112x128xf32, #tpu.memory_space<vmem>> -> memref<1x112x128xf32, #tpu.memory_space<vmem>>
    %dma_wait3A_886 = tpu.memref_squeeze %dma_wait3A_885 : memref<1x112x128xf32, #tpu.memory_space<vmem>> -> memref<112x128xf32, #tpu.memory_space<vmem>>
    tpu.wait_dma2 semaphore(%arg23 : memref<!tpu.dma_semaphore, #tpu.memory_space<semaphore_mem>>) src(%dma_wait3A_886 : memref<112x128xf32, #tpu.memory_space<vmem>>) dst(%dma_wait3A_882 : memref<112x128xf32, #tpu.memory_space<hbm>>)
    %dma_start3A_887 = arith.constant 13 : i32
    %dma_start3A_888 = arith.constant 6 : i32
    %dma_start3A_889 = arith.constant 0 : i32
    %dma_start3A_890 = arith.constant 0 : i32
    %dma_start3A_891 = tpu.memref_slice %arg9[%dma_start3A_888, %dma_start3A_889, %dma_start3A_890] : memref<7x112x128xf32, #tpu.memory_space<vmem>> -> memref<1x112x128xf32, #tpu.memory_space<vmem>>
    %dma_start3A_892 = tpu.memref_squeeze %dma_start3A_891 : memref<1x112x128xf32, #tpu.memory_space<vmem>> -> memref<112x128xf32, #tpu.memory_space<vmem>>
    %dma_start3A_893 = arith.constant 0 : i32
    %dma_start3A_894 = tpu.memref_slice %arg7[%dma_start3A_887, %dma_start3A_893] : memref<28x112xi32, #tpu.memory_space<vmem>> -> memref<1x112xi32, #tpu.memory_space<vmem>>
    %dma_start3A_895 = tpu.memref_squeeze %dma_start3A_894 : memref<1x112xi32, #tpu.memory_space<vmem>> -> memref<112xi32, #tpu.memory_space<vmem>>
    %dma_start3A_896 = arith.constant 0 : i32
    %dma_start3A_897 = arith.constant 0 : i32
    %dma_start3A_898 = tpu.memref_slice %arg2[%dma_start3A_896, %dma_start3A_897] : memref<200000x128xf32, #tpu.memory_space<hbm>> -> memref<200000x128xf32, #tpu.memory_space<hbm>>
    tpu.enqueue_indirect_dma source(%dma_start3A_898 : memref<200000x128xf32, #tpu.memory_space<hbm>>) target(%dma_start3A_892 : memref<112x128xf32, #tpu.memory_space<vmem>>) offsets(%dma_start3A_895 : memref<112xi32, #tpu.memory_space<vmem>>) semaphore(%arg16 : memref<!tpu.dma_semaphore, #tpu.memory_space<semaphore_mem>>)
    %dma_wait3A_899 = arith.constant 10 : i32
    %dma_wait3A_900 = arith.constant 3 : i32
    %dma_wait3A_901 = arith.constant 0 : i32
    %dma_wait3A_902 = arith.constant 0 : i32
    %dma_wait3A_903 = tpu.memref_slice %arg9[%dma_wait3A_900, %dma_wait3A_901, %dma_wait3A_902] : memref<7x112x128xf32, #tpu.memory_space<vmem>> -> memref<1x112x128xf32, #tpu.memory_space<vmem>>
    %dma_wait3A_904 = tpu.memref_squeeze %dma_wait3A_903 : memref<1x112x128xf32, #tpu.memory_space<vmem>> -> memref<112x128xf32, #tpu.memory_space<vmem>>
    %dma_wait3A_905 = arith.constant 0 : i32
    %dma_wait3A_906 = tpu.memref_slice %arg7[%dma_wait3A_899, %dma_wait3A_905] : memref<28x112xi32, #tpu.memory_space<vmem>> -> memref<1x112xi32, #tpu.memory_space<vmem>>
    %dma_wait3A_907 = tpu.memref_squeeze %dma_wait3A_906 : memref<1x112xi32, #tpu.memory_space<vmem>> -> memref<112xi32, #tpu.memory_space<vmem>>
    %dma_wait3A_908 = arith.constant 0 : i32
    %dma_wait3A_909 = arith.constant 0 : i32
    %dma_wait3A_910 = tpu.memref_slice %arg2[%dma_wait3A_908, %dma_wait3A_909] : memref<200000x128xf32, #tpu.memory_space<hbm>> -> memref<200000x128xf32, #tpu.memory_space<hbm>>
    tpu.wait_indirect_dma semaphore(%arg13 : memref<!tpu.dma_semaphore, #tpu.memory_space<semaphore_mem>>) src(%dma_wait3A_910 : memref<200000x128xf32, #tpu.memory_space<hbm>>) dst(%dma_wait3A_904 : memref<112x128xf32, #tpu.memory_space<vmem>>)
    %add3A_911 = arith.constant 1120 : i32
    %add3A_912 = arith.addi %min3A_3, %add3A_911 : i32
    %dma_start3A_913 = arith.constant 3 : i32
    %dma_start3A_914 = arith.constant 0 : i32
    %dma_start3A_915 = arith.constant 0 : i32
    %dma_start3A_916 = arith.constant 0 : i32
    %dma_start3A_917 = tpu.memref_slice %arg9[%dma_start3A_913, %dma_start3A_915, %dma_start3A_916] : memref<7x112x128xf32, #tpu.memory_space<vmem>> -> memref<1x112x128xf32, #tpu.memory_space<vmem>>
    %dma_start3A_918 = tpu.memref_squeeze %dma_start3A_917 : memref<1x112x128xf32, #tpu.memory_space<vmem>> -> memref<112x128xf32, #tpu.memory_space<vmem>>
    %dma_start3A_919 = arith.constant 0 : i32
    %dma_start3A_920 = tpu.memref_slice %arg5[%dma_start3A_914, %add3A_912, %dma_start3A_919] : memref<2x50000x128xf32, #tpu.memory_space<hbm>> -> memref<1x112x128xf32, #tpu.memory_space<hbm>>
    %dma_start3A_921 = tpu.memref_squeeze %dma_start3A_920 : memref<1x112x128xf32, #tpu.memory_space<hbm>> -> memref<112x128xf32, #tpu.memory_space<hbm>>
    %dma_start3A_922 = arith.constant 0 : i32
    %dma_start3A_923 = tpu.memref_slice %arg5[%dma_start3A_914, %add3A_912, %dma_start3A_922] : memref<2x50000x128xf32, #tpu.memory_space<hbm>> -> memref<1x112x128xf32, #tpu.memory_space<hbm>>
    %dma_start3A_924 = tpu.memref_squeeze %dma_start3A_923 : memref<1x112x128xf32, #tpu.memory_space<hbm>> -> memref<112x128xf32, #tpu.memory_space<hbm>>
    %dma_start3A_925 = arith.constant 0 : i32
    %dma_start3A_926 = arith.constant 0 : i32
    %dma_start3A_927 = tpu.memref_slice %arg9[%dma_start3A_913, %dma_start3A_925, %dma_start3A_926] : memref<7x112x128xf32, #tpu.memory_space<vmem>> -> memref<1x112x128xf32, #tpu.memory_space<vmem>>
    %dma_start3A_928 = tpu.memref_squeeze %dma_start3A_927 : memref<1x112x128xf32, #tpu.memory_space<vmem>> -> memref<112x128xf32, #tpu.memory_space<vmem>>
    tpu.enqueue_dma source(%dma_start3A_928 : memref<112x128xf32, #tpu.memory_space<vmem>>) target(%dma_start3A_924 : memref<112x128xf32, #tpu.memory_space<hbm>>) target_semaphore(%arg20 : memref<!tpu.dma_semaphore, #tpu.memory_space<semaphore_mem>>)
    %dma_wait3A_929 = arith.constant 0 : i32
    %dma_wait3A_930 = arith.constant 0 : i32
    %dma_wait3A_931 = arith.constant 0 : i32
    %dma_wait3A_932 = arith.constant 0 : i32
    %dma_wait3A_933 = tpu.memref_slice %arg9[%dma_wait3A_929, %dma_wait3A_931, %dma_wait3A_932] : memref<7x112x128xf32, #tpu.memory_space<vmem>> -> memref<1x112x128xf32, #tpu.memory_space<vmem>>
    %dma_wait3A_934 = tpu.memref_squeeze %dma_wait3A_933 : memref<1x112x128xf32, #tpu.memory_space<vmem>> -> memref<112x128xf32, #tpu.memory_space<vmem>>
    %dma_wait3A_935 = arith.constant 0 : i32
    %dma_wait3A_936 = tpu.memref_slice %arg5[%dma_wait3A_930, %add3A_738, %dma_wait3A_935] : memref<2x50000x128xf32, #tpu.memory_space<hbm>> -> memref<1x112x128xf32, #tpu.memory_space<hbm>>
    %dma_wait3A_937 = tpu.memref_squeeze %dma_wait3A_936 : memref<1x112x128xf32, #tpu.memory_space<hbm>> -> memref<112x128xf32, #tpu.memory_space<hbm>>
    %dma_wait3A_938 = arith.constant 0 : i32
    %dma_wait3A_939 = tpu.memref_slice %arg5[%dma_wait3A_930, %add3A_738, %dma_wait3A_938] : memref<2x50000x128xf32, #tpu.memory_space<hbm>> -> memref<1x112x128xf32, #tpu.memory_space<hbm>>
    %dma_wait3A_940 = tpu.memref_squeeze %dma_wait3A_939 : memref<1x112x128xf32, #tpu.memory_space<hbm>> -> memref<112x128xf32, #tpu.memory_space<hbm>>
    %dma_wait3A_941 = arith.constant 0 : i32
    %dma_wait3A_942 = arith.constant 0 : i32
    %dma_wait3A_943 = tpu.memref_slice %arg9[%dma_wait3A_929, %dma_wait3A_941, %dma_wait3A_942] : memref<7x112x128xf32, #tpu.memory_space<vmem>> -> memref<1x112x128xf32, #tpu.memory_space<vmem>>
    %dma_wait3A_944 = tpu.memref_squeeze %dma_wait3A_943 : memref<1x112x128xf32, #tpu.memory_space<vmem>> -> memref<112x128xf32, #tpu.memory_space<vmem>>
    tpu.wait_dma2 semaphore(%arg17 : memref<!tpu.dma_semaphore, #tpu.memory_space<semaphore_mem>>) src(%dma_wait3A_944 : memref<112x128xf32, #tpu.memory_space<vmem>>) dst(%dma_wait3A_940 : memref<112x128xf32, #tpu.memory_space<hbm>>)
    %dma_start3A_945 = arith.constant 14 : i32
    %dma_start3A_946 = arith.constant 0 : i32
    %dma_start3A_947 = arith.constant 0 : i32
    %dma_start3A_948 = arith.constant 0 : i32
    %dma_start3A_949 = tpu.memref_slice %arg9[%dma_start3A_946, %dma_start3A_947, %dma_start3A_948] : memref<7x112x128xf32, #tpu.memory_space<vmem>> -> memref<1x112x128xf32, #tpu.memory_space<vmem>>
    %dma_start3A_950 = tpu.memref_squeeze %dma_start3A_949 : memref<1x112x128xf32, #tpu.memory_space<vmem>> -> memref<112x128xf32, #tpu.memory_space<vmem>>
    %dma_start3A_951 = arith.constant 0 : i32
    %dma_start3A_952 = tpu.memref_slice %arg7[%dma_start3A_945, %dma_start3A_951] : memref<28x112xi32, #tpu.memory_space<vmem>> -> memref<1x112xi32, #tpu.memory_space<vmem>>
    %dma_start3A_953 = tpu.memref_squeeze %dma_start3A_952 : memref<1x112xi32, #tpu.memory_space<vmem>> -> memref<112xi32, #tpu.memory_space<vmem>>
    %dma_start3A_954 = arith.constant 0 : i32
    %dma_start3A_955 = arith.constant 0 : i32
    %dma_start3A_956 = tpu.memref_slice %arg2[%dma_start3A_954, %dma_start3A_955] : memref<200000x128xf32, #tpu.memory_space<hbm>> -> memref<200000x128xf32, #tpu.memory_space<hbm>>
    tpu.enqueue_indirect_dma source(%dma_start3A_956 : memref<200000x128xf32, #tpu.memory_space<hbm>>) target(%dma_start3A_950 : memref<112x128xf32, #tpu.memory_space<vmem>>) offsets(%dma_start3A_953 : memref<112xi32, #tpu.memory_space<vmem>>) semaphore(%arg10 : memref<!tpu.dma_semaphore, #tpu.memory_space<semaphore_mem>>)
    %dma_wait3A_957 = arith.constant 11 : i32
    %dma_wait3A_958 = arith.constant 4 : i32
    %dma_wait3A_959 = arith.constant 0 : i32
    %dma_wait3A_960 = arith.constant 0 : i32
    %dma_wait3A_961 = tpu.memref_slice %arg9[%dma_wait3A_958, %dma_wait3A_959, %dma_wait3A_960] : memref<7x112x128xf32, #tpu.memory_space<vmem>> -> memref<1x112x128xf32, #tpu.memory_space<vmem>>
    %dma_wait3A_962 = tpu.memref_squeeze %dma_wait3A_961 : memref<1x112x128xf32, #tpu.memory_space<vmem>> -> memref<112x128xf32, #tpu.memory_space<vmem>>
    %dma_wait3A_963 = arith.constant 0 : i32
    %dma_wait3A_964 = tpu.memref_slice %arg7[%dma_wait3A_957, %dma_wait3A_963] : memref<28x112xi32, #tpu.memory_space<vmem>> -> memref<1x112xi32, #tpu.memory_space<vmem>>
    %dma_wait3A_965 = tpu.memref_squeeze %dma_wait3A_964 : memref<1x112xi32, #tpu.memory_space<vmem>> -> memref<112xi32, #tpu.memory_space<vmem>>
    %dma_wait3A_966 = arith.constant 0 : i32
    %dma_wait3A_967 = arith.constant 0 : i32
    %dma_wait3A_968 = tpu.memref_slice %arg2[%dma_wait3A_966, %dma_wait3A_967] : memref<200000x128xf32, #tpu.memory_space<hbm>> -> memref<200000x128xf32, #tpu.memory_space<hbm>>
    tpu.wait_indirect_dma semaphore(%arg14 : memref<!tpu.dma_semaphore, #tpu.memory_space<semaphore_mem>>) src(%dma_wait3A_968 : memref<200000x128xf32, #tpu.memory_space<hbm>>) dst(%dma_wait3A_962 : memref<112x128xf32, #tpu.memory_space<vmem>>)
    %add3A_969 = arith.constant 1232 : i32
    %add3A_970 = arith.addi %min3A_3, %add3A_969 : i32
    %dma_start3A_971 = arith.constant 4 : i32
    %dma_start3A_972 = arith.constant 0 : i32
    %dma_start3A_973 = arith.constant 0 : i32
    %dma_start3A_974 = arith.constant 0 : i32
    %dma_start3A_975 = tpu.memref_slice %arg9[%dma_start3A_971, %dma_start3A_973, %dma_start3A_974] : memref<7x112x128xf32, #tpu.memory_space<vmem>> -> memref<1x112x128xf32, #tpu.memory_space<vmem>>
    %dma_start3A_976 = tpu.memref_squeeze %dma_start3A_975 : memref<1x112x128xf32, #tpu.memory_space<vmem>> -> memref<112x128xf32, #tpu.memory_space<vmem>>
    %dma_start3A_977 = arith.constant 0 : i32
    %dma_start3A_978 = tpu.memref_slice %arg5[%dma_start3A_972, %add3A_970, %dma_start3A_977] : memref<2x50000x128xf32, #tpu.memory_space<hbm>> -> memref<1x112x128xf32, #tpu.memory_space<hbm>>
    %dma_start3A_979 = tpu.memref_squeeze %dma_start3A_978 : memref<1x112x128xf32, #tpu.memory_space<hbm>> -> memref<112x128xf32, #tpu.memory_space<hbm>>
    %dma_start3A_980 = arith.constant 0 : i32
    %dma_start3A_981 = tpu.memref_slice %arg5[%dma_start3A_972, %add3A_970, %dma_start3A_980] : memref<2x50000x128xf32, #tpu.memory_space<hbm>> -> memref<1x112x128xf32, #tpu.memory_space<hbm>>
    %dma_start3A_982 = tpu.memref_squeeze %dma_start3A_981 : memref<1x112x128xf32, #tpu.memory_space<hbm>> -> memref<112x128xf32, #tpu.memory_space<hbm>>
    %dma_start3A_983 = arith.constant 0 : i32
    %dma_start3A_984 = arith.constant 0 : i32
    %dma_start3A_985 = tpu.memref_slice %arg9[%dma_start3A_971, %dma_start3A_983, %dma_start3A_984] : memref<7x112x128xf32, #tpu.memory_space<vmem>> -> memref<1x112x128xf32, #tpu.memory_space<vmem>>
    %dma_start3A_986 = tpu.memref_squeeze %dma_start3A_985 : memref<1x112x128xf32, #tpu.memory_space<vmem>> -> memref<112x128xf32, #tpu.memory_space<vmem>>
    tpu.enqueue_dma source(%dma_start3A_986 : memref<112x128xf32, #tpu.memory_space<vmem>>) target(%dma_start3A_982 : memref<112x128xf32, #tpu.memory_space<hbm>>) target_semaphore(%arg21 : memref<!tpu.dma_semaphore, #tpu.memory_space<semaphore_mem>>)
    %dma_wait3A_987 = arith.constant 1 : i32
    %dma_wait3A_988 = arith.constant 0 : i32
    %dma_wait3A_989 = arith.constant 0 : i32
    %dma_wait3A_990 = arith.constant 0 : i32
    %dma_wait3A_991 = tpu.memref_slice %arg9[%dma_wait3A_987, %dma_wait3A_989, %dma_wait3A_990] : memref<7x112x128xf32, #tpu.memory_space<vmem>> -> memref<1x112x128xf32, #tpu.memory_space<vmem>>
    %dma_wait3A_992 = tpu.memref_squeeze %dma_wait3A_991 : memref<1x112x128xf32, #tpu.memory_space<vmem>> -> memref<112x128xf32, #tpu.memory_space<vmem>>
    %dma_wait3A_993 = arith.constant 0 : i32
    %dma_wait3A_994 = tpu.memref_slice %arg5[%dma_wait3A_988, %add3A_796, %dma_wait3A_993] : memref<2x50000x128xf32, #tpu.memory_space<hbm>> -> memref<1x112x128xf32, #tpu.memory_space<hbm>>
    %dma_wait3A_995 = tpu.memref_squeeze %dma_wait3A_994 : memref<1x112x128xf32, #tpu.memory_space<hbm>> -> memref<112x128xf32, #tpu.memory_space<hbm>>
    %dma_wait3A_996 = arith.constant 0 : i32
    %dma_wait3A_997 = tpu.memref_slice %arg5[%dma_wait3A_988, %add3A_796, %dma_wait3A_996] : memref<2x50000x128xf32, #tpu.memory_space<hbm>> -> memref<1x112x128xf32, #tpu.memory_space<hbm>>
    %dma_wait3A_998 = tpu.memref_squeeze %dma_wait3A_997 : memref<1x112x128xf32, #tpu.memory_space<hbm>> -> memref<112x128xf32, #tpu.memory_space<hbm>>
    %dma_wait3A_999 = arith.constant 0 : i32
    %dma_wait3A_1000 = arith.constant 0 : i32
    %dma_wait3A_1001 = tpu.memref_slice %arg9[%dma_wait3A_987, %dma_wait3A_999, %dma_wait3A_1000] : memref<7x112x128xf32, #tpu.memory_space<vmem>> -> memref<1x112x128xf32, #tpu.memory_space<vmem>>
    %dma_wait3A_1002 = tpu.memref_squeeze %dma_wait3A_1001 : memref<1x112x128xf32, #tpu.memory_space<vmem>> -> memref<112x128xf32, #tpu.memory_space<vmem>>
    tpu.wait_dma2 semaphore(%arg18 : memref<!tpu.dma_semaphore, #tpu.memory_space<semaphore_mem>>) src(%dma_wait3A_1002 : memref<112x128xf32, #tpu.memory_space<vmem>>) dst(%dma_wait3A_998 : memref<112x128xf32, #tpu.memory_space<hbm>>)
    %dma_start3A_1003 = arith.constant 15 : i32
    %dma_start3A_1004 = arith.constant 1 : i32
    %dma_start3A_1005 = arith.constant 0 : i32
    %dma_start3A_1006 = arith.constant 0 : i32
    %dma_start3A_1007 = tpu.memref_slice %arg9[%dma_start3A_1004, %dma_start3A_1005, %dma_start3A_1006] : memref<7x112x128xf32, #tpu.memory_space<vmem>> -> memref<1x112x128xf32, #tpu.memory_space<vmem>>
    %dma_start3A_1008 = tpu.memref_squeeze %dma_start3A_1007 : memref<1x112x128xf32, #tpu.memory_space<vmem>> -> memref<112x128xf32, #tpu.memory_space<vmem>>
    %dma_start3A_1009 = arith.constant 0 : i32
    %dma_start3A_1010 = tpu.memref_slice %arg7[%dma_start3A_1003, %dma_start3A_1009] : memref<28x112xi32, #tpu.memory_space<vmem>> -> memref<1x112xi32, #tpu.memory_space<vmem>>
    %dma_start3A_1011 = tpu.memref_squeeze %dma_start3A_1010 : memref<1x112xi32, #tpu.memory_space<vmem>> -> memref<112xi32, #tpu.memory_space<vmem>>
    %dma_start3A_1012 = arith.constant 0 : i32
    %dma_start3A_1013 = arith.constant 0 : i32
    %dma_start3A_1014 = tpu.memref_slice %arg2[%dma_start3A_1012, %dma_start3A_1013] : memref<200000x128xf32, #tpu.memory_space<hbm>> -> memref<200000x128xf32, #tpu.memory_space<hbm>>
    tpu.enqueue_indirect_dma source(%dma_start3A_1014 : memref<200000x128xf32, #tpu.memory_space<hbm>>) target(%dma_start3A_1008 : memref<112x128xf32, #tpu.memory_space<vmem>>) offsets(%dma_start3A_1011 : memref<112xi32, #tpu.memory_space<vmem>>) semaphore(%arg11 : memref<!tpu.dma_semaphore, #tpu.memory_space<semaphore_mem>>)
    %dma_wait3A_1015 = arith.constant 12 : i32
    %dma_wait3A_1016 = arith.constant 5 : i32
    %dma_wait3A_1017 = arith.constant 0 : i32
    %dma_wait3A_1018 = arith.constant 0 : i32
    %dma_wait3A_1019 = tpu.memref_slice %arg9[%dma_wait3A_1016, %dma_wait3A_1017, %dma_wait3A_1018] : memref<7x112x128xf32, #tpu.memory_space<vmem>> -> memref<1x112x128xf32, #tpu.memory_space<vmem>>
    %dma_wait3A_1020 = tpu.memref_squeeze %dma_wait3A_1019 : memref<1x112x128xf32, #tpu.memory_space<vmem>> -> memref<112x128xf32, #tpu.memory_space<vmem>>
    %dma_wait3A_1021 = arith.constant 0 : i32
    %dma_wait3A_1022 = tpu.memref_slice %arg7[%dma_wait3A_1015, %dma_wait3A_1021] : memref<28x112xi32, #tpu.memory_space<vmem>> -> memref<1x112xi32, #tpu.memory_space<vmem>>
    %dma_wait3A_1023 = tpu.memref_squeeze %dma_wait3A_1022 : memref<1x112xi32, #tpu.memory_space<vmem>> -> memref<112xi32, #tpu.memory_space<vmem>>
    %dma_wait3A_1024 = arith.constant 0 : i32
    %dma_wait3A_1025 = arith.constant 0 : i32
    %dma_wait3A_1026 = tpu.memref_slice %arg2[%dma_wait3A_1024, %dma_wait3A_1025] : memref<200000x128xf32, #tpu.memory_space<hbm>> -> memref<200000x128xf32, #tpu.memory_space<hbm>>
    tpu.wait_indirect_dma semaphore(%arg15 : memref<!tpu.dma_semaphore, #tpu.memory_space<semaphore_mem>>) src(%dma_wait3A_1026 : memref<200000x128xf32, #tpu.memory_space<hbm>>) dst(%dma_wait3A_1020 : memref<112x128xf32, #tpu.memory_space<vmem>>)
    %add3A_1027 = arith.constant 1344 : i32
    %add3A_1028 = arith.addi %min3A_3, %add3A_1027 : i32
    %dma_start3A_1029 = arith.constant 5 : i32
    %dma_start3A_1030 = arith.constant 0 : i32
    %dma_start3A_1031 = arith.constant 0 : i32
    %dma_start3A_1032 = arith.constant 0 : i32
    %dma_start3A_1033 = tpu.memref_slice %arg9[%dma_start3A_1029, %dma_start3A_1031, %dma_start3A_1032] : memref<7x112x128xf32, #tpu.memory_space<vmem>> -> memref<1x112x128xf32, #tpu.memory_space<vmem>>
    %dma_start3A_1034 = tpu.memref_squeeze %dma_start3A_1033 : memref<1x112x128xf32, #tpu.memory_space<vmem>> -> memref<112x128xf32, #tpu.memory_space<vmem>>
    %dma_start3A_1035 = arith.constant 0 : i32
    %dma_start3A_1036 = tpu.memref_slice %arg5[%dma_start3A_1030, %add3A_1028, %dma_start3A_1035] : memref<2x50000x128xf32, #tpu.memory_space<hbm>> -> memref<1x112x128xf32, #tpu.memory_space<hbm>>
    %dma_start3A_1037 = tpu.memref_squeeze %dma_start3A_1036 : memref<1x112x128xf32, #tpu.memory_space<hbm>> -> memref<112x128xf32, #tpu.memory_space<hbm>>
    %dma_start3A_1038 = arith.constant 0 : i32
    %dma_start3A_1039 = tpu.memref_slice %arg5[%dma_start3A_1030, %add3A_1028, %dma_start3A_1038] : memref<2x50000x128xf32, #tpu.memory_space<hbm>> -> memref<1x112x128xf32, #tpu.memory_space<hbm>>
    %dma_start3A_1040 = tpu.memref_squeeze %dma_start3A_1039 : memref<1x112x128xf32, #tpu.memory_space<hbm>> -> memref<112x128xf32, #tpu.memory_space<hbm>>
    %dma_start3A_1041 = arith.constant 0 : i32
    %dma_start3A_1042 = arith.constant 0 : i32
    %dma_start3A_1043 = tpu.memref_slice %arg9[%dma_start3A_1029, %dma_start3A_1041, %dma_start3A_1042] : memref<7x112x128xf32, #tpu.memory_space<vmem>> -> memref<1x112x128xf32, #tpu.memory_space<vmem>>
    %dma_start3A_1044 = tpu.memref_squeeze %dma_start3A_1043 : memref<1x112x128xf32, #tpu.memory_space<vmem>> -> memref<112x128xf32, #tpu.memory_space<vmem>>
    tpu.enqueue_dma source(%dma_start3A_1044 : memref<112x128xf32, #tpu.memory_space<vmem>>) target(%dma_start3A_1040 : memref<112x128xf32, #tpu.memory_space<hbm>>) target_semaphore(%arg22 : memref<!tpu.dma_semaphore, #tpu.memory_space<semaphore_mem>>)
    %dma_wait3A_1045 = arith.constant 2 : i32
    %dma_wait3A_1046 = arith.constant 0 : i32
    %dma_wait3A_1047 = arith.constant 0 : i32
    %dma_wait3A_1048 = arith.constant 0 : i32
    %dma_wait3A_1049 = tpu.memref_slice %arg9[%dma_wait3A_1045, %dma_wait3A_1047, %dma_wait3A_1048] : memref<7x112x128xf32, #tpu.memory_space<vmem>> -> memref<1x112x128xf32, #tpu.memory_space<vmem>>
    %dma_wait3A_1050 = tpu.memref_squeeze %dma_wait3A_1049 : memref<1x112x128xf32, #tpu.memory_space<vmem>> -> memref<112x128xf32, #tpu.memory_space<vmem>>
    %dma_wait3A_1051 = arith.constant 0 : i32
    %dma_wait3A_1052 = tpu.memref_slice %arg5[%dma_wait3A_1046, %add3A_854, %dma_wait3A_1051] : memref<2x50000x128xf32, #tpu.memory_space<hbm>> -> memref<1x112x128xf32, #tpu.memory_space<hbm>>
    %dma_wait3A_1053 = tpu.memref_squeeze %dma_wait3A_1052 : memref<1x112x128xf32, #tpu.memory_space<hbm>> -> memref<112x128xf32, #tpu.memory_space<hbm>>
    %dma_wait3A_1054 = arith.constant 0 : i32
    %dma_wait3A_1055 = tpu.memref_slice %arg5[%dma_wait3A_1046, %add3A_854, %dma_wait3A_1054] : memref<2x50000x128xf32, #tpu.memory_space<hbm>> -> memref<1x112x128xf32, #tpu.memory_space<hbm>>
    %dma_wait3A_1056 = tpu.memref_squeeze %dma_wait3A_1055 : memref<1x112x128xf32, #tpu.memory_space<hbm>> -> memref<112x128xf32, #tpu.memory_space<hbm>>
    %dma_wait3A_1057 = arith.constant 0 : i32
    %dma_wait3A_1058 = arith.constant 0 : i32
    %dma_wait3A_1059 = tpu.memref_slice %arg9[%dma_wait3A_1045, %dma_wait3A_1057, %dma_wait3A_1058] : memref<7x112x128xf32, #tpu.memory_space<vmem>> -> memref<1x112x128xf32, #tpu.memory_space<vmem>>
    %dma_wait3A_1060 = tpu.memref_squeeze %dma_wait3A_1059 : memref<1x112x128xf32, #tpu.memory_space<vmem>> -> memref<112x128xf32, #tpu.memory_space<vmem>>
    tpu.wait_dma2 semaphore(%arg19 : memref<!tpu.dma_semaphore, #tpu.memory_space<semaphore_mem>>) src(%dma_wait3A_1060 : memref<112x128xf32, #tpu.memory_space<vmem>>) dst(%dma_wait3A_1056 : memref<112x128xf32, #tpu.memory_space<hbm>>)
    %dma_start3A_1061 = arith.constant 16 : i32
    %dma_start3A_1062 = arith.constant 2 : i32
    %dma_start3A_1063 = arith.constant 0 : i32
    %dma_start3A_1064 = arith.constant 0 : i32
    %dma_start3A_1065 = tpu.memref_slice %arg9[%dma_start3A_1062, %dma_start3A_1063, %dma_start3A_1064] : memref<7x112x128xf32, #tpu.memory_space<vmem>> -> memref<1x112x128xf32, #tpu.memory_space<vmem>>
    %dma_start3A_1066 = tpu.memref_squeeze %dma_start3A_1065 : memref<1x112x128xf32, #tpu.memory_space<vmem>> -> memref<112x128xf32, #tpu.memory_space<vmem>>
    %dma_start3A_1067 = arith.constant 0 : i32
    %dma_start3A_1068 = tpu.memref_slice %arg7[%dma_start3A_1061, %dma_start3A_1067] : memref<28x112xi32, #tpu.memory_space<vmem>> -> memref<1x112xi32, #tpu.memory_space<vmem>>
    %dma_start3A_1069 = tpu.memref_squeeze %dma_start3A_1068 : memref<1x112xi32, #tpu.memory_space<vmem>> -> memref<112xi32, #tpu.memory_space<vmem>>
    %dma_start3A_1070 = arith.constant 0 : i32
    %dma_start3A_1071 = arith.constant 0 : i32
    %dma_start3A_1072 = tpu.memref_slice %arg2[%dma_start3A_1070, %dma_start3A_1071] : memref<200000x128xf32, #tpu.memory_space<hbm>> -> memref<200000x128xf32, #tpu.memory_space<hbm>>
    tpu.enqueue_indirect_dma source(%dma_start3A_1072 : memref<200000x128xf32, #tpu.memory_space<hbm>>) target(%dma_start3A_1066 : memref<112x128xf32, #tpu.memory_space<vmem>>) offsets(%dma_start3A_1069 : memref<112xi32, #tpu.memory_space<vmem>>) semaphore(%arg12 : memref<!tpu.dma_semaphore, #tpu.memory_space<semaphore_mem>>)
    %dma_wait3A_1073 = arith.constant 13 : i32
    %dma_wait3A_1074 = arith.constant 6 : i32
    %dma_wait3A_1075 = arith.constant 0 : i32
    %dma_wait3A_1076 = arith.constant 0 : i32
    %dma_wait3A_1077 = tpu.memref_slice %arg9[%dma_wait3A_1074, %dma_wait3A_1075, %dma_wait3A_1076] : memref<7x112x128xf32, #tpu.memory_space<vmem>> -> memref<1x112x128xf32, #tpu.memory_space<vmem>>
    %dma_wait3A_1078 = tpu.memref_squeeze %dma_wait3A_1077 : memref<1x112x128xf32, #tpu.memory_space<vmem>> -> memref<112x128xf32, #tpu.memory_space<vmem>>
    %dma_wait3A_1079 = arith.constant 0 : i32
    %dma_wait3A_1080 = tpu.memref_slice %arg7[%dma_wait3A_1073, %dma_wait3A_1079] : memref<28x112xi32, #tpu.memory_space<vmem>> -> memref<1x112xi32, #tpu.memory_space<vmem>>
    %dma_wait3A_1081 = tpu.memref_squeeze %dma_wait3A_1080 : memref<1x112xi32, #tpu.memory_space<vmem>> -> memref<112xi32, #tpu.memory_space<vmem>>
    %dma_wait3A_1082 = arith.constant 0 : i32
    %dma_wait3A_1083 = arith.constant 0 : i32
    %dma_wait3A_1084 = tpu.memref_slice %arg2[%dma_wait3A_1082, %dma_wait3A_1083] : memref<200000x128xf32, #tpu.memory_space<hbm>> -> memref<200000x128xf32, #tpu.memory_space<hbm>>
    tpu.wait_indirect_dma semaphore(%arg16 : memref<!tpu.dma_semaphore, #tpu.memory_space<semaphore_mem>>) src(%dma_wait3A_1084 : memref<200000x128xf32, #tpu.memory_space<hbm>>) dst(%dma_wait3A_1078 : memref<112x128xf32, #tpu.memory_space<vmem>>)
    %add3A_1085 = arith.constant 1456 : i32
    %add3A_1086 = arith.addi %min3A_3, %add3A_1085 : i32
    %dma_start3A_1087 = arith.constant 6 : i32
    %dma_start3A_1088 = arith.constant 0 : i32
    %dma_start3A_1089 = arith.constant 0 : i32
    %dma_start3A_1090 = arith.constant 0 : i32
    %dma_start3A_1091 = tpu.memref_slice %arg9[%dma_start3A_1087, %dma_start3A_1089, %dma_start3A_1090] : memref<7x112x128xf32, #tpu.memory_space<vmem>> -> memref<1x112x128xf32, #tpu.memory_space<vmem>>
    %dma_start3A_1092 = tpu.memref_squeeze %dma_start3A_1091 : memref<1x112x128xf32, #tpu.memory_space<vmem>> -> memref<112x128xf32, #tpu.memory_space<vmem>>
    %dma_start3A_1093 = arith.constant 0 : i32
    %dma_start3A_1094 = tpu.memref_slice %arg5[%dma_start3A_1088, %add3A_1086, %dma_start3A_1093] : memref<2x50000x128xf32, #tpu.memory_space<hbm>> -> memref<1x112x128xf32, #tpu.memory_space<hbm>>
    %dma_start3A_1095 = tpu.memref_squeeze %dma_start3A_1094 : memref<1x112x128xf32, #tpu.memory_space<hbm>> -> memref<112x128xf32, #tpu.memory_space<hbm>>
    %dma_start3A_1096 = arith.constant 0 : i32
    %dma_start3A_1097 = tpu.memref_slice %arg5[%dma_start3A_1088, %add3A_1086, %dma_start3A_1096] : memref<2x50000x128xf32, #tpu.memory_space<hbm>> -> memref<1x112x128xf32, #tpu.memory_space<hbm>>
    %dma_start3A_1098 = tpu.memref_squeeze %dma_start3A_1097 : memref<1x112x128xf32, #tpu.memory_space<hbm>> -> memref<112x128xf32, #tpu.memory_space<hbm>>
    %dma_start3A_1099 = arith.constant 0 : i32
    %dma_start3A_1100 = arith.constant 0 : i32
    %dma_start3A_1101 = tpu.memref_slice %arg9[%dma_start3A_1087, %dma_start3A_1099, %dma_start3A_1100] : memref<7x112x128xf32, #tpu.memory_space<vmem>> -> memref<1x112x128xf32, #tpu.memory_space<vmem>>
    %dma_start3A_1102 = tpu.memref_squeeze %dma_start3A_1101 : memref<1x112x128xf32, #tpu.memory_space<vmem>> -> memref<112x128xf32, #tpu.memory_space<vmem>>
    tpu.enqueue_dma source(%dma_start3A_1102 : memref<112x128xf32, #tpu.memory_space<vmem>>) target(%dma_start3A_1098 : memref<112x128xf32, #tpu.memory_space<hbm>>) target_semaphore(%arg23 : memref<!tpu.dma_semaphore, #tpu.memory_space<semaphore_mem>>)
    %dma_wait3A_1103 = arith.constant 3 : i32
    %dma_wait3A_1104 = arith.constant 0 : i32
    %dma_wait3A_1105 = arith.constant 0 : i32
    %dma_wait3A_1106 = arith.constant 0 : i32
    %dma_wait3A_1107 = tpu.memref_slice %arg9[%dma_wait3A_1103, %dma_wait3A_1105, %dma_wait3A_1106] : memref<7x112x128xf32, #tpu.memory_space<vmem>> -> memref<1x112x128xf32, #tpu.memory_space<vmem>>
    %dma_wait3A_1108 = tpu.memref_squeeze %dma_wait3A_1107 : memref<1x112x128xf32, #tpu.memory_space<vmem>> -> memref<112x128xf32, #tpu.memory_space<vmem>>
    %dma_wait3A_1109 = arith.constant 0 : i32
    %dma_wait3A_1110 = tpu.memref_slice %arg5[%dma_wait3A_1104, %add3A_912, %dma_wait3A_1109] : memref<2x50000x128xf32, #tpu.memory_space<hbm>> -> memref<1x112x128xf32, #tpu.memory_space<hbm>>
    %dma_wait3A_1111 = tpu.memref_squeeze %dma_wait3A_1110 : memref<1x112x128xf32, #tpu.memory_space<hbm>> -> memref<112x128xf32, #tpu.memory_space<hbm>>
    %dma_wait3A_1112 = arith.constant 0 : i32
    %dma_wait3A_1113 = tpu.memref_slice %arg5[%dma_wait3A_1104, %add3A_912, %dma_wait3A_1112] : memref<2x50000x128xf32, #tpu.memory_space<hbm>> -> memref<1x112x128xf32, #tpu.memory_space<hbm>>
    %dma_wait3A_1114 = tpu.memref_squeeze %dma_wait3A_1113 : memref<1x112x128xf32, #tpu.memory_space<hbm>> -> memref<112x128xf32, #tpu.memory_space<hbm>>
    %dma_wait3A_1115 = arith.constant 0 : i32
    %dma_wait3A_1116 = arith.constant 0 : i32
    %dma_wait3A_1117 = tpu.memref_slice %arg9[%dma_wait3A_1103, %dma_wait3A_1115, %dma_wait3A_1116] : memref<7x112x128xf32, #tpu.memory_space<vmem>> -> memref<1x112x128xf32, #tpu.memory_space<vmem>>
    %dma_wait3A_1118 = tpu.memref_squeeze %dma_wait3A_1117 : memref<1x112x128xf32, #tpu.memory_space<vmem>> -> memref<112x128xf32, #tpu.memory_space<vmem>>
    tpu.wait_dma2 semaphore(%arg20 : memref<!tpu.dma_semaphore, #tpu.memory_space<semaphore_mem>>) src(%dma_wait3A_1118 : memref<112x128xf32, #tpu.memory_space<vmem>>) dst(%dma_wait3A_1114 : memref<112x128xf32, #tpu.memory_space<hbm>>)
    %dma_start3A_1119 = arith.constant 17 : i32
    %dma_start3A_1120 = arith.constant 3 : i32
    %dma_start3A_1121 = arith.constant 0 : i32
    %dma_start3A_1122 = arith.constant 0 : i32
    %dma_start3A_1123 = tpu.memref_slice %arg9[%dma_start3A_1120, %dma_start3A_1121, %dma_start3A_1122] : memref<7x112x128xf32, #tpu.memory_space<vmem>> -> memref<1x112x128xf32, #tpu.memory_space<vmem>>
    %dma_start3A_1124 = tpu.memref_squeeze %dma_start3A_1123 : memref<1x112x128xf32, #tpu.memory_space<vmem>> -> memref<112x128xf32, #tpu.memory_space<vmem>>
    %dma_start3A_1125 = arith.constant 0 : i32
    %dma_start3A_1126 = tpu.memref_slice %arg7[%dma_start3A_1119, %dma_start3A_1125] : memref<28x112xi32, #tpu.memory_space<vmem>> -> memref<1x112xi32, #tpu.memory_space<vmem>>
    %dma_start3A_1127 = tpu.memref_squeeze %dma_start3A_1126 : memref<1x112xi32, #tpu.memory_space<vmem>> -> memref<112xi32, #tpu.memory_space<vmem>>
    %dma_start3A_1128 = arith.constant 0 : i32
    %dma_start3A_1129 = arith.constant 0 : i32
    %dma_start3A_1130 = tpu.memref_slice %arg2[%dma_start3A_1128, %dma_start3A_1129] : memref<200000x128xf32, #tpu.memory_space<hbm>> -> memref<200000x128xf32, #tpu.memory_space<hbm>>
    tpu.enqueue_indirect_dma source(%dma_start3A_1130 : memref<200000x128xf32, #tpu.memory_space<hbm>>) target(%dma_start3A_1124 : memref<112x128xf32, #tpu.memory_space<vmem>>) offsets(%dma_start3A_1127 : memref<112xi32, #tpu.memory_space<vmem>>) semaphore(%arg13 : memref<!tpu.dma_semaphore, #tpu.memory_space<semaphore_mem>>)
    %dma_wait3A_1131 = arith.constant 14 : i32
    %dma_wait3A_1132 = arith.constant 0 : i32
    %dma_wait3A_1133 = arith.constant 0 : i32
    %dma_wait3A_1134 = arith.constant 0 : i32
    %dma_wait3A_1135 = tpu.memref_slice %arg9[%dma_wait3A_1132, %dma_wait3A_1133, %dma_wait3A_1134] : memref<7x112x128xf32, #tpu.memory_space<vmem>> -> memref<1x112x128xf32, #tpu.memory_space<vmem>>
    %dma_wait3A_1136 = tpu.memref_squeeze %dma_wait3A_1135 : memref<1x112x128xf32, #tpu.memory_space<vmem>> -> memref<112x128xf32, #tpu.memory_space<vmem>>
    %dma_wait3A_1137 = arith.constant 0 : i32
    %dma_wait3A_1138 = tpu.memref_slice %arg7[%dma_wait3A_1131, %dma_wait3A_1137] : memref<28x112xi32, #tpu.memory_space<vmem>> -> memref<1x112xi32, #tpu.memory_space<vmem>>
    %dma_wait3A_1139 = tpu.memref_squeeze %dma_wait3A_1138 : memref<1x112xi32, #tpu.memory_space<vmem>> -> memref<112xi32, #tpu.memory_space<vmem>>
    %dma_wait3A_1140 = arith.constant 0 : i32
    %dma_wait3A_1141 = arith.constant 0 : i32
    %dma_wait3A_1142 = tpu.memref_slice %arg2[%dma_wait3A_1140, %dma_wait3A_1141] : memref<200000x128xf32, #tpu.memory_space<hbm>> -> memref<200000x128xf32, #tpu.memory_space<hbm>>
    tpu.wait_indirect_dma semaphore(%arg10 : memref<!tpu.dma_semaphore, #tpu.memory_space<semaphore_mem>>) src(%dma_wait3A_1142 : memref<200000x128xf32, #tpu.memory_space<hbm>>) dst(%dma_wait3A_1136 : memref<112x128xf32, #tpu.memory_space<vmem>>)
    %add3A_1143 = arith.constant 0 : i32
    %add3A_1144 = arith.addi %min3A_3, %add3A_1143 : i32
    %dma_start3A_1145 = arith.constant 0 : i32
    %dma_start3A_1146 = arith.constant 1 : i32
    %dma_start3A_1147 = arith.constant 0 : i32
    %dma_start3A_1148 = arith.constant 0 : i32
    %dma_start3A_1149 = tpu.memref_slice %arg9[%dma_start3A_1145, %dma_start3A_1147, %dma_start3A_1148] : memref<7x112x128xf32, #tpu.memory_space<vmem>> -> memref<1x112x128xf32, #tpu.memory_space<vmem>>
    %dma_start3A_1150 = tpu.memref_squeeze %dma_start3A_1149 : memref<1x112x128xf32, #tpu.memory_space<vmem>> -> memref<112x128xf32, #tpu.memory_space<vmem>>
    %dma_start3A_1151 = arith.constant 0 : i32
    %dma_start3A_1152 = tpu.memref_slice %arg5[%dma_start3A_1146, %add3A_1144, %dma_start3A_1151] : memref<2x50000x128xf32, #tpu.memory_space<hbm>> -> memref<1x112x128xf32, #tpu.memory_space<hbm>>
    %dma_start3A_1153 = tpu.memref_squeeze %dma_start3A_1152 : memref<1x112x128xf32, #tpu.memory_space<hbm>> -> memref<112x128xf32, #tpu.memory_space<hbm>>
    %dma_start3A_1154 = arith.constant 0 : i32
    %dma_start3A_1155 = tpu.memref_slice %arg5[%dma_start3A_1146, %add3A_1144, %dma_start3A_1154] : memref<2x50000x128xf32, #tpu.memory_space<hbm>> -> memref<1x112x128xf32, #tpu.memory_space<hbm>>
    %dma_start3A_1156 = tpu.memref_squeeze %dma_start3A_1155 : memref<1x112x128xf32, #tpu.memory_space<hbm>> -> memref<112x128xf32, #tpu.memory_space<hbm>>
    %dma_start3A_1157 = arith.constant 0 : i32
    %dma_start3A_1158 = arith.constant 0 : i32
    %dma_start3A_1159 = tpu.memref_slice %arg9[%dma_start3A_1145, %dma_start3A_1157, %dma_start3A_1158] : memref<7x112x128xf32, #tpu.memory_space<vmem>> -> memref<1x112x128xf32, #tpu.memory_space<vmem>>
    %dma_start3A_1160 = tpu.memref_squeeze %dma_start3A_1159 : memref<1x112x128xf32, #tpu.memory_space<vmem>> -> memref<112x128xf32, #tpu.memory_space<vmem>>
    tpu.enqueue_dma source(%dma_start3A_1160 : memref<112x128xf32, #tpu.memory_space<vmem>>) target(%dma_start3A_1156 : memref<112x128xf32, #tpu.memory_space<hbm>>) target_semaphore(%arg17 : memref<!tpu.dma_semaphore, #tpu.memory_space<semaphore_mem>>)
    %dma_wait3A_1161 = arith.constant 4 : i32
    %dma_wait3A_1162 = arith.constant 0 : i32
    %dma_wait3A_1163 = arith.constant 0 : i32
    %dma_wait3A_1164 = arith.constant 0 : i32
    %dma_wait3A_1165 = tpu.memref_slice %arg9[%dma_wait3A_1161, %dma_wait3A_1163, %dma_wait3A_1164] : memref<7x112x128xf32, #tpu.memory_space<vmem>> -> memref<1x112x128xf32, #tpu.memory_space<vmem>>
    %dma_wait3A_1166 = tpu.memref_squeeze %dma_wait3A_1165 : memref<1x112x128xf32, #tpu.memory_space<vmem>> -> memref<112x128xf32, #tpu.memory_space<vmem>>
    %dma_wait3A_1167 = arith.constant 0 : i32
    %dma_wait3A_1168 = tpu.memref_slice %arg5[%dma_wait3A_1162, %add3A_970, %dma_wait3A_1167] : memref<2x50000x128xf32, #tpu.memory_space<hbm>> -> memref<1x112x128xf32, #tpu.memory_space<hbm>>
    %dma_wait3A_1169 = tpu.memref_squeeze %dma_wait3A_1168 : memref<1x112x128xf32, #tpu.memory_space<hbm>> -> memref<112x128xf32, #tpu.memory_space<hbm>>
    %dma_wait3A_1170 = arith.constant 0 : i32
    %dma_wait3A_1171 = tpu.memref_slice %arg5[%dma_wait3A_1162, %add3A_970, %dma_wait3A_1170] : memref<2x50000x128xf32, #tpu.memory_space<hbm>> -> memref<1x112x128xf32, #tpu.memory_space<hbm>>
    %dma_wait3A_1172 = tpu.memref_squeeze %dma_wait3A_1171 : memref<1x112x128xf32, #tpu.memory_space<hbm>> -> memref<112x128xf32, #tpu.memory_space<hbm>>
    %dma_wait3A_1173 = arith.constant 0 : i32
    %dma_wait3A_1174 = arith.constant 0 : i32
    %dma_wait3A_1175 = tpu.memref_slice %arg9[%dma_wait3A_1161, %dma_wait3A_1173, %dma_wait3A_1174] : memref<7x112x128xf32, #tpu.memory_space<vmem>> -> memref<1x112x128xf32, #tpu.memory_space<vmem>>
    %dma_wait3A_1176 = tpu.memref_squeeze %dma_wait3A_1175 : memref<1x112x128xf32, #tpu.memory_space<vmem>> -> memref<112x128xf32, #tpu.memory_space<vmem>>
    tpu.wait_dma2 semaphore(%arg21 : memref<!tpu.dma_semaphore, #tpu.memory_space<semaphore_mem>>) src(%dma_wait3A_1176 : memref<112x128xf32, #tpu.memory_space<vmem>>) dst(%dma_wait3A_1172 : memref<112x128xf32, #tpu.memory_space<hbm>>)
    %dma_start3A_1177 = arith.constant 18 : i32
    %dma_start3A_1178 = arith.constant 4 : i32
    %dma_start3A_1179 = arith.constant 0 : i32
    %dma_start3A_1180 = arith.constant 0 : i32
    %dma_start3A_1181 = tpu.memref_slice %arg9[%dma_start3A_1178, %dma_start3A_1179, %dma_start3A_1180] : memref<7x112x128xf32, #tpu.memory_space<vmem>> -> memref<1x112x128xf32, #tpu.memory_space<vmem>>
    %dma_start3A_1182 = tpu.memref_squeeze %dma_start3A_1181 : memref<1x112x128xf32, #tpu.memory_space<vmem>> -> memref<112x128xf32, #tpu.memory_space<vmem>>
    %dma_start3A_1183 = arith.constant 0 : i32
    %dma_start3A_1184 = tpu.memref_slice %arg7[%dma_start3A_1177, %dma_start3A_1183] : memref<28x112xi32, #tpu.memory_space<vmem>> -> memref<1x112xi32, #tpu.memory_space<vmem>>
    %dma_start3A_1185 = tpu.memref_squeeze %dma_start3A_1184 : memref<1x112xi32, #tpu.memory_space<vmem>> -> memref<112xi32, #tpu.memory_space<vmem>>
    %dma_start3A_1186 = arith.constant 0 : i32
    %dma_start3A_1187 = arith.constant 0 : i32
    %dma_start3A_1188 = tpu.memref_slice %arg2[%dma_start3A_1186, %dma_start3A_1187] : memref<200000x128xf32, #tpu.memory_space<hbm>> -> memref<200000x128xf32, #tpu.memory_space<hbm>>
    tpu.enqueue_indirect_dma source(%dma_start3A_1188 : memref<200000x128xf32, #tpu.memory_space<hbm>>) target(%dma_start3A_1182 : memref<112x128xf32, #tpu.memory_space<vmem>>) offsets(%dma_start3A_1185 : memref<112xi32, #tpu.memory_space<vmem>>) semaphore(%arg14 : memref<!tpu.dma_semaphore, #tpu.memory_space<semaphore_mem>>)
    %dma_wait3A_1189 = arith.constant 15 : i32
    %dma_wait3A_1190 = arith.constant 1 : i32
    %dma_wait3A_1191 = arith.constant 0 : i32
    %dma_wait3A_1192 = arith.constant 0 : i32
    %dma_wait3A_1193 = tpu.memref_slice %arg9[%dma_wait3A_1190, %dma_wait3A_1191, %dma_wait3A_1192] : memref<7x112x128xf32, #tpu.memory_space<vmem>> -> memref<1x112x128xf32, #tpu.memory_space<vmem>>
    %dma_wait3A_1194 = tpu.memref_squeeze %dma_wait3A_1193 : memref<1x112x128xf32, #tpu.memory_space<vmem>> -> memref<112x128xf32, #tpu.memory_space<vmem>>
    %dma_wait3A_1195 = arith.constant 0 : i32
    %dma_wait3A_1196 = tpu.memref_slice %arg7[%dma_wait3A_1189, %dma_wait3A_1195] : memref<28x112xi32, #tpu.memory_space<vmem>> -> memref<1x112xi32, #tpu.memory_space<vmem>>
    %dma_wait3A_1197 = tpu.memref_squeeze %dma_wait3A_1196 : memref<1x112xi32, #tpu.memory_space<vmem>> -> memref<112xi32, #tpu.memory_space<vmem>>
    %dma_wait3A_1198 = arith.constant 0 : i32
    %dma_wait3A_1199 = arith.constant 0 : i32
    %dma_wait3A_1200 = tpu.memref_slice %arg2[%dma_wait3A_1198, %dma_wait3A_1199] : memref<200000x128xf32, #tpu.memory_space<hbm>> -> memref<200000x128xf32, #tpu.memory_space<hbm>>
    tpu.wait_indirect_dma semaphore(%arg11 : memref<!tpu.dma_semaphore, #tpu.memory_space<semaphore_mem>>) src(%dma_wait3A_1200 : memref<200000x128xf32, #tpu.memory_space<hbm>>) dst(%dma_wait3A_1194 : memref<112x128xf32, #tpu.memory_space<vmem>>)
    %add3A_1201 = arith.constant 112 : i32
    %add3A_1202 = arith.addi %min3A_3, %add3A_1201 : i32
    %dma_start3A_1203 = arith.constant 1 : i32
    %dma_start3A_1204 = arith.constant 1 : i32
    %dma_start3A_1205 = arith.constant 0 : i32
    %dma_start3A_1206 = arith.constant 0 : i32
    %dma_start3A_1207 = tpu.memref_slice %arg9[%dma_start3A_1203, %dma_start3A_1205, %dma_start3A_1206] : memref<7x112x128xf32, #tpu.memory_space<vmem>> -> memref<1x112x128xf32, #tpu.memory_space<vmem>>
    %dma_start3A_1208 = tpu.memref_squeeze %dma_start3A_1207 : memref<1x112x128xf32, #tpu.memory_space<vmem>> -> memref<112x128xf32, #tpu.memory_space<vmem>>
    %dma_start3A_1209 = arith.constant 0 : i32
    %dma_start3A_1210 = tpu.memref_slice %arg5[%dma_start3A_1204, %add3A_1202, %dma_start3A_1209] : memref<2x50000x128xf32, #tpu.memory_space<hbm>> -> memref<1x112x128xf32, #tpu.memory_space<hbm>>
    %dma_start3A_1211 = tpu.memref_squeeze %dma_start3A_1210 : memref<1x112x128xf32, #tpu.memory_space<hbm>> -> memref<112x128xf32, #tpu.memory_space<hbm>>
    %dma_start3A_1212 = arith.constant 0 : i32
    %dma_start3A_1213 = tpu.memref_slice %arg5[%dma_start3A_1204, %add3A_1202, %dma_start3A_1212] : memref<2x50000x128xf32, #tpu.memory_space<hbm>> -> memref<1x112x128xf32, #tpu.memory_space<hbm>>
    %dma_start3A_1214 = tpu.memref_squeeze %dma_start3A_1213 : memref<1x112x128xf32, #tpu.memory_space<hbm>> -> memref<112x128xf32, #tpu.memory_space<hbm>>
    %dma_start3A_1215 = arith.constant 0 : i32
    %dma_start3A_1216 = arith.constant 0 : i32
    %dma_start3A_1217 = tpu.memref_slice %arg9[%dma_start3A_1203, %dma_start3A_1215, %dma_start3A_1216] : memref<7x112x128xf32, #tpu.memory_space<vmem>> -> memref<1x112x128xf32, #tpu.memory_space<vmem>>
    %dma_start3A_1218 = tpu.memref_squeeze %dma_start3A_1217 : memref<1x112x128xf32, #tpu.memory_space<vmem>> -> memref<112x128xf32, #tpu.memory_space<vmem>>
    tpu.enqueue_dma source(%dma_start3A_1218 : memref<112x128xf32, #tpu.memory_space<vmem>>) target(%dma_start3A_1214 : memref<112x128xf32, #tpu.memory_space<hbm>>) target_semaphore(%arg18 : memref<!tpu.dma_semaphore, #tpu.memory_space<semaphore_mem>>)
    %dma_wait3A_1219 = arith.constant 5 : i32
    %dma_wait3A_1220 = arith.constant 0 : i32
    %dma_wait3A_1221 = arith.constant 0 : i32
    %dma_wait3A_1222 = arith.constant 0 : i32
    %dma_wait3A_1223 = tpu.memref_slice %arg9[%dma_wait3A_1219, %dma_wait3A_1221, %dma_wait3A_1222] : memref<7x112x128xf32, #tpu.memory_space<vmem>> -> memref<1x112x128xf32, #tpu.memory_space<vmem>>
    %dma_wait3A_1224 = tpu.memref_squeeze %dma_wait3A_1223 : memref<1x112x128xf32, #tpu.memory_space<vmem>> -> memref<112x128xf32, #tpu.memory_space<vmem>>
    %dma_wait3A_1225 = arith.constant 0 : i32
    %dma_wait3A_1226 = tpu.memref_slice %arg5[%dma_wait3A_1220, %add3A_1028, %dma_wait3A_1225] : memref<2x50000x128xf32, #tpu.memory_space<hbm>> -> memref<1x112x128xf32, #tpu.memory_space<hbm>>
    %dma_wait3A_1227 = tpu.memref_squeeze %dma_wait3A_1226 : memref<1x112x128xf32, #tpu.memory_space<hbm>> -> memref<112x128xf32, #tpu.memory_space<hbm>>
    %dma_wait3A_1228 = arith.constant 0 : i32
    %dma_wait3A_1229 = tpu.memref_slice %arg5[%dma_wait3A_1220, %add3A_1028, %dma_wait3A_1228] : memref<2x50000x128xf32, #tpu.memory_space<hbm>> -> memref<1x112x128xf32, #tpu.memory_space<hbm>>
    %dma_wait3A_1230 = tpu.memref_squeeze %dma_wait3A_1229 : memref<1x112x128xf32, #tpu.memory_space<hbm>> -> memref<112x128xf32, #tpu.memory_space<hbm>>
    %dma_wait3A_1231 = arith.constant 0 : i32
    %dma_wait3A_1232 = arith.constant 0 : i32
    %dma_wait3A_1233 = tpu.memref_slice %arg9[%dma_wait3A_1219, %dma_wait3A_1231, %dma_wait3A_1232] : memref<7x112x128xf32, #tpu.memory_space<vmem>> -> memref<1x112x128xf32, #tpu.memory_space<vmem>>
    %dma_wait3A_1234 = tpu.memref_squeeze %dma_wait3A_1233 : memref<1x112x128xf32, #tpu.memory_space<vmem>> -> memref<112x128xf32, #tpu.memory_space<vmem>>
    tpu.wait_dma2 semaphore(%arg22 : memref<!tpu.dma_semaphore, #tpu.memory_space<semaphore_mem>>) src(%dma_wait3A_1234 : memref<112x128xf32, #tpu.memory_space<vmem>>) dst(%dma_wait3A_1230 : memref<112x128xf32, #tpu.memory_space<hbm>>)
    %dma_start3A_1235 = arith.constant 19 : i32
    %dma_start3A_1236 = arith.constant 5 : i32
    %dma_start3A_1237 = arith.constant 0 : i32
    %dma_start3A_1238 = arith.constant 0 : i32
    %dma_start3A_1239 = tpu.memref_slice %arg9[%dma_start3A_1236, %dma_start3A_1237, %dma_start3A_1238] : memref<7x112x128xf32, #tpu.memory_space<vmem>> -> memref<1x112x128xf32, #tpu.memory_space<vmem>>
    %dma_start3A_1240 = tpu.memref_squeeze %dma_start3A_1239 : memref<1x112x128xf32, #tpu.memory_space<vmem>> -> memref<112x128xf32, #tpu.memory_space<vmem>>
    %dma_start3A_1241 = arith.constant 0 : i32
    %dma_start3A_1242 = tpu.memref_slice %arg7[%dma_start3A_1235, %dma_start3A_1241] : memref<28x112xi32, #tpu.memory_space<vmem>> -> memref<1x112xi32, #tpu.memory_space<vmem>>
    %dma_start3A_1243 = tpu.memref_squeeze %dma_start3A_1242 : memref<1x112xi32, #tpu.memory_space<vmem>> -> memref<112xi32, #tpu.memory_space<vmem>>
    %dma_start3A_1244 = arith.constant 0 : i32
    %dma_start3A_1245 = arith.constant 0 : i32
    %dma_start3A_1246 = tpu.memref_slice %arg2[%dma_start3A_1244, %dma_start3A_1245] : memref<200000x128xf32, #tpu.memory_space<hbm>> -> memref<200000x128xf32, #tpu.memory_space<hbm>>
    tpu.enqueue_indirect_dma source(%dma_start3A_1246 : memref<200000x128xf32, #tpu.memory_space<hbm>>) target(%dma_start3A_1240 : memref<112x128xf32, #tpu.memory_space<vmem>>) offsets(%dma_start3A_1243 : memref<112xi32, #tpu.memory_space<vmem>>) semaphore(%arg15 : memref<!tpu.dma_semaphore, #tpu.memory_space<semaphore_mem>>)
    %dma_wait3A_1247 = arith.constant 16 : i32
    %dma_wait3A_1248 = arith.constant 2 : i32
    %dma_wait3A_1249 = arith.constant 0 : i32
    %dma_wait3A_1250 = arith.constant 0 : i32
    %dma_wait3A_1251 = tpu.memref_slice %arg9[%dma_wait3A_1248, %dma_wait3A_1249, %dma_wait3A_1250] : memref<7x112x128xf32, #tpu.memory_space<vmem>> -> memref<1x112x128xf32, #tpu.memory_space<vmem>>
    %dma_wait3A_1252 = tpu.memref_squeeze %dma_wait3A_1251 : memref<1x112x128xf32, #tpu.memory_space<vmem>> -> memref<112x128xf32, #tpu.memory_space<vmem>>
    %dma_wait3A_1253 = arith.constant 0 : i32
    %dma_wait3A_1254 = tpu.memref_slice %arg7[%dma_wait3A_1247, %dma_wait3A_1253] : memref<28x112xi32, #tpu.memory_space<vmem>> -> memref<1x112xi32, #tpu.memory_space<vmem>>
    %dma_wait3A_1255 = tpu.memref_squeeze %dma_wait3A_1254 : memref<1x112xi32, #tpu.memory_space<vmem>> -> memref<112xi32, #tpu.memory_space<vmem>>
    %dma_wait3A_1256 = arith.constant 0 : i32
    %dma_wait3A_1257 = arith.constant 0 : i32
    %dma_wait3A_1258 = tpu.memref_slice %arg2[%dma_wait3A_1256, %dma_wait3A_1257] : memref<200000x128xf32, #tpu.memory_space<hbm>> -> memref<200000x128xf32, #tpu.memory_space<hbm>>
    tpu.wait_indirect_dma semaphore(%arg12 : memref<!tpu.dma_semaphore, #tpu.memory_space<semaphore_mem>>) src(%dma_wait3A_1258 : memref<200000x128xf32, #tpu.memory_space<hbm>>) dst(%dma_wait3A_1252 : memref<112x128xf32, #tpu.memory_space<vmem>>)
    %add3A_1259 = arith.constant 224 : i32
    %add3A_1260 = arith.addi %min3A_3, %add3A_1259 : i32
    %dma_start3A_1261 = arith.constant 2 : i32
    %dma_start3A_1262 = arith.constant 1 : i32
    %dma_start3A_1263 = arith.constant 0 : i32
    %dma_start3A_1264 = arith.constant 0 : i32
    %dma_start3A_1265 = tpu.memref_slice %arg9[%dma_start3A_1261, %dma_start3A_1263, %dma_start3A_1264] : memref<7x112x128xf32, #tpu.memory_space<vmem>> -> memref<1x112x128xf32, #tpu.memory_space<vmem>>
    %dma_start3A_1266 = tpu.memref_squeeze %dma_start3A_1265 : memref<1x112x128xf32, #tpu.memory_space<vmem>> -> memref<112x128xf32, #tpu.memory_space<vmem>>
    %dma_start3A_1267 = arith.constant 0 : i32
    %dma_start3A_1268 = tpu.memref_slice %arg5[%dma_start3A_1262, %add3A_1260, %dma_start3A_1267] : memref<2x50000x128xf32, #tpu.memory_space<hbm>> -> memref<1x112x128xf32, #tpu.memory_space<hbm>>
    %dma_start3A_1269 = tpu.memref_squeeze %dma_start3A_1268 : memref<1x112x128xf32, #tpu.memory_space<hbm>> -> memref<112x128xf32, #tpu.memory_space<hbm>>
    %dma_start3A_1270 = arith.constant 0 : i32
    %dma_start3A_1271 = tpu.memref_slice %arg5[%dma_start3A_1262, %add3A_1260, %dma_start3A_1270] : memref<2x50000x128xf32, #tpu.memory_space<hbm>> -> memref<1x112x128xf32, #tpu.memory_space<hbm>>
    %dma_start3A_1272 = tpu.memref_squeeze %dma_start3A_1271 : memref<1x112x128xf32, #tpu.memory_space<hbm>> -> memref<112x128xf32, #tpu.memory_space<hbm>>
    %dma_start3A_1273 = arith.constant 0 : i32
    %dma_start3A_1274 = arith.constant 0 : i32
    %dma_start3A_1275 = tpu.memref_slice %arg9[%dma_start3A_1261, %dma_start3A_1273, %dma_start3A_1274] : memref<7x112x128xf32, #tpu.memory_space<vmem>> -> memref<1x112x128xf32, #tpu.memory_space<vmem>>
    %dma_start3A_1276 = tpu.memref_squeeze %dma_start3A_1275 : memref<1x112x128xf32, #tpu.memory_space<vmem>> -> memref<112x128xf32, #tpu.memory_space<vmem>>
    tpu.enqueue_dma source(%dma_start3A_1276 : memref<112x128xf32, #tpu.memory_space<vmem>>) target(%dma_start3A_1272 : memref<112x128xf32, #tpu.memory_space<hbm>>) target_semaphore(%arg19 : memref<!tpu.dma_semaphore, #tpu.memory_space<semaphore_mem>>)
    %dma_wait3A_1277 = arith.constant 6 : i32
    %dma_wait3A_1278 = arith.constant 0 : i32
    %dma_wait3A_1279 = arith.constant 0 : i32
    %dma_wait3A_1280 = arith.constant 0 : i32
    %dma_wait3A_1281 = tpu.memref_slice %arg9[%dma_wait3A_1277, %dma_wait3A_1279, %dma_wait3A_1280] : memref<7x112x128xf32, #tpu.memory_space<vmem>> -> memref<1x112x128xf32, #tpu.memory_space<vmem>>
    %dma_wait3A_1282 = tpu.memref_squeeze %dma_wait3A_1281 : memref<1x112x128xf32, #tpu.memory_space<vmem>> -> memref<112x128xf32, #tpu.memory_space<vmem>>
    %dma_wait3A_1283 = arith.constant 0 : i32
    %dma_wait3A_1284 = tpu.memref_slice %arg5[%dma_wait3A_1278, %add3A_1086, %dma_wait3A_1283] : memref<2x50000x128xf32, #tpu.memory_space<hbm>> -> memref<1x112x128xf32, #tpu.memory_space<hbm>>
    %dma_wait3A_1285 = tpu.memref_squeeze %dma_wait3A_1284 : memref<1x112x128xf32, #tpu.memory_space<hbm>> -> memref<112x128xf32, #tpu.memory_space<hbm>>
    %dma_wait3A_1286 = arith.constant 0 : i32
    %dma_wait3A_1287 = tpu.memref_slice %arg5[%dma_wait3A_1278, %add3A_1086, %dma_wait3A_1286] : memref<2x50000x128xf32, #tpu.memory_space<hbm>> -> memref<1x112x128xf32, #tpu.memory_space<hbm>>
    %dma_wait3A_1288 = tpu.memref_squeeze %dma_wait3A_1287 : memref<1x112x128xf32, #tpu.memory_space<hbm>> -> memref<112x128xf32, #tpu.memory_space<hbm>>
    %dma_wait3A_1289 = arith.constant 0 : i32
    %dma_wait3A_1290 = arith.constant 0 : i32
    %dma_wait3A_1291 = tpu.memref_slice %arg9[%dma_wait3A_1277, %dma_wait3A_1289, %dma_wait3A_1290] : memref<7x112x128xf32, #tpu.memory_space<vmem>> -> memref<1x112x128xf32, #tpu.memory_space<vmem>>
    %dma_wait3A_1292 = tpu.memref_squeeze %dma_wait3A_1291 : memref<1x112x128xf32, #tpu.memory_space<vmem>> -> memref<112x128xf32, #tpu.memory_space<vmem>>
    tpu.wait_dma2 semaphore(%arg23 : memref<!tpu.dma_semaphore, #tpu.memory_space<semaphore_mem>>) src(%dma_wait3A_1292 : memref<112x128xf32, #tpu.memory_space<vmem>>) dst(%dma_wait3A_1288 : memref<112x128xf32, #tpu.memory_space<hbm>>)
    %dma_start3A_1293 = arith.constant 20 : i32
    %dma_start3A_1294 = arith.constant 6 : i32
    %dma_start3A_1295 = arith.constant 0 : i32
    %dma_start3A_1296 = arith.constant 0 : i32
    %dma_start3A_1297 = tpu.memref_slice %arg9[%dma_start3A_1294, %dma_start3A_1295, %dma_start3A_1296] : memref<7x112x128xf32, #tpu.memory_space<vmem>> -> memref<1x112x128xf32, #tpu.memory_space<vmem>>
    %dma_start3A_1298 = tpu.memref_squeeze %dma_start3A_1297 : memref<1x112x128xf32, #tpu.memory_space<vmem>> -> memref<112x128xf32, #tpu.memory_space<vmem>>
    %dma_start3A_1299 = arith.constant 0 : i32
    %dma_start3A_1300 = tpu.memref_slice %arg7[%dma_start3A_1293, %dma_start3A_1299] : memref<28x112xi32, #tpu.memory_space<vmem>> -> memref<1x112xi32, #tpu.memory_space<vmem>>
    %dma_start3A_1301 = tpu.memref_squeeze %dma_start3A_1300 : memref<1x112xi32, #tpu.memory_space<vmem>> -> memref<112xi32, #tpu.memory_space<vmem>>
    %dma_start3A_1302 = arith.constant 0 : i32
    %dma_start3A_1303 = arith.constant 0 : i32
    %dma_start3A_1304 = tpu.memref_slice %arg2[%dma_start3A_1302, %dma_start3A_1303] : memref<200000x128xf32, #tpu.memory_space<hbm>> -> memref<200000x128xf32, #tpu.memory_space<hbm>>
    tpu.enqueue_indirect_dma source(%dma_start3A_1304 : memref<200000x128xf32, #tpu.memory_space<hbm>>) target(%dma_start3A_1298 : memref<112x128xf32, #tpu.memory_space<vmem>>) offsets(%dma_start3A_1301 : memref<112xi32, #tpu.memory_space<vmem>>) semaphore(%arg16 : memref<!tpu.dma_semaphore, #tpu.memory_space<semaphore_mem>>)
    %dma_wait3A_1305 = arith.constant 17 : i32
    %dma_wait3A_1306 = arith.constant 3 : i32
    %dma_wait3A_1307 = arith.constant 0 : i32
    %dma_wait3A_1308 = arith.constant 0 : i32
    %dma_wait3A_1309 = tpu.memref_slice %arg9[%dma_wait3A_1306, %dma_wait3A_1307, %dma_wait3A_1308] : memref<7x112x128xf32, #tpu.memory_space<vmem>> -> memref<1x112x128xf32, #tpu.memory_space<vmem>>
    %dma_wait3A_1310 = tpu.memref_squeeze %dma_wait3A_1309 : memref<1x112x128xf32, #tpu.memory_space<vmem>> -> memref<112x128xf32, #tpu.memory_space<vmem>>
    %dma_wait3A_1311 = arith.constant 0 : i32
    %dma_wait3A_1312 = tpu.memref_slice %arg7[%dma_wait3A_1305, %dma_wait3A_1311] : memref<28x112xi32, #tpu.memory_space<vmem>> -> memref<1x112xi32, #tpu.memory_space<vmem>>
    %dma_wait3A_1313 = tpu.memref_squeeze %dma_wait3A_1312 : memref<1x112xi32, #tpu.memory_space<vmem>> -> memref<112xi32, #tpu.memory_space<vmem>>
    %dma_wait3A_1314 = arith.constant 0 : i32
    %dma_wait3A_1315 = arith.constant 0 : i32
    %dma_wait3A_1316 = tpu.memref_slice %arg2[%dma_wait3A_1314, %dma_wait3A_1315] : memref<200000x128xf32, #tpu.memory_space<hbm>> -> memref<200000x128xf32, #tpu.memory_space<hbm>>
    tpu.wait_indirect_dma semaphore(%arg13 : memref<!tpu.dma_semaphore, #tpu.memory_space<semaphore_mem>>) src(%dma_wait3A_1316 : memref<200000x128xf32, #tpu.memory_space<hbm>>) dst(%dma_wait3A_1310 : memref<112x128xf32, #tpu.memory_space<vmem>>)
    %add3A_1317 = arith.constant 336 : i32
    %add3A_1318 = arith.addi %min3A_3, %add3A_1317 : i32
    %dma_start3A_1319 = arith.constant 3 : i32
    %dma_start3A_1320 = arith.constant 1 : i32
    %dma_start3A_1321 = arith.constant 0 : i32
    %dma_start3A_1322 = arith.constant 0 : i32
    %dma_start3A_1323 = tpu.memref_slice %arg9[%dma_start3A_1319, %dma_start3A_1321, %dma_start3A_1322] : memref<7x112x128xf32, #tpu.memory_space<vmem>> -> memref<1x112x128xf32, #tpu.memory_space<vmem>>
    %dma_start3A_1324 = tpu.memref_squeeze %dma_start3A_1323 : memref<1x112x128xf32, #tpu.memory_space<vmem>> -> memref<112x128xf32, #tpu.memory_space<vmem>>
    %dma_start3A_1325 = arith.constant 0 : i32
    %dma_start3A_1326 = tpu.memref_slice %arg5[%dma_start3A_1320, %add3A_1318, %dma_start3A_1325] : memref<2x50000x128xf32, #tpu.memory_space<hbm>> -> memref<1x112x128xf32, #tpu.memory_space<hbm>>
    %dma_start3A_1327 = tpu.memref_squeeze %dma_start3A_1326 : memref<1x112x128xf32, #tpu.memory_space<hbm>> -> memref<112x128xf32, #tpu.memory_space<hbm>>
    %dma_start3A_1328 = arith.constant 0 : i32
    %dma_start3A_1329 = tpu.memref_slice %arg5[%dma_start3A_1320, %add3A_1318, %dma_start3A_1328] : memref<2x50000x128xf32, #tpu.memory_space<hbm>> -> memref<1x112x128xf32, #tpu.memory_space<hbm>>
    %dma_start3A_1330 = tpu.memref_squeeze %dma_start3A_1329 : memref<1x112x128xf32, #tpu.memory_space<hbm>> -> memref<112x128xf32, #tpu.memory_space<hbm>>
    %dma_start3A_1331 = arith.constant 0 : i32
    %dma_start3A_1332 = arith.constant 0 : i32
    %dma_start3A_1333 = tpu.memref_slice %arg9[%dma_start3A_1319, %dma_start3A_1331, %dma_start3A_1332] : memref<7x112x128xf32, #tpu.memory_space<vmem>> -> memref<1x112x128xf32, #tpu.memory_space<vmem>>
    %dma_start3A_1334 = tpu.memref_squeeze %dma_start3A_1333 : memref<1x112x128xf32, #tpu.memory_space<vmem>> -> memref<112x128xf32, #tpu.memory_space<vmem>>
    tpu.enqueue_dma source(%dma_start3A_1334 : memref<112x128xf32, #tpu.memory_space<vmem>>) target(%dma_start3A_1330 : memref<112x128xf32, #tpu.memory_space<hbm>>) target_semaphore(%arg20 : memref<!tpu.dma_semaphore, #tpu.memory_space<semaphore_mem>>)
    %dma_wait3A_1335 = arith.constant 0 : i32
    %dma_wait3A_1336 = arith.constant 1 : i32
    %dma_wait3A_1337 = arith.constant 0 : i32
    %dma_wait3A_1338 = arith.constant 0 : i32
    %dma_wait3A_1339 = tpu.memref_slice %arg9[%dma_wait3A_1335, %dma_wait3A_1337, %dma_wait3A_1338] : memref<7x112x128xf32, #tpu.memory_space<vmem>> -> memref<1x112x128xf32, #tpu.memory_space<vmem>>
    %dma_wait3A_1340 = tpu.memref_squeeze %dma_wait3A_1339 : memref<1x112x128xf32, #tpu.memory_space<vmem>> -> memref<112x128xf32, #tpu.memory_space<vmem>>
    %dma_wait3A_1341 = arith.constant 0 : i32
    %dma_wait3A_1342 = tpu.memref_slice %arg5[%dma_wait3A_1336, %add3A_1144, %dma_wait3A_1341] : memref<2x50000x128xf32, #tpu.memory_space<hbm>> -> memref<1x112x128xf32, #tpu.memory_space<hbm>>
    %dma_wait3A_1343 = tpu.memref_squeeze %dma_wait3A_1342 : memref<1x112x128xf32, #tpu.memory_space<hbm>> -> memref<112x128xf32, #tpu.memory_space<hbm>>
    %dma_wait3A_1344 = arith.constant 0 : i32
    %dma_wait3A_1345 = tpu.memref_slice %arg5[%dma_wait3A_1336, %add3A_1144, %dma_wait3A_1344] : memref<2x50000x128xf32, #tpu.memory_space<hbm>> -> memref<1x112x128xf32, #tpu.memory_space<hbm>>
    %dma_wait3A_1346 = tpu.memref_squeeze %dma_wait3A_1345 : memref<1x112x128xf32, #tpu.memory_space<hbm>> -> memref<112x128xf32, #tpu.memory_space<hbm>>
    %dma_wait3A_1347 = arith.constant 0 : i32
    %dma_wait3A_1348 = arith.constant 0 : i32
    %dma_wait3A_1349 = tpu.memref_slice %arg9[%dma_wait3A_1335, %dma_wait3A_1347, %dma_wait3A_1348] : memref<7x112x128xf32, #tpu.memory_space<vmem>> -> memref<1x112x128xf32, #tpu.memory_space<vmem>>
    %dma_wait3A_1350 = tpu.memref_squeeze %dma_wait3A_1349 : memref<1x112x128xf32, #tpu.memory_space<vmem>> -> memref<112x128xf32, #tpu.memory_space<vmem>>
    tpu.wait_dma2 semaphore(%arg17 : memref<!tpu.dma_semaphore, #tpu.memory_space<semaphore_mem>>) src(%dma_wait3A_1350 : memref<112x128xf32, #tpu.memory_space<vmem>>) dst(%dma_wait3A_1346 : memref<112x128xf32, #tpu.memory_space<hbm>>)
    %dma_start3A_1351 = arith.constant 21 : i32
    %dma_start3A_1352 = arith.constant 0 : i32
    %dma_start3A_1353 = arith.constant 0 : i32
    %dma_start3A_1354 = arith.constant 0 : i32
    %dma_start3A_1355 = tpu.memref_slice %arg9[%dma_start3A_1352, %dma_start3A_1353, %dma_start3A_1354] : memref<7x112x128xf32, #tpu.memory_space<vmem>> -> memref<1x112x128xf32, #tpu.memory_space<vmem>>
    %dma_start3A_1356 = tpu.memref_squeeze %dma_start3A_1355 : memref<1x112x128xf32, #tpu.memory_space<vmem>> -> memref<112x128xf32, #tpu.memory_space<vmem>>
    %dma_start3A_1357 = arith.constant 0 : i32
    %dma_start3A_1358 = tpu.memref_slice %arg7[%dma_start3A_1351, %dma_start3A_1357] : memref<28x112xi32, #tpu.memory_space<vmem>> -> memref<1x112xi32, #tpu.memory_space<vmem>>
    %dma_start3A_1359 = tpu.memref_squeeze %dma_start3A_1358 : memref<1x112xi32, #tpu.memory_space<vmem>> -> memref<112xi32, #tpu.memory_space<vmem>>
    %dma_start3A_1360 = arith.constant 0 : i32
    %dma_start3A_1361 = arith.constant 0 : i32
    %dma_start3A_1362 = tpu.memref_slice %arg2[%dma_start3A_1360, %dma_start3A_1361] : memref<200000x128xf32, #tpu.memory_space<hbm>> -> memref<200000x128xf32, #tpu.memory_space<hbm>>
    tpu.enqueue_indirect_dma source(%dma_start3A_1362 : memref<200000x128xf32, #tpu.memory_space<hbm>>) target(%dma_start3A_1356 : memref<112x128xf32, #tpu.memory_space<vmem>>) offsets(%dma_start3A_1359 : memref<112xi32, #tpu.memory_space<vmem>>) semaphore(%arg10 : memref<!tpu.dma_semaphore, #tpu.memory_space<semaphore_mem>>)
    %dma_wait3A_1363 = arith.constant 18 : i32
    %dma_wait3A_1364 = arith.constant 4 : i32
    %dma_wait3A_1365 = arith.constant 0 : i32
    %dma_wait3A_1366 = arith.constant 0 : i32
    %dma_wait3A_1367 = tpu.memref_slice %arg9[%dma_wait3A_1364, %dma_wait3A_1365, %dma_wait3A_1366] : memref<7x112x128xf32, #tpu.memory_space<vmem>> -> memref<1x112x128xf32, #tpu.memory_space<vmem>>
    %dma_wait3A_1368 = tpu.memref_squeeze %dma_wait3A_1367 : memref<1x112x128xf32, #tpu.memory_space<vmem>> -> memref<112x128xf32, #tpu.memory_space<vmem>>
    %dma_wait3A_1369 = arith.constant 0 : i32
    %dma_wait3A_1370 = tpu.memref_slice %arg7[%dma_wait3A_1363, %dma_wait3A_1369] : memref<28x112xi32, #tpu.memory_space<vmem>> -> memref<1x112xi32, #tpu.memory_space<vmem>>
    %dma_wait3A_1371 = tpu.memref_squeeze %dma_wait3A_1370 : memref<1x112xi32, #tpu.memory_space<vmem>> -> memref<112xi32, #tpu.memory_space<vmem>>
    %dma_wait3A_1372 = arith.constant 0 : i32
    %dma_wait3A_1373 = arith.constant 0 : i32
    %dma_wait3A_1374 = tpu.memref_slice %arg2[%dma_wait3A_1372, %dma_wait3A_1373] : memref<200000x128xf32, #tpu.memory_space<hbm>> -> memref<200000x128xf32, #tpu.memory_space<hbm>>
    tpu.wait_indirect_dma semaphore(%arg14 : memref<!tpu.dma_semaphore, #tpu.memory_space<semaphore_mem>>) src(%dma_wait3A_1374 : memref<200000x128xf32, #tpu.memory_space<hbm>>) dst(%dma_wait3A_1368 : memref<112x128xf32, #tpu.memory_space<vmem>>)
    %add3A_1375 = arith.constant 448 : i32
    %add3A_1376 = arith.addi %min3A_3, %add3A_1375 : i32
    %dma_start3A_1377 = arith.constant 4 : i32
    %dma_start3A_1378 = arith.constant 1 : i32
    %dma_start3A_1379 = arith.constant 0 : i32
    %dma_start3A_1380 = arith.constant 0 : i32
    %dma_start3A_1381 = tpu.memref_slice %arg9[%dma_start3A_1377, %dma_start3A_1379, %dma_start3A_1380] : memref<7x112x128xf32, #tpu.memory_space<vmem>> -> memref<1x112x128xf32, #tpu.memory_space<vmem>>
    %dma_start3A_1382 = tpu.memref_squeeze %dma_start3A_1381 : memref<1x112x128xf32, #tpu.memory_space<vmem>> -> memref<112x128xf32, #tpu.memory_space<vmem>>
    %dma_start3A_1383 = arith.constant 0 : i32
    %dma_start3A_1384 = tpu.memref_slice %arg5[%dma_start3A_1378, %add3A_1376, %dma_start3A_1383] : memref<2x50000x128xf32, #tpu.memory_space<hbm>> -> memref<1x112x128xf32, #tpu.memory_space<hbm>>
    %dma_start3A_1385 = tpu.memref_squeeze %dma_start3A_1384 : memref<1x112x128xf32, #tpu.memory_space<hbm>> -> memref<112x128xf32, #tpu.memory_space<hbm>>
    %dma_start3A_1386 = arith.constant 0 : i32
    %dma_start3A_1387 = tpu.memref_slice %arg5[%dma_start3A_1378, %add3A_1376, %dma_start3A_1386] : memref<2x50000x128xf32, #tpu.memory_space<hbm>> -> memref<1x112x128xf32, #tpu.memory_space<hbm>>
    %dma_start3A_1388 = tpu.memref_squeeze %dma_start3A_1387 : memref<1x112x128xf32, #tpu.memory_space<hbm>> -> memref<112x128xf32, #tpu.memory_space<hbm>>
    %dma_start3A_1389 = arith.constant 0 : i32
    %dma_start3A_1390 = arith.constant 0 : i32
    %dma_start3A_1391 = tpu.memref_slice %arg9[%dma_start3A_1377, %dma_start3A_1389, %dma_start3A_1390] : memref<7x112x128xf32, #tpu.memory_space<vmem>> -> memref<1x112x128xf32, #tpu.memory_space<vmem>>
    %dma_start3A_1392 = tpu.memref_squeeze %dma_start3A_1391 : memref<1x112x128xf32, #tpu.memory_space<vmem>> -> memref<112x128xf32, #tpu.memory_space<vmem>>
    tpu.enqueue_dma source(%dma_start3A_1392 : memref<112x128xf32, #tpu.memory_space<vmem>>) target(%dma_start3A_1388 : memref<112x128xf32, #tpu.memory_space<hbm>>) target_semaphore(%arg21 : memref<!tpu.dma_semaphore, #tpu.memory_space<semaphore_mem>>)
    %dma_wait3A_1393 = arith.constant 1 : i32
    %dma_wait3A_1394 = arith.constant 1 : i32
    %dma_wait3A_1395 = arith.constant 0 : i32
    %dma_wait3A_1396 = arith.constant 0 : i32
    %dma_wait3A_1397 = tpu.memref_slice %arg9[%dma_wait3A_1393, %dma_wait3A_1395, %dma_wait3A_1396] : memref<7x112x128xf32, #tpu.memory_space<vmem>> -> memref<1x112x128xf32, #tpu.memory_space<vmem>>
    %dma_wait3A_1398 = tpu.memref_squeeze %dma_wait3A_1397 : memref<1x112x128xf32, #tpu.memory_space<vmem>> -> memref<112x128xf32, #tpu.memory_space<vmem>>
    %dma_wait3A_1399 = arith.constant 0 : i32
    %dma_wait3A_1400 = tpu.memref_slice %arg5[%dma_wait3A_1394, %add3A_1202, %dma_wait3A_1399] : memref<2x50000x128xf32, #tpu.memory_space<hbm>> -> memref<1x112x128xf32, #tpu.memory_space<hbm>>
    %dma_wait3A_1401 = tpu.memref_squeeze %dma_wait3A_1400 : memref<1x112x128xf32, #tpu.memory_space<hbm>> -> memref<112x128xf32, #tpu.memory_space<hbm>>
    %dma_wait3A_1402 = arith.constant 0 : i32
    %dma_wait3A_1403 = tpu.memref_slice %arg5[%dma_wait3A_1394, %add3A_1202, %dma_wait3A_1402] : memref<2x50000x128xf32, #tpu.memory_space<hbm>> -> memref<1x112x128xf32, #tpu.memory_space<hbm>>
    %dma_wait3A_1404 = tpu.memref_squeeze %dma_wait3A_1403 : memref<1x112x128xf32, #tpu.memory_space<hbm>> -> memref<112x128xf32, #tpu.memory_space<hbm>>
    %dma_wait3A_1405 = arith.constant 0 : i32
    %dma_wait3A_1406 = arith.constant 0 : i32
    %dma_wait3A_1407 = tpu.memref_slice %arg9[%dma_wait3A_1393, %dma_wait3A_1405, %dma_wait3A_1406] : memref<7x112x128xf32, #tpu.memory_space<vmem>> -> memref<1x112x128xf32, #tpu.memory_space<vmem>>
    %dma_wait3A_1408 = tpu.memref_squeeze %dma_wait3A_1407 : memref<1x112x128xf32, #tpu.memory_space<vmem>> -> memref<112x128xf32, #tpu.memory_space<vmem>>
    tpu.wait_dma2 semaphore(%arg18 : memref<!tpu.dma_semaphore, #tpu.memory_space<semaphore_mem>>) src(%dma_wait3A_1408 : memref<112x128xf32, #tpu.memory_space<vmem>>) dst(%dma_wait3A_1404 : memref<112x128xf32, #tpu.memory_space<hbm>>)
    %dma_start3A_1409 = arith.constant 22 : i32
    %dma_start3A_1410 = arith.constant 1 : i32
    %dma_start3A_1411 = arith.constant 0 : i32
    %dma_start3A_1412 = arith.constant 0 : i32
    %dma_start3A_1413 = tpu.memref_slice %arg9[%dma_start3A_1410, %dma_start3A_1411, %dma_start3A_1412] : memref<7x112x128xf32, #tpu.memory_space<vmem>> -> memref<1x112x128xf32, #tpu.memory_space<vmem>>
    %dma_start3A_1414 = tpu.memref_squeeze %dma_start3A_1413 : memref<1x112x128xf32, #tpu.memory_space<vmem>> -> memref<112x128xf32, #tpu.memory_space<vmem>>
    %dma_start3A_1415 = arith.constant 0 : i32
    %dma_start3A_1416 = tpu.memref_slice %arg7[%dma_start3A_1409, %dma_start3A_1415] : memref<28x112xi32, #tpu.memory_space<vmem>> -> memref<1x112xi32, #tpu.memory_space<vmem>>
    %dma_start3A_1417 = tpu.memref_squeeze %dma_start3A_1416 : memref<1x112xi32, #tpu.memory_space<vmem>> -> memref<112xi32, #tpu.memory_space<vmem>>
    %dma_start3A_1418 = arith.constant 0 : i32
    %dma_start3A_1419 = arith.constant 0 : i32
    %dma_start3A_1420 = tpu.memref_slice %arg2[%dma_start3A_1418, %dma_start3A_1419] : memref<200000x128xf32, #tpu.memory_space<hbm>> -> memref<200000x128xf32, #tpu.memory_space<hbm>>
    tpu.enqueue_indirect_dma source(%dma_start3A_1420 : memref<200000x128xf32, #tpu.memory_space<hbm>>) target(%dma_start3A_1414 : memref<112x128xf32, #tpu.memory_space<vmem>>) offsets(%dma_start3A_1417 : memref<112xi32, #tpu.memory_space<vmem>>) semaphore(%arg11 : memref<!tpu.dma_semaphore, #tpu.memory_space<semaphore_mem>>)
    %dma_wait3A_1421 = arith.constant 19 : i32
    %dma_wait3A_1422 = arith.constant 5 : i32
    %dma_wait3A_1423 = arith.constant 0 : i32
    %dma_wait3A_1424 = arith.constant 0 : i32
    %dma_wait3A_1425 = tpu.memref_slice %arg9[%dma_wait3A_1422, %dma_wait3A_1423, %dma_wait3A_1424] : memref<7x112x128xf32, #tpu.memory_space<vmem>> -> memref<1x112x128xf32, #tpu.memory_space<vmem>>
    %dma_wait3A_1426 = tpu.memref_squeeze %dma_wait3A_1425 : memref<1x112x128xf32, #tpu.memory_space<vmem>> -> memref<112x128xf32, #tpu.memory_space<vmem>>
    %dma_wait3A_1427 = arith.constant 0 : i32
    %dma_wait3A_1428 = tpu.memref_slice %arg7[%dma_wait3A_1421, %dma_wait3A_1427] : memref<28x112xi32, #tpu.memory_space<vmem>> -> memref<1x112xi32, #tpu.memory_space<vmem>>
    %dma_wait3A_1429 = tpu.memref_squeeze %dma_wait3A_1428 : memref<1x112xi32, #tpu.memory_space<vmem>> -> memref<112xi32, #tpu.memory_space<vmem>>
    %dma_wait3A_1430 = arith.constant 0 : i32
    %dma_wait3A_1431 = arith.constant 0 : i32
    %dma_wait3A_1432 = tpu.memref_slice %arg2[%dma_wait3A_1430, %dma_wait3A_1431] : memref<200000x128xf32, #tpu.memory_space<hbm>> -> memref<200000x128xf32, #tpu.memory_space<hbm>>
    tpu.wait_indirect_dma semaphore(%arg15 : memref<!tpu.dma_semaphore, #tpu.memory_space<semaphore_mem>>) src(%dma_wait3A_1432 : memref<200000x128xf32, #tpu.memory_space<hbm>>) dst(%dma_wait3A_1426 : memref<112x128xf32, #tpu.memory_space<vmem>>)
    %add3A_1433 = arith.constant 560 : i32
    %add3A_1434 = arith.addi %min3A_3, %add3A_1433 : i32
    %dma_start3A_1435 = arith.constant 5 : i32
    %dma_start3A_1436 = arith.constant 1 : i32
    %dma_start3A_1437 = arith.constant 0 : i32
    %dma_start3A_1438 = arith.constant 0 : i32
    %dma_start3A_1439 = tpu.memref_slice %arg9[%dma_start3A_1435, %dma_start3A_1437, %dma_start3A_1438] : memref<7x112x128xf32, #tpu.memory_space<vmem>> -> memref<1x112x128xf32, #tpu.memory_space<vmem>>
    %dma_start3A_1440 = tpu.memref_squeeze %dma_start3A_1439 : memref<1x112x128xf32, #tpu.memory_space<vmem>> -> memref<112x128xf32, #tpu.memory_space<vmem>>
    %dma_start3A_1441 = arith.constant 0 : i32
    %dma_start3A_1442 = tpu.memref_slice %arg5[%dma_start3A_1436, %add3A_1434, %dma_start3A_1441] : memref<2x50000x128xf32, #tpu.memory_space<hbm>> -> memref<1x112x128xf32, #tpu.memory_space<hbm>>
    %dma_start3A_1443 = tpu.memref_squeeze %dma_start3A_1442 : memref<1x112x128xf32, #tpu.memory_space<hbm>> -> memref<112x128xf32, #tpu.memory_space<hbm>>
    %dma_start3A_1444 = arith.constant 0 : i32
    %dma_start3A_1445 = tpu.memref_slice %arg5[%dma_start3A_1436, %add3A_1434, %dma_start3A_1444] : memref<2x50000x128xf32, #tpu.memory_space<hbm>> -> memref<1x112x128xf32, #tpu.memory_space<hbm>>
    %dma_start3A_1446 = tpu.memref_squeeze %dma_start3A_1445 : memref<1x112x128xf32, #tpu.memory_space<hbm>> -> memref<112x128xf32, #tpu.memory_space<hbm>>
    %dma_start3A_1447 = arith.constant 0 : i32
    %dma_start3A_1448 = arith.constant 0 : i32
    %dma_start3A_1449 = tpu.memref_slice %arg9[%dma_start3A_1435, %dma_start3A_1447, %dma_start3A_1448] : memref<7x112x128xf32, #tpu.memory_space<vmem>> -> memref<1x112x128xf32, #tpu.memory_space<vmem>>
    %dma_start3A_1450 = tpu.memref_squeeze %dma_start3A_1449 : memref<1x112x128xf32, #tpu.memory_space<vmem>> -> memref<112x128xf32, #tpu.memory_space<vmem>>
    tpu.enqueue_dma source(%dma_start3A_1450 : memref<112x128xf32, #tpu.memory_space<vmem>>) target(%dma_start3A_1446 : memref<112x128xf32, #tpu.memory_space<hbm>>) target_semaphore(%arg22 : memref<!tpu.dma_semaphore, #tpu.memory_space<semaphore_mem>>)
    %dma_wait3A_1451 = arith.constant 2 : i32
    %dma_wait3A_1452 = arith.constant 1 : i32
    %dma_wait3A_1453 = arith.constant 0 : i32
    %dma_wait3A_1454 = arith.constant 0 : i32
    %dma_wait3A_1455 = tpu.memref_slice %arg9[%dma_wait3A_1451, %dma_wait3A_1453, %dma_wait3A_1454] : memref<7x112x128xf32, #tpu.memory_space<vmem>> -> memref<1x112x128xf32, #tpu.memory_space<vmem>>
    %dma_wait3A_1456 = tpu.memref_squeeze %dma_wait3A_1455 : memref<1x112x128xf32, #tpu.memory_space<vmem>> -> memref<112x128xf32, #tpu.memory_space<vmem>>
    %dma_wait3A_1457 = arith.constant 0 : i32
    %dma_wait3A_1458 = tpu.memref_slice %arg5[%dma_wait3A_1452, %add3A_1260, %dma_wait3A_1457] : memref<2x50000x128xf32, #tpu.memory_space<hbm>> -> memref<1x112x128xf32, #tpu.memory_space<hbm>>
    %dma_wait3A_1459 = tpu.memref_squeeze %dma_wait3A_1458 : memref<1x112x128xf32, #tpu.memory_space<hbm>> -> memref<112x128xf32, #tpu.memory_space<hbm>>
    %dma_wait3A_1460 = arith.constant 0 : i32
    %dma_wait3A_1461 = tpu.memref_slice %arg5[%dma_wait3A_1452, %add3A_1260, %dma_wait3A_1460] : memref<2x50000x128xf32, #tpu.memory_space<hbm>> -> memref<1x112x128xf32, #tpu.memory_space<hbm>>
    %dma_wait3A_1462 = tpu.memref_squeeze %dma_wait3A_1461 : memref<1x112x128xf32, #tpu.memory_space<hbm>> -> memref<112x128xf32, #tpu.memory_space<hbm>>
    %dma_wait3A_1463 = arith.constant 0 : i32
    %dma_wait3A_1464 = arith.constant 0 : i32
    %dma_wait3A_1465 = tpu.memref_slice %arg9[%dma_wait3A_1451, %dma_wait3A_1463, %dma_wait3A_1464] : memref<7x112x128xf32, #tpu.memory_space<vmem>> -> memref<1x112x128xf32, #tpu.memory_space<vmem>>
    %dma_wait3A_1466 = tpu.memref_squeeze %dma_wait3A_1465 : memref<1x112x128xf32, #tpu.memory_space<vmem>> -> memref<112x128xf32, #tpu.memory_space<vmem>>
    tpu.wait_dma2 semaphore(%arg19 : memref<!tpu.dma_semaphore, #tpu.memory_space<semaphore_mem>>) src(%dma_wait3A_1466 : memref<112x128xf32, #tpu.memory_space<vmem>>) dst(%dma_wait3A_1462 : memref<112x128xf32, #tpu.memory_space<hbm>>)
    %dma_start3A_1467 = arith.constant 23 : i32
    %dma_start3A_1468 = arith.constant 2 : i32
    %dma_start3A_1469 = arith.constant 0 : i32
    %dma_start3A_1470 = arith.constant 0 : i32
    %dma_start3A_1471 = tpu.memref_slice %arg9[%dma_start3A_1468, %dma_start3A_1469, %dma_start3A_1470] : memref<7x112x128xf32, #tpu.memory_space<vmem>> -> memref<1x112x128xf32, #tpu.memory_space<vmem>>
    %dma_start3A_1472 = tpu.memref_squeeze %dma_start3A_1471 : memref<1x112x128xf32, #tpu.memory_space<vmem>> -> memref<112x128xf32, #tpu.memory_space<vmem>>
    %dma_start3A_1473 = arith.constant 0 : i32
    %dma_start3A_1474 = tpu.memref_slice %arg7[%dma_start3A_1467, %dma_start3A_1473] : memref<28x112xi32, #tpu.memory_space<vmem>> -> memref<1x112xi32, #tpu.memory_space<vmem>>
    %dma_start3A_1475 = tpu.memref_squeeze %dma_start3A_1474 : memref<1x112xi32, #tpu.memory_space<vmem>> -> memref<112xi32, #tpu.memory_space<vmem>>
    %dma_start3A_1476 = arith.constant 0 : i32
    %dma_start3A_1477 = arith.constant 0 : i32
    %dma_start3A_1478 = tpu.memref_slice %arg2[%dma_start3A_1476, %dma_start3A_1477] : memref<200000x128xf32, #tpu.memory_space<hbm>> -> memref<200000x128xf32, #tpu.memory_space<hbm>>
    tpu.enqueue_indirect_dma source(%dma_start3A_1478 : memref<200000x128xf32, #tpu.memory_space<hbm>>) target(%dma_start3A_1472 : memref<112x128xf32, #tpu.memory_space<vmem>>) offsets(%dma_start3A_1475 : memref<112xi32, #tpu.memory_space<vmem>>) semaphore(%arg12 : memref<!tpu.dma_semaphore, #tpu.memory_space<semaphore_mem>>)
    %dma_wait3A_1479 = arith.constant 20 : i32
    %dma_wait3A_1480 = arith.constant 6 : i32
    %dma_wait3A_1481 = arith.constant 0 : i32
    %dma_wait3A_1482 = arith.constant 0 : i32
    %dma_wait3A_1483 = tpu.memref_slice %arg9[%dma_wait3A_1480, %dma_wait3A_1481, %dma_wait3A_1482] : memref<7x112x128xf32, #tpu.memory_space<vmem>> -> memref<1x112x128xf32, #tpu.memory_space<vmem>>
    %dma_wait3A_1484 = tpu.memref_squeeze %dma_wait3A_1483 : memref<1x112x128xf32, #tpu.memory_space<vmem>> -> memref<112x128xf32, #tpu.memory_space<vmem>>
    %dma_wait3A_1485 = arith.constant 0 : i32
    %dma_wait3A_1486 = tpu.memref_slice %arg7[%dma_wait3A_1479, %dma_wait3A_1485] : memref<28x112xi32, #tpu.memory_space<vmem>> -> memref<1x112xi32, #tpu.memory_space<vmem>>
    %dma_wait3A_1487 = tpu.memref_squeeze %dma_wait3A_1486 : memref<1x112xi32, #tpu.memory_space<vmem>> -> memref<112xi32, #tpu.memory_space<vmem>>
    %dma_wait3A_1488 = arith.constant 0 : i32
    %dma_wait3A_1489 = arith.constant 0 : i32
    %dma_wait3A_1490 = tpu.memref_slice %arg2[%dma_wait3A_1488, %dma_wait3A_1489] : memref<200000x128xf32, #tpu.memory_space<hbm>> -> memref<200000x128xf32, #tpu.memory_space<hbm>>
    tpu.wait_indirect_dma semaphore(%arg16 : memref<!tpu.dma_semaphore, #tpu.memory_space<semaphore_mem>>) src(%dma_wait3A_1490 : memref<200000x128xf32, #tpu.memory_space<hbm>>) dst(%dma_wait3A_1484 : memref<112x128xf32, #tpu.memory_space<vmem>>)
    %add3A_1491 = arith.constant 672 : i32
    %add3A_1492 = arith.addi %min3A_3, %add3A_1491 : i32
    %dma_start3A_1493 = arith.constant 6 : i32
    %dma_start3A_1494 = arith.constant 1 : i32
    %dma_start3A_1495 = arith.constant 0 : i32
    %dma_start3A_1496 = arith.constant 0 : i32
    %dma_start3A_1497 = tpu.memref_slice %arg9[%dma_start3A_1493, %dma_start3A_1495, %dma_start3A_1496] : memref<7x112x128xf32, #tpu.memory_space<vmem>> -> memref<1x112x128xf32, #tpu.memory_space<vmem>>
    %dma_start3A_1498 = tpu.memref_squeeze %dma_start3A_1497 : memref<1x112x128xf32, #tpu.memory_space<vmem>> -> memref<112x128xf32, #tpu.memory_space<vmem>>
    %dma_start3A_1499 = arith.constant 0 : i32
    %dma_start3A_1500 = tpu.memref_slice %arg5[%dma_start3A_1494, %add3A_1492, %dma_start3A_1499] : memref<2x50000x128xf32, #tpu.memory_space<hbm>> -> memref<1x112x128xf32, #tpu.memory_space<hbm>>
    %dma_start3A_1501 = tpu.memref_squeeze %dma_start3A_1500 : memref<1x112x128xf32, #tpu.memory_space<hbm>> -> memref<112x128xf32, #tpu.memory_space<hbm>>
    %dma_start3A_1502 = arith.constant 0 : i32
    %dma_start3A_1503 = tpu.memref_slice %arg5[%dma_start3A_1494, %add3A_1492, %dma_start3A_1502] : memref<2x50000x128xf32, #tpu.memory_space<hbm>> -> memref<1x112x128xf32, #tpu.memory_space<hbm>>
    %dma_start3A_1504 = tpu.memref_squeeze %dma_start3A_1503 : memref<1x112x128xf32, #tpu.memory_space<hbm>> -> memref<112x128xf32, #tpu.memory_space<hbm>>
    %dma_start3A_1505 = arith.constant 0 : i32
    %dma_start3A_1506 = arith.constant 0 : i32
    %dma_start3A_1507 = tpu.memref_slice %arg9[%dma_start3A_1493, %dma_start3A_1505, %dma_start3A_1506] : memref<7x112x128xf32, #tpu.memory_space<vmem>> -> memref<1x112x128xf32, #tpu.memory_space<vmem>>
    %dma_start3A_1508 = tpu.memref_squeeze %dma_start3A_1507 : memref<1x112x128xf32, #tpu.memory_space<vmem>> -> memref<112x128xf32, #tpu.memory_space<vmem>>
    tpu.enqueue_dma source(%dma_start3A_1508 : memref<112x128xf32, #tpu.memory_space<vmem>>) target(%dma_start3A_1504 : memref<112x128xf32, #tpu.memory_space<hbm>>) target_semaphore(%arg23 : memref<!tpu.dma_semaphore, #tpu.memory_space<semaphore_mem>>)
    %dma_wait3A_1509 = arith.constant 3 : i32
    %dma_wait3A_1510 = arith.constant 1 : i32
    %dma_wait3A_1511 = arith.constant 0 : i32
    %dma_wait3A_1512 = arith.constant 0 : i32
    %dma_wait3A_1513 = tpu.memref_slice %arg9[%dma_wait3A_1509, %dma_wait3A_1511, %dma_wait3A_1512] : memref<7x112x128xf32, #tpu.memory_space<vmem>> -> memref<1x112x128xf32, #tpu.memory_space<vmem>>
    %dma_wait3A_1514 = tpu.memref_squeeze %dma_wait3A_1513 : memref<1x112x128xf32, #tpu.memory_space<vmem>> -> memref<112x128xf32, #tpu.memory_space<vmem>>
    %dma_wait3A_1515 = arith.constant 0 : i32
    %dma_wait3A_1516 = tpu.memref_slice %arg5[%dma_wait3A_1510, %add3A_1318, %dma_wait3A_1515] : memref<2x50000x128xf32, #tpu.memory_space<hbm>> -> memref<1x112x128xf32, #tpu.memory_space<hbm>>
    %dma_wait3A_1517 = tpu.memref_squeeze %dma_wait3A_1516 : memref<1x112x128xf32, #tpu.memory_space<hbm>> -> memref<112x128xf32, #tpu.memory_space<hbm>>
    %dma_wait3A_1518 = arith.constant 0 : i32
    %dma_wait3A_1519 = tpu.memref_slice %arg5[%dma_wait3A_1510, %add3A_1318, %dma_wait3A_1518] : memref<2x50000x128xf32, #tpu.memory_space<hbm>> -> memref<1x112x128xf32, #tpu.memory_space<hbm>>
    %dma_wait3A_1520 = tpu.memref_squeeze %dma_wait3A_1519 : memref<1x112x128xf32, #tpu.memory_space<hbm>> -> memref<112x128xf32, #tpu.memory_space<hbm>>
    %dma_wait3A_1521 = arith.constant 0 : i32
    %dma_wait3A_1522 = arith.constant 0 : i32
    %dma_wait3A_1523 = tpu.memref_slice %arg9[%dma_wait3A_1509, %dma_wait3A_1521, %dma_wait3A_1522] : memref<7x112x128xf32, #tpu.memory_space<vmem>> -> memref<1x112x128xf32, #tpu.memory_space<vmem>>
    %dma_wait3A_1524 = tpu.memref_squeeze %dma_wait3A_1523 : memref<1x112x128xf32, #tpu.memory_space<vmem>> -> memref<112x128xf32, #tpu.memory_space<vmem>>
    tpu.wait_dma2 semaphore(%arg20 : memref<!tpu.dma_semaphore, #tpu.memory_space<semaphore_mem>>) src(%dma_wait3A_1524 : memref<112x128xf32, #tpu.memory_space<vmem>>) dst(%dma_wait3A_1520 : memref<112x128xf32, #tpu.memory_space<hbm>>)
    %dma_start3A_1525 = arith.constant 24 : i32
    %dma_start3A_1526 = arith.constant 3 : i32
    %dma_start3A_1527 = arith.constant 0 : i32
    %dma_start3A_1528 = arith.constant 0 : i32
    %dma_start3A_1529 = tpu.memref_slice %arg9[%dma_start3A_1526, %dma_start3A_1527, %dma_start3A_1528] : memref<7x112x128xf32, #tpu.memory_space<vmem>> -> memref<1x112x128xf32, #tpu.memory_space<vmem>>
    %dma_start3A_1530 = tpu.memref_squeeze %dma_start3A_1529 : memref<1x112x128xf32, #tpu.memory_space<vmem>> -> memref<112x128xf32, #tpu.memory_space<vmem>>
    %dma_start3A_1531 = arith.constant 0 : i32
    %dma_start3A_1532 = tpu.memref_slice %arg7[%dma_start3A_1525, %dma_start3A_1531] : memref<28x112xi32, #tpu.memory_space<vmem>> -> memref<1x112xi32, #tpu.memory_space<vmem>>
    %dma_start3A_1533 = tpu.memref_squeeze %dma_start3A_1532 : memref<1x112xi32, #tpu.memory_space<vmem>> -> memref<112xi32, #tpu.memory_space<vmem>>
    %dma_start3A_1534 = arith.constant 0 : i32
    %dma_start3A_1535 = arith.constant 0 : i32
    %dma_start3A_1536 = tpu.memref_slice %arg2[%dma_start3A_1534, %dma_start3A_1535] : memref<200000x128xf32, #tpu.memory_space<hbm>> -> memref<200000x128xf32, #tpu.memory_space<hbm>>
    tpu.enqueue_indirect_dma source(%dma_start3A_1536 : memref<200000x128xf32, #tpu.memory_space<hbm>>) target(%dma_start3A_1530 : memref<112x128xf32, #tpu.memory_space<vmem>>) offsets(%dma_start3A_1533 : memref<112xi32, #tpu.memory_space<vmem>>) semaphore(%arg13 : memref<!tpu.dma_semaphore, #tpu.memory_space<semaphore_mem>>)
    %dma_wait3A_1537 = arith.constant 21 : i32
    %dma_wait3A_1538 = arith.constant 0 : i32
    %dma_wait3A_1539 = arith.constant 0 : i32
    %dma_wait3A_1540 = arith.constant 0 : i32
    %dma_wait3A_1541 = tpu.memref_slice %arg9[%dma_wait3A_1538, %dma_wait3A_1539, %dma_wait3A_1540] : memref<7x112x128xf32, #tpu.memory_space<vmem>> -> memref<1x112x128xf32, #tpu.memory_space<vmem>>
    %dma_wait3A_1542 = tpu.memref_squeeze %dma_wait3A_1541 : memref<1x112x128xf32, #tpu.memory_space<vmem>> -> memref<112x128xf32, #tpu.memory_space<vmem>>
    %dma_wait3A_1543 = arith.constant 0 : i32
    %dma_wait3A_1544 = tpu.memref_slice %arg7[%dma_wait3A_1537, %dma_wait3A_1543] : memref<28x112xi32, #tpu.memory_space<vmem>> -> memref<1x112xi32, #tpu.memory_space<vmem>>
    %dma_wait3A_1545 = tpu.memref_squeeze %dma_wait3A_1544 : memref<1x112xi32, #tpu.memory_space<vmem>> -> memref<112xi32, #tpu.memory_space<vmem>>
    %dma_wait3A_1546 = arith.constant 0 : i32
    %dma_wait3A_1547 = arith.constant 0 : i32
    %dma_wait3A_1548 = tpu.memref_slice %arg2[%dma_wait3A_1546, %dma_wait3A_1547] : memref<200000x128xf32, #tpu.memory_space<hbm>> -> memref<200000x128xf32, #tpu.memory_space<hbm>>
    tpu.wait_indirect_dma semaphore(%arg10 : memref<!tpu.dma_semaphore, #tpu.memory_space<semaphore_mem>>) src(%dma_wait3A_1548 : memref<200000x128xf32, #tpu.memory_space<hbm>>) dst(%dma_wait3A_1542 : memref<112x128xf32, #tpu.memory_space<vmem>>)
    %add3A_1549 = arith.constant 784 : i32
    %add3A_1550 = arith.addi %min3A_3, %add3A_1549 : i32
    %dma_start3A_1551 = arith.constant 0 : i32
    %dma_start3A_1552 = arith.constant 1 : i32
    %dma_start3A_1553 = arith.constant 0 : i32
    %dma_start3A_1554 = arith.constant 0 : i32
    %dma_start3A_1555 = tpu.memref_slice %arg9[%dma_start3A_1551, %dma_start3A_1553, %dma_start3A_1554] : memref<7x112x128xf32, #tpu.memory_space<vmem>> -> memref<1x112x128xf32, #tpu.memory_space<vmem>>
    %dma_start3A_1556 = tpu.memref_squeeze %dma_start3A_1555 : memref<1x112x128xf32, #tpu.memory_space<vmem>> -> memref<112x128xf32, #tpu.memory_space<vmem>>
    %dma_start3A_1557 = arith.constant 0 : i32
    %dma_start3A_1558 = tpu.memref_slice %arg5[%dma_start3A_1552, %add3A_1550, %dma_start3A_1557] : memref<2x50000x128xf32, #tpu.memory_space<hbm>> -> memref<1x112x128xf32, #tpu.memory_space<hbm>>
    %dma_start3A_1559 = tpu.memref_squeeze %dma_start3A_1558 : memref<1x112x128xf32, #tpu.memory_space<hbm>> -> memref<112x128xf32, #tpu.memory_space<hbm>>
    %dma_start3A_1560 = arith.constant 0 : i32
    %dma_start3A_1561 = tpu.memref_slice %arg5[%dma_start3A_1552, %add3A_1550, %dma_start3A_1560] : memref<2x50000x128xf32, #tpu.memory_space<hbm>> -> memref<1x112x128xf32, #tpu.memory_space<hbm>>
    %dma_start3A_1562 = tpu.memref_squeeze %dma_start3A_1561 : memref<1x112x128xf32, #tpu.memory_space<hbm>> -> memref<112x128xf32, #tpu.memory_space<hbm>>
    %dma_start3A_1563 = arith.constant 0 : i32
    %dma_start3A_1564 = arith.constant 0 : i32
    %dma_start3A_1565 = tpu.memref_slice %arg9[%dma_start3A_1551, %dma_start3A_1563, %dma_start3A_1564] : memref<7x112x128xf32, #tpu.memory_space<vmem>> -> memref<1x112x128xf32, #tpu.memory_space<vmem>>
    %dma_start3A_1566 = tpu.memref_squeeze %dma_start3A_1565 : memref<1x112x128xf32, #tpu.memory_space<vmem>> -> memref<112x128xf32, #tpu.memory_space<vmem>>
    tpu.enqueue_dma source(%dma_start3A_1566 : memref<112x128xf32, #tpu.memory_space<vmem>>) target(%dma_start3A_1562 : memref<112x128xf32, #tpu.memory_space<hbm>>) target_semaphore(%arg17 : memref<!tpu.dma_semaphore, #tpu.memory_space<semaphore_mem>>)
    %dma_wait3A_1567 = arith.constant 4 : i32
    %dma_wait3A_1568 = arith.constant 1 : i32
    %dma_wait3A_1569 = arith.constant 0 : i32
    %dma_wait3A_1570 = arith.constant 0 : i32
    %dma_wait3A_1571 = tpu.memref_slice %arg9[%dma_wait3A_1567, %dma_wait3A_1569, %dma_wait3A_1570] : memref<7x112x128xf32, #tpu.memory_space<vmem>> -> memref<1x112x128xf32, #tpu.memory_space<vmem>>
    %dma_wait3A_1572 = tpu.memref_squeeze %dma_wait3A_1571 : memref<1x112x128xf32, #tpu.memory_space<vmem>> -> memref<112x128xf32, #tpu.memory_space<vmem>>
    %dma_wait3A_1573 = arith.constant 0 : i32
    %dma_wait3A_1574 = tpu.memref_slice %arg5[%dma_wait3A_1568, %add3A_1376, %dma_wait3A_1573] : memref<2x50000x128xf32, #tpu.memory_space<hbm>> -> memref<1x112x128xf32, #tpu.memory_space<hbm>>
    %dma_wait3A_1575 = tpu.memref_squeeze %dma_wait3A_1574 : memref<1x112x128xf32, #tpu.memory_space<hbm>> -> memref<112x128xf32, #tpu.memory_space<hbm>>
    %dma_wait3A_1576 = arith.constant 0 : i32
    %dma_wait3A_1577 = tpu.memref_slice %arg5[%dma_wait3A_1568, %add3A_1376, %dma_wait3A_1576] : memref<2x50000x128xf32, #tpu.memory_space<hbm>> -> memref<1x112x128xf32, #tpu.memory_space<hbm>>
    %dma_wait3A_1578 = tpu.memref_squeeze %dma_wait3A_1577 : memref<1x112x128xf32, #tpu.memory_space<hbm>> -> memref<112x128xf32, #tpu.memory_space<hbm>>
    %dma_wait3A_1579 = arith.constant 0 : i32
    %dma_wait3A_1580 = arith.constant 0 : i32
    %dma_wait3A_1581 = tpu.memref_slice %arg9[%dma_wait3A_1567, %dma_wait3A_1579, %dma_wait3A_1580] : memref<7x112x128xf32, #tpu.memory_space<vmem>> -> memref<1x112x128xf32, #tpu.memory_space<vmem>>
    %dma_wait3A_1582 = tpu.memref_squeeze %dma_wait3A_1581 : memref<1x112x128xf32, #tpu.memory_space<vmem>> -> memref<112x128xf32, #tpu.memory_space<vmem>>
    tpu.wait_dma2 semaphore(%arg21 : memref<!tpu.dma_semaphore, #tpu.memory_space<semaphore_mem>>) src(%dma_wait3A_1582 : memref<112x128xf32, #tpu.memory_space<vmem>>) dst(%dma_wait3A_1578 : memref<112x128xf32, #tpu.memory_space<hbm>>)
    %dma_start3A_1583 = arith.constant 25 : i32
    %dma_start3A_1584 = arith.constant 4 : i32
    %dma_start3A_1585 = arith.constant 0 : i32
    %dma_start3A_1586 = arith.constant 0 : i32
    %dma_start3A_1587 = tpu.memref_slice %arg9[%dma_start3A_1584, %dma_start3A_1585, %dma_start3A_1586] : memref<7x112x128xf32, #tpu.memory_space<vmem>> -> memref<1x112x128xf32, #tpu.memory_space<vmem>>
    %dma_start3A_1588 = tpu.memref_squeeze %dma_start3A_1587 : memref<1x112x128xf32, #tpu.memory_space<vmem>> -> memref<112x128xf32, #tpu.memory_space<vmem>>
    %dma_start3A_1589 = arith.constant 0 : i32
    %dma_start3A_1590 = tpu.memref_slice %arg7[%dma_start3A_1583, %dma_start3A_1589] : memref<28x112xi32, #tpu.memory_space<vmem>> -> memref<1x112xi32, #tpu.memory_space<vmem>>
    %dma_start3A_1591 = tpu.memref_squeeze %dma_start3A_1590 : memref<1x112xi32, #tpu.memory_space<vmem>> -> memref<112xi32, #tpu.memory_space<vmem>>
    %dma_start3A_1592 = arith.constant 0 : i32
    %dma_start3A_1593 = arith.constant 0 : i32
    %dma_start3A_1594 = tpu.memref_slice %arg2[%dma_start3A_1592, %dma_start3A_1593] : memref<200000x128xf32, #tpu.memory_space<hbm>> -> memref<200000x128xf32, #tpu.memory_space<hbm>>
    tpu.enqueue_indirect_dma source(%dma_start3A_1594 : memref<200000x128xf32, #tpu.memory_space<hbm>>) target(%dma_start3A_1588 : memref<112x128xf32, #tpu.memory_space<vmem>>) offsets(%dma_start3A_1591 : memref<112xi32, #tpu.memory_space<vmem>>) semaphore(%arg14 : memref<!tpu.dma_semaphore, #tpu.memory_space<semaphore_mem>>)
    %dma_wait3A_1595 = arith.constant 22 : i32
    %dma_wait3A_1596 = arith.constant 1 : i32
    %dma_wait3A_1597 = arith.constant 0 : i32
    %dma_wait3A_1598 = arith.constant 0 : i32
    %dma_wait3A_1599 = tpu.memref_slice %arg9[%dma_wait3A_1596, %dma_wait3A_1597, %dma_wait3A_1598] : memref<7x112x128xf32, #tpu.memory_space<vmem>> -> memref<1x112x128xf32, #tpu.memory_space<vmem>>
    %dma_wait3A_1600 = tpu.memref_squeeze %dma_wait3A_1599 : memref<1x112x128xf32, #tpu.memory_space<vmem>> -> memref<112x128xf32, #tpu.memory_space<vmem>>
    %dma_wait3A_1601 = arith.constant 0 : i32
    %dma_wait3A_1602 = tpu.memref_slice %arg7[%dma_wait3A_1595, %dma_wait3A_1601] : memref<28x112xi32, #tpu.memory_space<vmem>> -> memref<1x112xi32, #tpu.memory_space<vmem>>
    %dma_wait3A_1603 = tpu.memref_squeeze %dma_wait3A_1602 : memref<1x112xi32, #tpu.memory_space<vmem>> -> memref<112xi32, #tpu.memory_space<vmem>>
    %dma_wait3A_1604 = arith.constant 0 : i32
    %dma_wait3A_1605 = arith.constant 0 : i32
    %dma_wait3A_1606 = tpu.memref_slice %arg2[%dma_wait3A_1604, %dma_wait3A_1605] : memref<200000x128xf32, #tpu.memory_space<hbm>> -> memref<200000x128xf32, #tpu.memory_space<hbm>>
    tpu.wait_indirect_dma semaphore(%arg11 : memref<!tpu.dma_semaphore, #tpu.memory_space<semaphore_mem>>) src(%dma_wait3A_1606 : memref<200000x128xf32, #tpu.memory_space<hbm>>) dst(%dma_wait3A_1600 : memref<112x128xf32, #tpu.memory_space<vmem>>)
    %add3A_1607 = arith.constant 896 : i32
    %add3A_1608 = arith.addi %min3A_3, %add3A_1607 : i32
    %dma_start3A_1609 = arith.constant 1 : i32
    %dma_start3A_1610 = arith.constant 1 : i32
    %dma_start3A_1611 = arith.constant 0 : i32
    %dma_start3A_1612 = arith.constant 0 : i32
    %dma_start3A_1613 = tpu.memref_slice %arg9[%dma_start3A_1609, %dma_start3A_1611, %dma_start3A_1612] : memref<7x112x128xf32, #tpu.memory_space<vmem>> -> memref<1x112x128xf32, #tpu.memory_space<vmem>>
    %dma_start3A_1614 = tpu.memref_squeeze %dma_start3A_1613 : memref<1x112x128xf32, #tpu.memory_space<vmem>> -> memref<112x128xf32, #tpu.memory_space<vmem>>
    %dma_start3A_1615 = arith.constant 0 : i32
    %dma_start3A_1616 = tpu.memref_slice %arg5[%dma_start3A_1610, %add3A_1608, %dma_start3A_1615] : memref<2x50000x128xf32, #tpu.memory_space<hbm>> -> memref<1x112x128xf32, #tpu.memory_space<hbm>>
    %dma_start3A_1617 = tpu.memref_squeeze %dma_start3A_1616 : memref<1x112x128xf32, #tpu.memory_space<hbm>> -> memref<112x128xf32, #tpu.memory_space<hbm>>
    %dma_start3A_1618 = arith.constant 0 : i32
    %dma_start3A_1619 = tpu.memref_slice %arg5[%dma_start3A_1610, %add3A_1608, %dma_start3A_1618] : memref<2x50000x128xf32, #tpu.memory_space<hbm>> -> memref<1x112x128xf32, #tpu.memory_space<hbm>>
    %dma_start3A_1620 = tpu.memref_squeeze %dma_start3A_1619 : memref<1x112x128xf32, #tpu.memory_space<hbm>> -> memref<112x128xf32, #tpu.memory_space<hbm>>
    %dma_start3A_1621 = arith.constant 0 : i32
    %dma_start3A_1622 = arith.constant 0 : i32
    %dma_start3A_1623 = tpu.memref_slice %arg9[%dma_start3A_1609, %dma_start3A_1621, %dma_start3A_1622] : memref<7x112x128xf32, #tpu.memory_space<vmem>> -> memref<1x112x128xf32, #tpu.memory_space<vmem>>
    %dma_start3A_1624 = tpu.memref_squeeze %dma_start3A_1623 : memref<1x112x128xf32, #tpu.memory_space<vmem>> -> memref<112x128xf32, #tpu.memory_space<vmem>>
    tpu.enqueue_dma source(%dma_start3A_1624 : memref<112x128xf32, #tpu.memory_space<vmem>>) target(%dma_start3A_1620 : memref<112x128xf32, #tpu.memory_space<hbm>>) target_semaphore(%arg18 : memref<!tpu.dma_semaphore, #tpu.memory_space<semaphore_mem>>)
    %dma_wait3A_1625 = arith.constant 5 : i32
    %dma_wait3A_1626 = arith.constant 1 : i32
    %dma_wait3A_1627 = arith.constant 0 : i32
    %dma_wait3A_1628 = arith.constant 0 : i32
    %dma_wait3A_1629 = tpu.memref_slice %arg9[%dma_wait3A_1625, %dma_wait3A_1627, %dma_wait3A_1628] : memref<7x112x128xf32, #tpu.memory_space<vmem>> -> memref<1x112x128xf32, #tpu.memory_space<vmem>>
    %dma_wait3A_1630 = tpu.memref_squeeze %dma_wait3A_1629 : memref<1x112x128xf32, #tpu.memory_space<vmem>> -> memref<112x128xf32, #tpu.memory_space<vmem>>
    %dma_wait3A_1631 = arith.constant 0 : i32
    %dma_wait3A_1632 = tpu.memref_slice %arg5[%dma_wait3A_1626, %add3A_1434, %dma_wait3A_1631] : memref<2x50000x128xf32, #tpu.memory_space<hbm>> -> memref<1x112x128xf32, #tpu.memory_space<hbm>>
    %dma_wait3A_1633 = tpu.memref_squeeze %dma_wait3A_1632 : memref<1x112x128xf32, #tpu.memory_space<hbm>> -> memref<112x128xf32, #tpu.memory_space<hbm>>
    %dma_wait3A_1634 = arith.constant 0 : i32
    %dma_wait3A_1635 = tpu.memref_slice %arg5[%dma_wait3A_1626, %add3A_1434, %dma_wait3A_1634] : memref<2x50000x128xf32, #tpu.memory_space<hbm>> -> memref<1x112x128xf32, #tpu.memory_space<hbm>>
    %dma_wait3A_1636 = tpu.memref_squeeze %dma_wait3A_1635 : memref<1x112x128xf32, #tpu.memory_space<hbm>> -> memref<112x128xf32, #tpu.memory_space<hbm>>
    %dma_wait3A_1637 = arith.constant 0 : i32
    %dma_wait3A_1638 = arith.constant 0 : i32
    %dma_wait3A_1639 = tpu.memref_slice %arg9[%dma_wait3A_1625, %dma_wait3A_1637, %dma_wait3A_1638] : memref<7x112x128xf32, #tpu.memory_space<vmem>> -> memref<1x112x128xf32, #tpu.memory_space<vmem>>
    %dma_wait3A_1640 = tpu.memref_squeeze %dma_wait3A_1639 : memref<1x112x128xf32, #tpu.memory_space<vmem>> -> memref<112x128xf32, #tpu.memory_space<vmem>>
    tpu.wait_dma2 semaphore(%arg22 : memref<!tpu.dma_semaphore, #tpu.memory_space<semaphore_mem>>) src(%dma_wait3A_1640 : memref<112x128xf32, #tpu.memory_space<vmem>>) dst(%dma_wait3A_1636 : memref<112x128xf32, #tpu.memory_space<hbm>>)
    %dma_start3A_1641 = arith.constant 26 : i32
    %dma_start3A_1642 = arith.constant 5 : i32
    %dma_start3A_1643 = arith.constant 0 : i32
    %dma_start3A_1644 = arith.constant 0 : i32
    %dma_start3A_1645 = tpu.memref_slice %arg9[%dma_start3A_1642, %dma_start3A_1643, %dma_start3A_1644] : memref<7x112x128xf32, #tpu.memory_space<vmem>> -> memref<1x112x128xf32, #tpu.memory_space<vmem>>
    %dma_start3A_1646 = tpu.memref_squeeze %dma_start3A_1645 : memref<1x112x128xf32, #tpu.memory_space<vmem>> -> memref<112x128xf32, #tpu.memory_space<vmem>>
    %dma_start3A_1647 = arith.constant 0 : i32
    %dma_start3A_1648 = tpu.memref_slice %arg7[%dma_start3A_1641, %dma_start3A_1647] : memref<28x112xi32, #tpu.memory_space<vmem>> -> memref<1x112xi32, #tpu.memory_space<vmem>>
    %dma_start3A_1649 = tpu.memref_squeeze %dma_start3A_1648 : memref<1x112xi32, #tpu.memory_space<vmem>> -> memref<112xi32, #tpu.memory_space<vmem>>
    %dma_start3A_1650 = arith.constant 0 : i32
    %dma_start3A_1651 = arith.constant 0 : i32
    %dma_start3A_1652 = tpu.memref_slice %arg2[%dma_start3A_1650, %dma_start3A_1651] : memref<200000x128xf32, #tpu.memory_space<hbm>> -> memref<200000x128xf32, #tpu.memory_space<hbm>>
    tpu.enqueue_indirect_dma source(%dma_start3A_1652 : memref<200000x128xf32, #tpu.memory_space<hbm>>) target(%dma_start3A_1646 : memref<112x128xf32, #tpu.memory_space<vmem>>) offsets(%dma_start3A_1649 : memref<112xi32, #tpu.memory_space<vmem>>) semaphore(%arg15 : memref<!tpu.dma_semaphore, #tpu.memory_space<semaphore_mem>>)
    %dma_wait3A_1653 = arith.constant 23 : i32
    %dma_wait3A_1654 = arith.constant 2 : i32
    %dma_wait3A_1655 = arith.constant 0 : i32
    %dma_wait3A_1656 = arith.constant 0 : i32
    %dma_wait3A_1657 = tpu.memref_slice %arg9[%dma_wait3A_1654, %dma_wait3A_1655, %dma_wait3A_1656] : memref<7x112x128xf32, #tpu.memory_space<vmem>> -> memref<1x112x128xf32, #tpu.memory_space<vmem>>
    %dma_wait3A_1658 = tpu.memref_squeeze %dma_wait3A_1657 : memref<1x112x128xf32, #tpu.memory_space<vmem>> -> memref<112x128xf32, #tpu.memory_space<vmem>>
    %dma_wait3A_1659 = arith.constant 0 : i32
    %dma_wait3A_1660 = tpu.memref_slice %arg7[%dma_wait3A_1653, %dma_wait3A_1659] : memref<28x112xi32, #tpu.memory_space<vmem>> -> memref<1x112xi32, #tpu.memory_space<vmem>>
    %dma_wait3A_1661 = tpu.memref_squeeze %dma_wait3A_1660 : memref<1x112xi32, #tpu.memory_space<vmem>> -> memref<112xi32, #tpu.memory_space<vmem>>
    %dma_wait3A_1662 = arith.constant 0 : i32
    %dma_wait3A_1663 = arith.constant 0 : i32
    %dma_wait3A_1664 = tpu.memref_slice %arg2[%dma_wait3A_1662, %dma_wait3A_1663] : memref<200000x128xf32, #tpu.memory_space<hbm>> -> memref<200000x128xf32, #tpu.memory_space<hbm>>
    tpu.wait_indirect_dma semaphore(%arg12 : memref<!tpu.dma_semaphore, #tpu.memory_space<semaphore_mem>>) src(%dma_wait3A_1664 : memref<200000x128xf32, #tpu.memory_space<hbm>>) dst(%dma_wait3A_1658 : memref<112x128xf32, #tpu.memory_space<vmem>>)
    %add3A_1665 = arith.constant 1008 : i32
    %add3A_1666 = arith.addi %min3A_3, %add3A_1665 : i32
    %dma_start3A_1667 = arith.constant 2 : i32
    %dma_start3A_1668 = arith.constant 1 : i32
    %dma_start3A_1669 = arith.constant 0 : i32
    %dma_start3A_1670 = arith.constant 0 : i32
    %dma_start3A_1671 = tpu.memref_slice %arg9[%dma_start3A_1667, %dma_start3A_1669, %dma_start3A_1670] : memref<7x112x128xf32, #tpu.memory_space<vmem>> -> memref<1x112x128xf32, #tpu.memory_space<vmem>>
    %dma_start3A_1672 = tpu.memref_squeeze %dma_start3A_1671 : memref<1x112x128xf32, #tpu.memory_space<vmem>> -> memref<112x128xf32, #tpu.memory_space<vmem>>
    %dma_start3A_1673 = arith.constant 0 : i32
    %dma_start3A_1674 = tpu.memref_slice %arg5[%dma_start3A_1668, %add3A_1666, %dma_start3A_1673] : memref<2x50000x128xf32, #tpu.memory_space<hbm>> -> memref<1x112x128xf32, #tpu.memory_space<hbm>>
    %dma_start3A_1675 = tpu.memref_squeeze %dma_start3A_1674 : memref<1x112x128xf32, #tpu.memory_space<hbm>> -> memref<112x128xf32, #tpu.memory_space<hbm>>
    %dma_start3A_1676 = arith.constant 0 : i32
    %dma_start3A_1677 = tpu.memref_slice %arg5[%dma_start3A_1668, %add3A_1666, %dma_start3A_1676] : memref<2x50000x128xf32, #tpu.memory_space<hbm>> -> memref<1x112x128xf32, #tpu.memory_space<hbm>>
    %dma_start3A_1678 = tpu.memref_squeeze %dma_start3A_1677 : memref<1x112x128xf32, #tpu.memory_space<hbm>> -> memref<112x128xf32, #tpu.memory_space<hbm>>
    %dma_start3A_1679 = arith.constant 0 : i32
    %dma_start3A_1680 = arith.constant 0 : i32
    %dma_start3A_1681 = tpu.memref_slice %arg9[%dma_start3A_1667, %dma_start3A_1679, %dma_start3A_1680] : memref<7x112x128xf32, #tpu.memory_space<vmem>> -> memref<1x112x128xf32, #tpu.memory_space<vmem>>
    %dma_start3A_1682 = tpu.memref_squeeze %dma_start3A_1681 : memref<1x112x128xf32, #tpu.memory_space<vmem>> -> memref<112x128xf32, #tpu.memory_space<vmem>>
    tpu.enqueue_dma source(%dma_start3A_1682 : memref<112x128xf32, #tpu.memory_space<vmem>>) target(%dma_start3A_1678 : memref<112x128xf32, #tpu.memory_space<hbm>>) target_semaphore(%arg19 : memref<!tpu.dma_semaphore, #tpu.memory_space<semaphore_mem>>)
    %dma_wait3A_1683 = arith.constant 6 : i32
    %dma_wait3A_1684 = arith.constant 1 : i32
    %dma_wait3A_1685 = arith.constant 0 : i32
    %dma_wait3A_1686 = arith.constant 0 : i32
    %dma_wait3A_1687 = tpu.memref_slice %arg9[%dma_wait3A_1683, %dma_wait3A_1685, %dma_wait3A_1686] : memref<7x112x128xf32, #tpu.memory_space<vmem>> -> memref<1x112x128xf32, #tpu.memory_space<vmem>>
    %dma_wait3A_1688 = tpu.memref_squeeze %dma_wait3A_1687 : memref<1x112x128xf32, #tpu.memory_space<vmem>> -> memref<112x128xf32, #tpu.memory_space<vmem>>
    %dma_wait3A_1689 = arith.constant 0 : i32
    %dma_wait3A_1690 = tpu.memref_slice %arg5[%dma_wait3A_1684, %add3A_1492, %dma_wait3A_1689] : memref<2x50000x128xf32, #tpu.memory_space<hbm>> -> memref<1x112x128xf32, #tpu.memory_space<hbm>>
    %dma_wait3A_1691 = tpu.memref_squeeze %dma_wait3A_1690 : memref<1x112x128xf32, #tpu.memory_space<hbm>> -> memref<112x128xf32, #tpu.memory_space<hbm>>
    %dma_wait3A_1692 = arith.constant 0 : i32
    %dma_wait3A_1693 = tpu.memref_slice %arg5[%dma_wait3A_1684, %add3A_1492, %dma_wait3A_1692] : memref<2x50000x128xf32, #tpu.memory_space<hbm>> -> memref<1x112x128xf32, #tpu.memory_space<hbm>>
    %dma_wait3A_1694 = tpu.memref_squeeze %dma_wait3A_1693 : memref<1x112x128xf32, #tpu.memory_space<hbm>> -> memref<112x128xf32, #tpu.memory_space<hbm>>
    %dma_wait3A_1695 = arith.constant 0 : i32
    %dma_wait3A_1696 = arith.constant 0 : i32
    %dma_wait3A_1697 = tpu.memref_slice %arg9[%dma_wait3A_1683, %dma_wait3A_1695, %dma_wait3A_1696] : memref<7x112x128xf32, #tpu.memory_space<vmem>> -> memref<1x112x128xf32, #tpu.memory_space<vmem>>
    %dma_wait3A_1698 = tpu.memref_squeeze %dma_wait3A_1697 : memref<1x112x128xf32, #tpu.memory_space<vmem>> -> memref<112x128xf32, #tpu.memory_space<vmem>>
    tpu.wait_dma2 semaphore(%arg23 : memref<!tpu.dma_semaphore, #tpu.memory_space<semaphore_mem>>) src(%dma_wait3A_1698 : memref<112x128xf32, #tpu.memory_space<vmem>>) dst(%dma_wait3A_1694 : memref<112x128xf32, #tpu.memory_space<hbm>>)
    %dma_start3A_1699 = arith.constant 27 : i32
    %dma_start3A_1700 = arith.constant 6 : i32
    %dma_start3A_1701 = arith.constant 0 : i32
    %dma_start3A_1702 = arith.constant 0 : i32
    %dma_start3A_1703 = tpu.memref_slice %arg9[%dma_start3A_1700, %dma_start3A_1701, %dma_start3A_1702] : memref<7x112x128xf32, #tpu.memory_space<vmem>> -> memref<1x112x128xf32, #tpu.memory_space<vmem>>
    %dma_start3A_1704 = tpu.memref_squeeze %dma_start3A_1703 : memref<1x112x128xf32, #tpu.memory_space<vmem>> -> memref<112x128xf32, #tpu.memory_space<vmem>>
    %dma_start3A_1705 = arith.constant 0 : i32
    %dma_start3A_1706 = tpu.memref_slice %arg7[%dma_start3A_1699, %dma_start3A_1705] : memref<28x112xi32, #tpu.memory_space<vmem>> -> memref<1x112xi32, #tpu.memory_space<vmem>>
    %dma_start3A_1707 = tpu.memref_squeeze %dma_start3A_1706 : memref<1x112xi32, #tpu.memory_space<vmem>> -> memref<112xi32, #tpu.memory_space<vmem>>
    %dma_start3A_1708 = arith.constant 0 : i32
    %dma_start3A_1709 = arith.constant 0 : i32
    %dma_start3A_1710 = tpu.memref_slice %arg2[%dma_start3A_1708, %dma_start3A_1709] : memref<200000x128xf32, #tpu.memory_space<hbm>> -> memref<200000x128xf32, #tpu.memory_space<hbm>>
    tpu.enqueue_indirect_dma source(%dma_start3A_1710 : memref<200000x128xf32, #tpu.memory_space<hbm>>) target(%dma_start3A_1704 : memref<112x128xf32, #tpu.memory_space<vmem>>) offsets(%dma_start3A_1707 : memref<112xi32, #tpu.memory_space<vmem>>) semaphore(%arg16 : memref<!tpu.dma_semaphore, #tpu.memory_space<semaphore_mem>>)
    %dma_wait3A_1711 = arith.constant 24 : i32
    %dma_wait3A_1712 = arith.constant 3 : i32
    %dma_wait3A_1713 = arith.constant 0 : i32
    %dma_wait3A_1714 = arith.constant 0 : i32
    %dma_wait3A_1715 = tpu.memref_slice %arg9[%dma_wait3A_1712, %dma_wait3A_1713, %dma_wait3A_1714] : memref<7x112x128xf32, #tpu.memory_space<vmem>> -> memref<1x112x128xf32, #tpu.memory_space<vmem>>
    %dma_wait3A_1716 = tpu.memref_squeeze %dma_wait3A_1715 : memref<1x112x128xf32, #tpu.memory_space<vmem>> -> memref<112x128xf32, #tpu.memory_space<vmem>>
    %dma_wait3A_1717 = arith.constant 0 : i32
    %dma_wait3A_1718 = tpu.memref_slice %arg7[%dma_wait3A_1711, %dma_wait3A_1717] : memref<28x112xi32, #tpu.memory_space<vmem>> -> memref<1x112xi32, #tpu.memory_space<vmem>>
    %dma_wait3A_1719 = tpu.memref_squeeze %dma_wait3A_1718 : memref<1x112xi32, #tpu.memory_space<vmem>> -> memref<112xi32, #tpu.memory_space<vmem>>
    %dma_wait3A_1720 = arith.constant 0 : i32
    %dma_wait3A_1721 = arith.constant 0 : i32
    %dma_wait3A_1722 = tpu.memref_slice %arg2[%dma_wait3A_1720, %dma_wait3A_1721] : memref<200000x128xf32, #tpu.memory_space<hbm>> -> memref<200000x128xf32, #tpu.memory_space<hbm>>
    tpu.wait_indirect_dma semaphore(%arg13 : memref<!tpu.dma_semaphore, #tpu.memory_space<semaphore_mem>>) src(%dma_wait3A_1722 : memref<200000x128xf32, #tpu.memory_space<hbm>>) dst(%dma_wait3A_1716 : memref<112x128xf32, #tpu.memory_space<vmem>>)
    %add3A_1723 = arith.constant 1120 : i32
    %add3A_1724 = arith.addi %min3A_3, %add3A_1723 : i32
    %dma_start3A_1725 = arith.constant 3 : i32
    %dma_start3A_1726 = arith.constant 1 : i32
    %dma_start3A_1727 = arith.constant 0 : i32
    %dma_start3A_1728 = arith.constant 0 : i32
    %dma_start3A_1729 = tpu.memref_slice %arg9[%dma_start3A_1725, %dma_start3A_1727, %dma_start3A_1728] : memref<7x112x128xf32, #tpu.memory_space<vmem>> -> memref<1x112x128xf32, #tpu.memory_space<vmem>>
    %dma_start3A_1730 = tpu.memref_squeeze %dma_start3A_1729 : memref<1x112x128xf32, #tpu.memory_space<vmem>> -> memref<112x128xf32, #tpu.memory_space<vmem>>
    %dma_start3A_1731 = arith.constant 0 : i32
    %dma_start3A_1732 = tpu.memref_slice %arg5[%dma_start3A_1726, %add3A_1724, %dma_start3A_1731] : memref<2x50000x128xf32, #tpu.memory_space<hbm>> -> memref<1x112x128xf32, #tpu.memory_space<hbm>>
    %dma_start3A_1733 = tpu.memref_squeeze %dma_start3A_1732 : memref<1x112x128xf32, #tpu.memory_space<hbm>> -> memref<112x128xf32, #tpu.memory_space<hbm>>
    %dma_start3A_1734 = arith.constant 0 : i32
    %dma_start3A_1735 = tpu.memref_slice %arg5[%dma_start3A_1726, %add3A_1724, %dma_start3A_1734] : memref<2x50000x128xf32, #tpu.memory_space<hbm>> -> memref<1x112x128xf32, #tpu.memory_space<hbm>>
    %dma_start3A_1736 = tpu.memref_squeeze %dma_start3A_1735 : memref<1x112x128xf32, #tpu.memory_space<hbm>> -> memref<112x128xf32, #tpu.memory_space<hbm>>
    %dma_start3A_1737 = arith.constant 0 : i32
    %dma_start3A_1738 = arith.constant 0 : i32
    %dma_start3A_1739 = tpu.memref_slice %arg9[%dma_start3A_1725, %dma_start3A_1737, %dma_start3A_1738] : memref<7x112x128xf32, #tpu.memory_space<vmem>> -> memref<1x112x128xf32, #tpu.memory_space<vmem>>
    %dma_start3A_1740 = tpu.memref_squeeze %dma_start3A_1739 : memref<1x112x128xf32, #tpu.memory_space<vmem>> -> memref<112x128xf32, #tpu.memory_space<vmem>>
    tpu.enqueue_dma source(%dma_start3A_1740 : memref<112x128xf32, #tpu.memory_space<vmem>>) target(%dma_start3A_1736 : memref<112x128xf32, #tpu.memory_space<hbm>>) target_semaphore(%arg20 : memref<!tpu.dma_semaphore, #tpu.memory_space<semaphore_mem>>)
    %dma_wait3A_1741 = arith.constant 25 : i32
    %dma_wait3A_1742 = arith.constant 4 : i32
    %dma_wait3A_1743 = arith.constant 0 : i32
    %dma_wait3A_1744 = arith.constant 0 : i32
    %dma_wait3A_1745 = tpu.memref_slice %arg9[%dma_wait3A_1742, %dma_wait3A_1743, %dma_wait3A_1744] : memref<7x112x128xf32, #tpu.memory_space<vmem>> -> memref<1x112x128xf32, #tpu.memory_space<vmem>>
    %dma_wait3A_1746 = tpu.memref_squeeze %dma_wait3A_1745 : memref<1x112x128xf32, #tpu.memory_space<vmem>> -> memref<112x128xf32, #tpu.memory_space<vmem>>
    %dma_wait3A_1747 = arith.constant 0 : i32
    %dma_wait3A_1748 = tpu.memref_slice %arg7[%dma_wait3A_1741, %dma_wait3A_1747] : memref<28x112xi32, #tpu.memory_space<vmem>> -> memref<1x112xi32, #tpu.memory_space<vmem>>
    %dma_wait3A_1749 = tpu.memref_squeeze %dma_wait3A_1748 : memref<1x112xi32, #tpu.memory_space<vmem>> -> memref<112xi32, #tpu.memory_space<vmem>>
    %dma_wait3A_1750 = arith.constant 0 : i32
    %dma_wait3A_1751 = arith.constant 0 : i32
    %dma_wait3A_1752 = tpu.memref_slice %arg2[%dma_wait3A_1750, %dma_wait3A_1751] : memref<200000x128xf32, #tpu.memory_space<hbm>> -> memref<200000x128xf32, #tpu.memory_space<hbm>>
    tpu.wait_indirect_dma semaphore(%arg14 : memref<!tpu.dma_semaphore, #tpu.memory_space<semaphore_mem>>) src(%dma_wait3A_1752 : memref<200000x128xf32, #tpu.memory_space<hbm>>) dst(%dma_wait3A_1746 : memref<112x128xf32, #tpu.memory_space<vmem>>)
    %add3A_1753 = arith.constant 1232 : i32
    %add3A_1754 = arith.addi %min3A_3, %add3A_1753 : i32
    %dma_start3A_1755 = arith.constant 4 : i32
    %dma_start3A_1756 = arith.constant 1 : i32
    %dma_start3A_1757 = arith.constant 0 : i32
    %dma_start3A_1758 = arith.constant 0 : i32
    %dma_start3A_1759 = tpu.memref_slice %arg9[%dma_start3A_1755, %dma_start3A_1757, %dma_start3A_1758] : memref<7x112x128xf32, #tpu.memory_space<vmem>> -> memref<1x112x128xf32, #tpu.memory_space<vmem>>
    %dma_start3A_1760 = tpu.memref_squeeze %dma_start3A_1759 : memref<1x112x128xf32, #tpu.memory_space<vmem>> -> memref<112x128xf32, #tpu.memory_space<vmem>>
    %dma_start3A_1761 = arith.constant 0 : i32
    %dma_start3A_1762 = tpu.memref_slice %arg5[%dma_start3A_1756, %add3A_1754, %dma_start3A_1761] : memref<2x50000x128xf32, #tpu.memory_space<hbm>> -> memref<1x112x128xf32, #tpu.memory_space<hbm>>
    %dma_start3A_1763 = tpu.memref_squeeze %dma_start3A_1762 : memref<1x112x128xf32, #tpu.memory_space<hbm>> -> memref<112x128xf32, #tpu.memory_space<hbm>>
    %dma_start3A_1764 = arith.constant 0 : i32
    %dma_start3A_1765 = tpu.memref_slice %arg5[%dma_start3A_1756, %add3A_1754, %dma_start3A_1764] : memref<2x50000x128xf32, #tpu.memory_space<hbm>> -> memref<1x112x128xf32, #tpu.memory_space<hbm>>
    %dma_start3A_1766 = tpu.memref_squeeze %dma_start3A_1765 : memref<1x112x128xf32, #tpu.memory_space<hbm>> -> memref<112x128xf32, #tpu.memory_space<hbm>>
    %dma_start3A_1767 = arith.constant 0 : i32
    %dma_start3A_1768 = arith.constant 0 : i32
    %dma_start3A_1769 = tpu.memref_slice %arg9[%dma_start3A_1755, %dma_start3A_1767, %dma_start3A_1768] : memref<7x112x128xf32, #tpu.memory_space<vmem>> -> memref<1x112x128xf32, #tpu.memory_space<vmem>>
    %dma_start3A_1770 = tpu.memref_squeeze %dma_start3A_1769 : memref<1x112x128xf32, #tpu.memory_space<vmem>> -> memref<112x128xf32, #tpu.memory_space<vmem>>
    tpu.enqueue_dma source(%dma_start3A_1770 : memref<112x128xf32, #tpu.memory_space<vmem>>) target(%dma_start3A_1766 : memref<112x128xf32, #tpu.memory_space<hbm>>) target_semaphore(%arg21 : memref<!tpu.dma_semaphore, #tpu.memory_space<semaphore_mem>>)
    %dma_wait3A_1771 = arith.constant 26 : i32
    %dma_wait3A_1772 = arith.constant 5 : i32
    %dma_wait3A_1773 = arith.constant 0 : i32
    %dma_wait3A_1774 = arith.constant 0 : i32
    %dma_wait3A_1775 = tpu.memref_slice %arg9[%dma_wait3A_1772, %dma_wait3A_1773, %dma_wait3A_1774] : memref<7x112x128xf32, #tpu.memory_space<vmem>> -> memref<1x112x128xf32, #tpu.memory_space<vmem>>
    %dma_wait3A_1776 = tpu.memref_squeeze %dma_wait3A_1775 : memref<1x112x128xf32, #tpu.memory_space<vmem>> -> memref<112x128xf32, #tpu.memory_space<vmem>>
    %dma_wait3A_1777 = arith.constant 0 : i32
    %dma_wait3A_1778 = tpu.memref_slice %arg7[%dma_wait3A_1771, %dma_wait3A_1777] : memref<28x112xi32, #tpu.memory_space<vmem>> -> memref<1x112xi32, #tpu.memory_space<vmem>>
    %dma_wait3A_1779 = tpu.memref_squeeze %dma_wait3A_1778 : memref<1x112xi32, #tpu.memory_space<vmem>> -> memref<112xi32, #tpu.memory_space<vmem>>
    %dma_wait3A_1780 = arith.constant 0 : i32
    %dma_wait3A_1781 = arith.constant 0 : i32
    %dma_wait3A_1782 = tpu.memref_slice %arg2[%dma_wait3A_1780, %dma_wait3A_1781] : memref<200000x128xf32, #tpu.memory_space<hbm>> -> memref<200000x128xf32, #tpu.memory_space<hbm>>
    tpu.wait_indirect_dma semaphore(%arg15 : memref<!tpu.dma_semaphore, #tpu.memory_space<semaphore_mem>>) src(%dma_wait3A_1782 : memref<200000x128xf32, #tpu.memory_space<hbm>>) dst(%dma_wait3A_1776 : memref<112x128xf32, #tpu.memory_space<vmem>>)
    %add3A_1783 = arith.constant 1344 : i32
    %add3A_1784 = arith.addi %min3A_3, %add3A_1783 : i32
    %dma_start3A_1785 = arith.constant 5 : i32
    %dma_start3A_1786 = arith.constant 1 : i32
    %dma_start3A_1787 = arith.constant 0 : i32
    %dma_start3A_1788 = arith.constant 0 : i32
    %dma_start3A_1789 = tpu.memref_slice %arg9[%dma_start3A_1785, %dma_start3A_1787, %dma_start3A_1788] : memref<7x112x128xf32, #tpu.memory_space<vmem>> -> memref<1x112x128xf32, #tpu.memory_space<vmem>>
    %dma_start3A_1790 = tpu.memref_squeeze %dma_start3A_1789 : memref<1x112x128xf32, #tpu.memory_space<vmem>> -> memref<112x128xf32, #tpu.memory_space<vmem>>
    %dma_start3A_1791 = arith.constant 0 : i32
    %dma_start3A_1792 = tpu.memref_slice %arg5[%dma_start3A_1786, %add3A_1784, %dma_start3A_1791] : memref<2x50000x128xf32, #tpu.memory_space<hbm>> -> memref<1x112x128xf32, #tpu.memory_space<hbm>>
    %dma_start3A_1793 = tpu.memref_squeeze %dma_start3A_1792 : memref<1x112x128xf32, #tpu.memory_space<hbm>> -> memref<112x128xf32, #tpu.memory_space<hbm>>
    %dma_start3A_1794 = arith.constant 0 : i32
    %dma_start3A_1795 = tpu.memref_slice %arg5[%dma_start3A_1786, %add3A_1784, %dma_start3A_1794] : memref<2x50000x128xf32, #tpu.memory_space<hbm>> -> memref<1x112x128xf32, #tpu.memory_space<hbm>>
    %dma_start3A_1796 = tpu.memref_squeeze %dma_start3A_1795 : memref<1x112x128xf32, #tpu.memory_space<hbm>> -> memref<112x128xf32, #tpu.memory_space<hbm>>
    %dma_start3A_1797 = arith.constant 0 : i32
    %dma_start3A_1798 = arith.constant 0 : i32
    %dma_start3A_1799 = tpu.memref_slice %arg9[%dma_start3A_1785, %dma_start3A_1797, %dma_start3A_1798] : memref<7x112x128xf32, #tpu.memory_space<vmem>> -> memref<1x112x128xf32, #tpu.memory_space<vmem>>
    %dma_start3A_1800 = tpu.memref_squeeze %dma_start3A_1799 : memref<1x112x128xf32, #tpu.memory_space<vmem>> -> memref<112x128xf32, #tpu.memory_space<vmem>>
    tpu.enqueue_dma source(%dma_start3A_1800 : memref<112x128xf32, #tpu.memory_space<vmem>>) target(%dma_start3A_1796 : memref<112x128xf32, #tpu.memory_space<hbm>>) target_semaphore(%arg22 : memref<!tpu.dma_semaphore, #tpu.memory_space<semaphore_mem>>)
    %dma_wait3A_1801 = arith.constant 27 : i32
    %dma_wait3A_1802 = arith.constant 6 : i32
    %dma_wait3A_1803 = arith.constant 0 : i32
    %dma_wait3A_1804 = arith.constant 0 : i32
    %dma_wait3A_1805 = tpu.memref_slice %arg9[%dma_wait3A_1802, %dma_wait3A_1803, %dma_wait3A_1804] : memref<7x112x128xf32, #tpu.memory_space<vmem>> -> memref<1x112x128xf32, #tpu.memory_space<vmem>>
    %dma_wait3A_1806 = tpu.memref_squeeze %dma_wait3A_1805 : memref<1x112x128xf32, #tpu.memory_space<vmem>> -> memref<112x128xf32, #tpu.memory_space<vmem>>
    %dma_wait3A_1807 = arith.constant 0 : i32
    %dma_wait3A_1808 = tpu.memref_slice %arg7[%dma_wait3A_1801, %dma_wait3A_1807] : memref<28x112xi32, #tpu.memory_space<vmem>> -> memref<1x112xi32, #tpu.memory_space<vmem>>
    %dma_wait3A_1809 = tpu.memref_squeeze %dma_wait3A_1808 : memref<1x112xi32, #tpu.memory_space<vmem>> -> memref<112xi32, #tpu.memory_space<vmem>>
    %dma_wait3A_1810 = arith.constant 0 : i32
    %dma_wait3A_1811 = arith.constant 0 : i32
    %dma_wait3A_1812 = tpu.memref_slice %arg2[%dma_wait3A_1810, %dma_wait3A_1811] : memref<200000x128xf32, #tpu.memory_space<hbm>> -> memref<200000x128xf32, #tpu.memory_space<hbm>>
    tpu.wait_indirect_dma semaphore(%arg16 : memref<!tpu.dma_semaphore, #tpu.memory_space<semaphore_mem>>) src(%dma_wait3A_1812 : memref<200000x128xf32, #tpu.memory_space<hbm>>) dst(%dma_wait3A_1806 : memref<112x128xf32, #tpu.memory_space<vmem>>)
    %add3A_1813 = arith.constant 1456 : i32
    %add3A_1814 = arith.addi %min3A_3, %add3A_1813 : i32
    %dma_start3A_1815 = arith.constant 6 : i32
    %dma_start3A_1816 = arith.constant 1 : i32
    %dma_start3A_1817 = arith.constant 0 : i32
    %dma_start3A_1818 = arith.constant 0 : i32
    %dma_start3A_1819 = tpu.memref_slice %arg9[%dma_start3A_1815, %dma_start3A_1817, %dma_start3A_1818] : memref<7x112x128xf32, #tpu.memory_space<vmem>> -> memref<1x112x128xf32, #tpu.memory_space<vmem>>
    %dma_start3A_1820 = tpu.memref_squeeze %dma_start3A_1819 : memref<1x112x128xf32, #tpu.memory_space<vmem>> -> memref<112x128xf32, #tpu.memory_space<vmem>>
    %dma_start3A_1821 = arith.constant 0 : i32
    %dma_start3A_1822 = tpu.memref_slice %arg5[%dma_start3A_1816, %add3A_1814, %dma_start3A_1821] : memref<2x50000x128xf32, #tpu.memory_space<hbm>> -> memref<1x112x128xf32, #tpu.memory_space<hbm>>
    %dma_start3A_1823 = tpu.memref_squeeze %dma_start3A_1822 : memref<1x112x128xf32, #tpu.memory_space<hbm>> -> memref<112x128xf32, #tpu.memory_space<hbm>>
    %dma_start3A_1824 = arith.constant 0 : i32
    %dma_start3A_1825 = tpu.memref_slice %arg5[%dma_start3A_1816, %add3A_1814, %dma_start3A_1824] : memref<2x50000x128xf32, #tpu.memory_space<hbm>> -> memref<1x112x128xf32, #tpu.memory_space<hbm>>
    %dma_start3A_1826 = tpu.memref_squeeze %dma_start3A_1825 : memref<1x112x128xf32, #tpu.memory_space<hbm>> -> memref<112x128xf32, #tpu.memory_space<hbm>>
    %dma_start3A_1827 = arith.constant 0 : i32
    %dma_start3A_1828 = arith.constant 0 : i32
    %dma_start3A_1829 = tpu.memref_slice %arg9[%dma_start3A_1815, %dma_start3A_1827, %dma_start3A_1828] : memref<7x112x128xf32, #tpu.memory_space<vmem>> -> memref<1x112x128xf32, #tpu.memory_space<vmem>>
    %dma_start3A_1830 = tpu.memref_squeeze %dma_start3A_1829 : memref<1x112x128xf32, #tpu.memory_space<vmem>> -> memref<112x128xf32, #tpu.memory_space<vmem>>
    tpu.enqueue_dma source(%dma_start3A_1830 : memref<112x128xf32, #tpu.memory_space<vmem>>) target(%dma_start3A_1826 : memref<112x128xf32, #tpu.memory_space<hbm>>) target_semaphore(%arg23 : memref<!tpu.dma_semaphore, #tpu.memory_space<semaphore_mem>>)
    %dma_wait3A_1831 = arith.constant 0 : i32
    %dma_wait3A_1832 = arith.constant 1 : i32
    %dma_wait3A_1833 = arith.constant 0 : i32
    %dma_wait3A_1834 = arith.constant 0 : i32
    %dma_wait3A_1835 = tpu.memref_slice %arg9[%dma_wait3A_1831, %dma_wait3A_1833, %dma_wait3A_1834] : memref<7x112x128xf32, #tpu.memory_space<vmem>> -> memref<1x112x128xf32, #tpu.memory_space<vmem>>
    %dma_wait3A_1836 = tpu.memref_squeeze %dma_wait3A_1835 : memref<1x112x128xf32, #tpu.memory_space<vmem>> -> memref<112x128xf32, #tpu.memory_space<vmem>>
    %dma_wait3A_1837 = arith.constant 0 : i32
    %dma_wait3A_1838 = tpu.memref_slice %arg5[%dma_wait3A_1832, %add3A_1550, %dma_wait3A_1837] : memref<2x50000x128xf32, #tpu.memory_space<hbm>> -> memref<1x112x128xf32, #tpu.memory_space<hbm>>
    %dma_wait3A_1839 = tpu.memref_squeeze %dma_wait3A_1838 : memref<1x112x128xf32, #tpu.memory_space<hbm>> -> memref<112x128xf32, #tpu.memory_space<hbm>>
    %dma_wait3A_1840 = arith.constant 0 : i32
    %dma_wait3A_1841 = tpu.memref_slice %arg5[%dma_wait3A_1832, %add3A_1550, %dma_wait3A_1840] : memref<2x50000x128xf32, #tpu.memory_space<hbm>> -> memref<1x112x128xf32, #tpu.memory_space<hbm>>
    %dma_wait3A_1842 = tpu.memref_squeeze %dma_wait3A_1841 : memref<1x112x128xf32, #tpu.memory_space<hbm>> -> memref<112x128xf32, #tpu.memory_space<hbm>>
    %dma_wait3A_1843 = arith.constant 0 : i32
    %dma_wait3A_1844 = arith.constant 0 : i32
    %dma_wait3A_1845 = tpu.memref_slice %arg9[%dma_wait3A_1831, %dma_wait3A_1843, %dma_wait3A_1844] : memref<7x112x128xf32, #tpu.memory_space<vmem>> -> memref<1x112x128xf32, #tpu.memory_space<vmem>>
    %dma_wait3A_1846 = tpu.memref_squeeze %dma_wait3A_1845 : memref<1x112x128xf32, #tpu.memory_space<vmem>> -> memref<112x128xf32, #tpu.memory_space<vmem>>
    tpu.wait_dma2 semaphore(%arg17 : memref<!tpu.dma_semaphore, #tpu.memory_space<semaphore_mem>>) src(%dma_wait3A_1846 : memref<112x128xf32, #tpu.memory_space<vmem>>) dst(%dma_wait3A_1842 : memref<112x128xf32, #tpu.memory_space<hbm>>)
    %dma_wait3A_1847 = arith.constant 1 : i32
    %dma_wait3A_1848 = arith.constant 1 : i32
    %dma_wait3A_1849 = arith.constant 0 : i32
    %dma_wait3A_1850 = arith.constant 0 : i32
    %dma_wait3A_1851 = tpu.memref_slice %arg9[%dma_wait3A_1847, %dma_wait3A_1849, %dma_wait3A_1850] : memref<7x112x128xf32, #tpu.memory_space<vmem>> -> memref<1x112x128xf32, #tpu.memory_space<vmem>>
    %dma_wait3A_1852 = tpu.memref_squeeze %dma_wait3A_1851 : memref<1x112x128xf32, #tpu.memory_space<vmem>> -> memref<112x128xf32, #tpu.memory_space<vmem>>
    %dma_wait3A_1853 = arith.constant 0 : i32
    %dma_wait3A_1854 = tpu.memref_slice %arg5[%dma_wait3A_1848, %add3A_1608, %dma_wait3A_1853] : memref<2x50000x128xf32, #tpu.memory_space<hbm>> -> memref<1x112x128xf32, #tpu.memory_space<hbm>>
    %dma_wait3A_1855 = tpu.memref_squeeze %dma_wait3A_1854 : memref<1x112x128xf32, #tpu.memory_space<hbm>> -> memref<112x128xf32, #tpu.memory_space<hbm>>
    %dma_wait3A_1856 = arith.constant 0 : i32
    %dma_wait3A_1857 = tpu.memref_slice %arg5[%dma_wait3A_1848, %add3A_1608, %dma_wait3A_1856] : memref<2x50000x128xf32, #tpu.memory_space<hbm>> -> memref<1x112x128xf32, #tpu.memory_space<hbm>>
    %dma_wait3A_1858 = tpu.memref_squeeze %dma_wait3A_1857 : memref<1x112x128xf32, #tpu.memory_space<hbm>> -> memref<112x128xf32, #tpu.memory_space<hbm>>
    %dma_wait3A_1859 = arith.constant 0 : i32
    %dma_wait3A_1860 = arith.constant 0 : i32
    %dma_wait3A_1861 = tpu.memref_slice %arg9[%dma_wait3A_1847, %dma_wait3A_1859, %dma_wait3A_1860] : memref<7x112x128xf32, #tpu.memory_space<vmem>> -> memref<1x112x128xf32, #tpu.memory_space<vmem>>
    %dma_wait3A_1862 = tpu.memref_squeeze %dma_wait3A_1861 : memref<1x112x128xf32, #tpu.memory_space<vmem>> -> memref<112x128xf32, #tpu.memory_space<vmem>>
    tpu.wait_dma2 semaphore(%arg18 : memref<!tpu.dma_semaphore, #tpu.memory_space<semaphore_mem>>) src(%dma_wait3A_1862 : memref<112x128xf32, #tpu.memory_space<vmem>>) dst(%dma_wait3A_1858 : memref<112x128xf32, #tpu.memory_space<hbm>>)
    %dma_wait3A_1863 = arith.constant 2 : i32
    %dma_wait3A_1864 = arith.constant 1 : i32
    %dma_wait3A_1865 = arith.constant 0 : i32
    %dma_wait3A_1866 = arith.constant 0 : i32
    %dma_wait3A_1867 = tpu.memref_slice %arg9[%dma_wait3A_1863, %dma_wait3A_1865, %dma_wait3A_1866] : memref<7x112x128xf32, #tpu.memory_space<vmem>> -> memref<1x112x128xf32, #tpu.memory_space<vmem>>
    %dma_wait3A_1868 = tpu.memref_squeeze %dma_wait3A_1867 : memref<1x112x128xf32, #tpu.memory_space<vmem>> -> memref<112x128xf32, #tpu.memory_space<vmem>>
    %dma_wait3A_1869 = arith.constant 0 : i32
    %dma_wait3A_1870 = tpu.memref_slice %arg5[%dma_wait3A_1864, %add3A_1666, %dma_wait3A_1869] : memref<2x50000x128xf32, #tpu.memory_space<hbm>> -> memref<1x112x128xf32, #tpu.memory_space<hbm>>
    %dma_wait3A_1871 = tpu.memref_squeeze %dma_wait3A_1870 : memref<1x112x128xf32, #tpu.memory_space<hbm>> -> memref<112x128xf32, #tpu.memory_space<hbm>>
    %dma_wait3A_1872 = arith.constant 0 : i32
    %dma_wait3A_1873 = tpu.memref_slice %arg5[%dma_wait3A_1864, %add3A_1666, %dma_wait3A_1872] : memref<2x50000x128xf32, #tpu.memory_space<hbm>> -> memref<1x112x128xf32, #tpu.memory_space<hbm>>
    %dma_wait3A_1874 = tpu.memref_squeeze %dma_wait3A_1873 : memref<1x112x128xf32, #tpu.memory_space<hbm>> -> memref<112x128xf32, #tpu.memory_space<hbm>>
    %dma_wait3A_1875 = arith.constant 0 : i32
    %dma_wait3A_1876 = arith.constant 0 : i32
    %dma_wait3A_1877 = tpu.memref_slice %arg9[%dma_wait3A_1863, %dma_wait3A_1875, %dma_wait3A_1876] : memref<7x112x128xf32, #tpu.memory_space<vmem>> -> memref<1x112x128xf32, #tpu.memory_space<vmem>>
    %dma_wait3A_1878 = tpu.memref_squeeze %dma_wait3A_1877 : memref<1x112x128xf32, #tpu.memory_space<vmem>> -> memref<112x128xf32, #tpu.memory_space<vmem>>
    tpu.wait_dma2 semaphore(%arg19 : memref<!tpu.dma_semaphore, #tpu.memory_space<semaphore_mem>>) src(%dma_wait3A_1878 : memref<112x128xf32, #tpu.memory_space<vmem>>) dst(%dma_wait3A_1874 : memref<112x128xf32, #tpu.memory_space<hbm>>)
    %dma_wait3A_1879 = arith.constant 3 : i32
    %dma_wait3A_1880 = arith.constant 1 : i32
    %dma_wait3A_1881 = arith.constant 0 : i32
    %dma_wait3A_1882 = arith.constant 0 : i32
    %dma_wait3A_1883 = tpu.memref_slice %arg9[%dma_wait3A_1879, %dma_wait3A_1881, %dma_wait3A_1882] : memref<7x112x128xf32, #tpu.memory_space<vmem>> -> memref<1x112x128xf32, #tpu.memory_space<vmem>>
    %dma_wait3A_1884 = tpu.memref_squeeze %dma_wait3A_1883 : memref<1x112x128xf32, #tpu.memory_space<vmem>> -> memref<112x128xf32, #tpu.memory_space<vmem>>
    %dma_wait3A_1885 = arith.constant 0 : i32
    %dma_wait3A_1886 = tpu.memref_slice %arg5[%dma_wait3A_1880, %add3A_1724, %dma_wait3A_1885] : memref<2x50000x128xf32, #tpu.memory_space<hbm>> -> memref<1x112x128xf32, #tpu.memory_space<hbm>>
    %dma_wait3A_1887 = tpu.memref_squeeze %dma_wait3A_1886 : memref<1x112x128xf32, #tpu.memory_space<hbm>> -> memref<112x128xf32, #tpu.memory_space<hbm>>
    %dma_wait3A_1888 = arith.constant 0 : i32
    %dma_wait3A_1889 = tpu.memref_slice %arg5[%dma_wait3A_1880, %add3A_1724, %dma_wait3A_1888] : memref<2x50000x128xf32, #tpu.memory_space<hbm>> -> memref<1x112x128xf32, #tpu.memory_space<hbm>>
    %dma_wait3A_1890 = tpu.memref_squeeze %dma_wait3A_1889 : memref<1x112x128xf32, #tpu.memory_space<hbm>> -> memref<112x128xf32, #tpu.memory_space<hbm>>
    %dma_wait3A_1891 = arith.constant 0 : i32
    %dma_wait3A_1892 = arith.constant 0 : i32
    %dma_wait3A_1893 = tpu.memref_slice %arg9[%dma_wait3A_1879, %dma_wait3A_1891, %dma_wait3A_1892] : memref<7x112x128xf32, #tpu.memory_space<vmem>> -> memref<1x112x128xf32, #tpu.memory_space<vmem>>
    %dma_wait3A_1894 = tpu.memref_squeeze %dma_wait3A_1893 : memref<1x112x128xf32, #tpu.memory_space<vmem>> -> memref<112x128xf32, #tpu.memory_space<vmem>>
    tpu.wait_dma2 semaphore(%arg20 : memref<!tpu.dma_semaphore, #tpu.memory_space<semaphore_mem>>) src(%dma_wait3A_1894 : memref<112x128xf32, #tpu.memory_space<vmem>>) dst(%dma_wait3A_1890 : memref<112x128xf32, #tpu.memory_space<hbm>>)
    %dma_wait3A_1895 = arith.constant 4 : i32
    %dma_wait3A_1896 = arith.constant 1 : i32
    %dma_wait3A_1897 = arith.constant 0 : i32
    %dma_wait3A_1898 = arith.constant 0 : i32
    %dma_wait3A_1899 = tpu.memref_slice %arg9[%dma_wait3A_1895, %dma_wait3A_1897, %dma_wait3A_1898] : memref<7x112x128xf32, #tpu.memory_space<vmem>> -> memref<1x112x128xf32, #tpu.memory_space<vmem>>
    %dma_wait3A_1900 = tpu.memref_squeeze %dma_wait3A_1899 : memref<1x112x128xf32, #tpu.memory_space<vmem>> -> memref<112x128xf32, #tpu.memory_space<vmem>>
    %dma_wait3A_1901 = arith.constant 0 : i32
    %dma_wait3A_1902 = tpu.memref_slice %arg5[%dma_wait3A_1896, %add3A_1754, %dma_wait3A_1901] : memref<2x50000x128xf32, #tpu.memory_space<hbm>> -> memref<1x112x128xf32, #tpu.memory_space<hbm>>
    %dma_wait3A_1903 = tpu.memref_squeeze %dma_wait3A_1902 : memref<1x112x128xf32, #tpu.memory_space<hbm>> -> memref<112x128xf32, #tpu.memory_space<hbm>>
    %dma_wait3A_1904 = arith.constant 0 : i32
    %dma_wait3A_1905 = tpu.memref_slice %arg5[%dma_wait3A_1896, %add3A_1754, %dma_wait3A_1904] : memref<2x50000x128xf32, #tpu.memory_space<hbm>> -> memref<1x112x128xf32, #tpu.memory_space<hbm>>
    %dma_wait3A_1906 = tpu.memref_squeeze %dma_wait3A_1905 : memref<1x112x128xf32, #tpu.memory_space<hbm>> -> memref<112x128xf32, #tpu.memory_space<hbm>>
    %dma_wait3A_1907 = arith.constant 0 : i32
    %dma_wait3A_1908 = arith.constant 0 : i32
    %dma_wait3A_1909 = tpu.memref_slice %arg9[%dma_wait3A_1895, %dma_wait3A_1907, %dma_wait3A_1908] : memref<7x112x128xf32, #tpu.memory_space<vmem>> -> memref<1x112x128xf32, #tpu.memory_space<vmem>>
    %dma_wait3A_1910 = tpu.memref_squeeze %dma_wait3A_1909 : memref<1x112x128xf32, #tpu.memory_space<vmem>> -> memref<112x128xf32, #tpu.memory_space<vmem>>
    tpu.wait_dma2 semaphore(%arg21 : memref<!tpu.dma_semaphore, #tpu.memory_space<semaphore_mem>>) src(%dma_wait3A_1910 : memref<112x128xf32, #tpu.memory_space<vmem>>) dst(%dma_wait3A_1906 : memref<112x128xf32, #tpu.memory_space<hbm>>)
    %dma_wait3A_1911 = arith.constant 5 : i32
    %dma_wait3A_1912 = arith.constant 1 : i32
    %dma_wait3A_1913 = arith.constant 0 : i32
    %dma_wait3A_1914 = arith.constant 0 : i32
    %dma_wait3A_1915 = tpu.memref_slice %arg9[%dma_wait3A_1911, %dma_wait3A_1913, %dma_wait3A_1914] : memref<7x112x128xf32, #tpu.memory_space<vmem>> -> memref<1x112x128xf32, #tpu.memory_space<vmem>>
    %dma_wait3A_1916 = tpu.memref_squeeze %dma_wait3A_1915 : memref<1x112x128xf32, #tpu.memory_space<vmem>> -> memref<112x128xf32, #tpu.memory_space<vmem>>
    %dma_wait3A_1917 = arith.constant 0 : i32
    %dma_wait3A_1918 = tpu.memref_slice %arg5[%dma_wait3A_1912, %add3A_1784, %dma_wait3A_1917] : memref<2x50000x128xf32, #tpu.memory_space<hbm>> -> memref<1x112x128xf32, #tpu.memory_space<hbm>>
    %dma_wait3A_1919 = tpu.memref_squeeze %dma_wait3A_1918 : memref<1x112x128xf32, #tpu.memory_space<hbm>> -> memref<112x128xf32, #tpu.memory_space<hbm>>
    %dma_wait3A_1920 = arith.constant 0 : i32
    %dma_wait3A_1921 = tpu.memref_slice %arg5[%dma_wait3A_1912, %add3A_1784, %dma_wait3A_1920] : memref<2x50000x128xf32, #tpu.memory_space<hbm>> -> memref<1x112x128xf32, #tpu.memory_space<hbm>>
    %dma_wait3A_1922 = tpu.memref_squeeze %dma_wait3A_1921 : memref<1x112x128xf32, #tpu.memory_space<hbm>> -> memref<112x128xf32, #tpu.memory_space<hbm>>
    %dma_wait3A_1923 = arith.constant 0 : i32
    %dma_wait3A_1924 = arith.constant 0 : i32
    %dma_wait3A_1925 = tpu.memref_slice %arg9[%dma_wait3A_1911, %dma_wait3A_1923, %dma_wait3A_1924] : memref<7x112x128xf32, #tpu.memory_space<vmem>> -> memref<1x112x128xf32, #tpu.memory_space<vmem>>
    %dma_wait3A_1926 = tpu.memref_squeeze %dma_wait3A_1925 : memref<1x112x128xf32, #tpu.memory_space<vmem>> -> memref<112x128xf32, #tpu.memory_space<vmem>>
    tpu.wait_dma2 semaphore(%arg22 : memref<!tpu.dma_semaphore, #tpu.memory_space<semaphore_mem>>) src(%dma_wait3A_1926 : memref<112x128xf32, #tpu.memory_space<vmem>>) dst(%dma_wait3A_1922 : memref<112x128xf32, #tpu.memory_space<hbm>>)
    %dma_wait3A_1927 = arith.constant 6 : i32
    %dma_wait3A_1928 = arith.constant 1 : i32
    %dma_wait3A_1929 = arith.constant 0 : i32
    %dma_wait3A_1930 = arith.constant 0 : i32
    %dma_wait3A_1931 = tpu.memref_slice %arg9[%dma_wait3A_1927, %dma_wait3A_1929, %dma_wait3A_1930] : memref<7x112x128xf32, #tpu.memory_space<vmem>> -> memref<1x112x128xf32, #tpu.memory_space<vmem>>
    %dma_wait3A_1932 = tpu.memref_squeeze %dma_wait3A_1931 : memref<1x112x128xf32, #tpu.memory_space<vmem>> -> memref<112x128xf32, #tpu.memory_space<vmem>>
    %dma_wait3A_1933 = arith.constant 0 : i32
    %dma_wait3A_1934 = tpu.memref_slice %arg5[%dma_wait3A_1928, %add3A_1814, %dma_wait3A_1933] : memref<2x50000x128xf32, #tpu.memory_space<hbm>> -> memref<1x112x128xf32, #tpu.memory_space<hbm>>
    %dma_wait3A_1935 = tpu.memref_squeeze %dma_wait3A_1934 : memref<1x112x128xf32, #tpu.memory_space<hbm>> -> memref<112x128xf32, #tpu.memory_space<hbm>>
    %dma_wait3A_1936 = arith.constant 0 : i32
    %dma_wait3A_1937 = tpu.memref_slice %arg5[%dma_wait3A_1928, %add3A_1814, %dma_wait3A_1936] : memref<2x50000x128xf32, #tpu.memory_space<hbm>> -> memref<1x112x128xf32, #tpu.memory_space<hbm>>
    %dma_wait3A_1938 = tpu.memref_squeeze %dma_wait3A_1937 : memref<1x112x128xf32, #tpu.memory_space<hbm>> -> memref<112x128xf32, #tpu.memory_space<hbm>>
    %dma_wait3A_1939 = arith.constant 0 : i32
    %dma_wait3A_1940 = arith.constant 0 : i32
    %dma_wait3A_1941 = tpu.memref_slice %arg9[%dma_wait3A_1927, %dma_wait3A_1939, %dma_wait3A_1940] : memref<7x112x128xf32, #tpu.memory_space<vmem>> -> memref<1x112x128xf32, #tpu.memory_space<vmem>>
    %dma_wait3A_1942 = tpu.memref_squeeze %dma_wait3A_1941 : memref<1x112x128xf32, #tpu.memory_space<vmem>> -> memref<112x128xf32, #tpu.memory_space<vmem>>
    tpu.wait_dma2 semaphore(%arg23 : memref<!tpu.dma_semaphore, #tpu.memory_space<semaphore_mem>>) src(%dma_wait3A_1942 : memref<112x128xf32, #tpu.memory_space<vmem>>) dst(%dma_wait3A_1938 : memref<112x128xf32, #tpu.memory_space<hbm>>)
    return
  }
}

</mosaic_0001>

<sc_bundles>
// kernel: _sc_gather.3.cloned.1.call-start
scs
__scs_entry_jumppad:
0x0: {  	(pc) =	sbr.rel $0x88, $3  }
0x1: {  	(tag) =	ssettag $0x0;
	lr =	simm.s32 $0x1  }
0x2: {  	[smem:$0x3F9E] =	sst lr;
	_ =	strace $0xD0000000  }
0x3: {  	_ = 	snop  }
0x4: {  	_ = 	snop  }
0x5: {  	_ = 	snop  }
0x6: {  	_ = 	snop  }
0x7: {  	_ = 	snop  }
__scs_overlays_trampoline_lowered:
0x8: {  	[smem:$0x3FAD] =	sst s0  }
0x9: {  	[smem:$0x3FAE] =	sst s1  }
0xa: {  	[smem:$0x3FAF] =	sst s2  }
0xb: {  	[smem:$0x3FB0] =	sst s3  }
0xc: {  	[smem:$0x3FB1] =	sst s4  }
0xd: {  	[smem:$0x3FB2] =	sst s5  }
0xe: {  	[smem:$0x3FB3] =	sst s6  }
0xf: {  	[smem:$0x3FB4] =	sst s7  }
0x10: {  	[smem:$0x3FB5] =	sst s8  }
0x11: {  	[smem:$0x3FB6] =	sst s9;
	s0 =	simm.s32 @!p0 $0x0  }
0x12: {  	s1 =	sld [smem:$0x3F9C];
	s0 =	simm.s32 @p0 $0x1  }
0x13: {  	[smem:$0x3FB7] =	sst s0;
	s0 =	simm.s32 @!p1 $0x0  }
0x14: {  	s2 =	sld [smem:$0x3F9B];
	s0 =	simm.s32 @p1 $0x1  }
0x15: {  	[smem:$0x3FB8] =	sst s0;
	s0 =	simm.s32 @!p2 $0x0  }
0x16: {  	s3 =	sld [smem:$0x3FDB];
	s0 =	simm.s32 @p2 $0x1  }
0x17: {  	s4 =	simm.s32 $0x1BF5;
	[smem:$0x3FBA] =	sst s0  }
0x18: {  	s0 =	sld [smem:$0x3F9D];
	_ =	swait.ge [sflag:s4], $0x0  }
0x19: {  	s7 =	sld [smem:$0x3F9E]  }
0x1a: {  	s8 =	sadd.s32 $0xFFFFE003, lr  }
0x1b: {  	s9 =	sadd.s32 $0xFFFFFEF7, lr;
	s5 =	simm.s32 $0xFFFFFFFF;
	p2 =	slt.u32 s8, $0xFFFFF086  }
0x1c: {  	p1 =	slt.u32 s9, $0xF7A;
	s5 =	simm.s32 @!p2 $0x0  }
0x1d: {  	s5 =	simm.s32 @p1 $0x1;
	p0 =	seq.s32 s7, s2  }
0x1e: {  	s7 =	smul.u32 @!p0 $0xF7A, s2;
	p2 =	seq.s32 @!p0 s5, $0x0  }
0x1f: {  	s9 =	smul.u32 $0xF7A, s1;
	s8 =	simm.s32 @!p0 $0x1BF5;
	p2 =	por !p2, p0  }
0x20: {  	[sflag:s8] =	ssyncset.s32 @!p0 $0xFFFFF086;
	s6 =	sadd.s32 @!p0 s3, s7;
	s7 =	simm.s32 @!p0 $0x108  }
0x21: {  	s3 =	sadd.s32 s3, s9;
	s6 =	sadd.s32 @!p0 $0x88, s6;
	s7 =	simm.s32 @p2 $0x1082  }
0x22: {  	[simem:s7], [sflag:s8] =	dma.local @!p0 [hbm:s6], $0xF7A  }
0x23: {  	s9 =	sor.u32 $0xD0000000, s2;
	s6 =	simm.s32 $0x108;
	_ =	swait.ge @!p0 [sflag:s8], $0x0  }
0x24: {  	s3 =	sadd.s32 $0x88, s3;
	s6 =	simm.s32 @!p1 $0x1082;
	[sflag:s4] =	ssyncset.s32 $0xFFFFF086  }
0x25: {  	[simem:s6], [sflag:s4] =	dma.local [hbm:s3], $0xF7A  }
0x26: {  	[smem:$0x3F9E] =	sst s1;
	(tag) =	ssettag s2;
	_ =	strace s9  }
0x27: {  	s1 =	sld [smem:$0x3FAE]  }
0x28: {  	s2 =	sld [smem:$0x3FAF]  }
0x29: {  	s4 =	sld [smem:$0x3FB1]  }
0x2a: {  	p0 =	seq.s32 s5, $0x0;
	s5 =	sld [smem:$0x3FB2]  }
0x2b: {  	s6 =	sld [smem:$0x3FB3]  }
0x2c: {  	s7 =	sld [smem:$0x3FB4]  }
0x2d: {  	s3 =	simm.s32 $0x108;
	s8 =	sld [smem:$0x3FB5]  }
0x2e: {  	s3 =	simm.s32 @!p0 $0x1082;
	s9 =	sld [smem:$0x3FB6]  }
0x2f: {  	lr =	sadd.s32 s0, s3;
	s0 =	sld [smem:$0x3FAD]  }
0x30: {  	s3 =	sld [smem:$0x3FB0]  }
0x31: {  	[smem:$0x3FB9] =	sst s10  }
0x32: {  	s10 =	sld [smem:$0x3FB7];
	_ =	sdelay $0x3  }
0x33: {  	p0 =	seq.s32 s10, $0x1;
	s10 =	sld [smem:$0x3FB9];
	_ =	sdelay $0x3  }
0x34: {  	[smem:$0x3FB9] =	sst s10  }
0x35: {  	s10 =	sld [smem:$0x3FB8];
	_ =	sdelay $0x3  }
0x36: {  	p1 =	seq.s32 s10, $0x1;
	s10 =	sld [smem:$0x3FB9];
	_ =	sdelay $0x3  }
0x37: {  	[smem:$0x3FB9] =	sst s10  }
0x38: {  	s10 =	sld [smem:$0x3FBA]  }
0x39: {  	_ = 	snop;
	(pc) =	sbr.ind lr, $3  }
0x3a: {  	_ = 	snop  }
0x3b: {  	_ = 	snop  }
0x3c: {  	p2 =	seq.s32 s10, $0x1;
	s10 =	sld [smem:$0x3FB9]  }
0x3d: {  	_ =	shalt  }
0x3e: {  	_ =	shalt  }
0x3f: {  	_ =	shalt  }
0x40: {  	_ =	shalt  }
0x41: {  	_ =	shalt  }
0x42: {  	_ =	shalt  }
0x43: {  	_ =	shalt  }
0x44: {  	_ =	shalt  }
0x45: {  	_ =	shalt  }
0x46: {  	_ =	shalt  }
0x47: {  	_ =	shalt  }
0x48: {  	_ =	shalt  }
0x49: {  	_ =	shalt  }
0x4a: {  	_ =	shalt  }
0x4b: {  	_ =	shalt  }
0x4c: {  	_ =	shalt  }
0x4d: {  	_ =	shalt  }
0x4e: {  	_ =	shalt  }
0x4f: {  	_ =	shalt  }
0x50: {  	_ =	shalt  }
0x51: {  	_ =	shalt  }
0x52: {  	_ =	shalt  }
0x53: {  	_ =	shalt  }
0x54: {  	_ =	shalt  }
0x55: {  	_ =	shalt  }
0x56: {  	_ =	shalt  }
0x57: {  	_ =	shalt  }
0x58: {  	_ =	shalt  }
0x59: {  	_ =	shalt  }
0x5a: {  	_ =	shalt  }
0x5b: {  	_ =	shalt  }
0x5c: {  	_ =	shalt  }
0x5d: {  	_ =	shalt  }
0x5e: {  	_ =	shalt  }
0x5f: {  	_ =	shalt  }
0x60: {  	_ =	shalt  }
0x61: {  	_ =	shalt  }
0x62: {  	_ =	shalt  }
0x63: {  	_ =	shalt  }
0x64: {  	_ =	shalt  }
0x65: {  	_ =	shalt  }
0x66: {  	_ =	shalt  }
0x67: {  	_ =	shalt  }
0x68: {  	_ =	shalt  }
0x69: {  	_ =	shalt  }
0x6a: {  	_ =	shalt  }
0x6b: {  	_ =	shalt  }
0x6c: {  	_ =	shalt  }
0x6d: {  	_ =	shalt  }
0x6e: {  	_ =	shalt  }
0x6f: {  	_ =	shalt  }
0x70: {  	_ =	shalt  }
0x71: {  	_ =	shalt  }
0x72: {  	_ =	shalt  }
0x73: {  	_ =	shalt  }
0x74: {  	_ =	shalt  }
0x75: {  	_ =	shalt  }
0x76: {  	_ =	shalt  }
0x77: {  	_ =	shalt  }
0x78: {  	_ =	shalt  }
0x79: {  	_ =	shalt  }
0x7a: {  	_ =	shalt  }
0x7b: {  	_ =	shalt  }
0x7c: {  	_ =	shalt  }
0x7d: {  	_ =	shalt  }
0x7e: {  	_ =	shalt  }
0x7f: {  	_ =	shalt  }
0x80: {  	_ =	shalt  }
0x81: {  	_ =	shalt  }
0x82: {  	_ =	shalt  }
0x83: {  	_ =	shalt  }
0x84: {  	_ =	shalt  }
0x85: {  	_ =	shalt  }
0x86: {  	_ =	shalt  }
0x87: {  	_ =	shalt  }
.Lfunc_end0:
.L_simem_size_0:
called_computation_lowered:
.L_overlay_start_0:
0x88: {  	s2 =	sld [smem:$0x3FD9]  }
0x89: {  	s3 =	sld [smem:$0x3FFE];
	_ =	sdelay $0x1  }
0x8a: {  	s1 =	srdreg.scid  }
0x8b: {  	s0 =	sand.u32 $0x1, s1  }
0x8c: {  	s18 =	sshll.u32 s0, $0xA;
	s2 =	sadd.s32 s3, s2  }
0x8d: {  	s2 =	sadd.s32 s2, s18  }
0x8e: {  	[smem:$0x3FC5] =	sst s2  }
0x8f: {  	_ = 	snop  }
0x90: {  	s2 =	sld [smem:$0x3FC9]  }
0x91: {  	s19 =	sld [smem:$0x3FC8]  }
0x92: {  	s4 =	sld [smem:$0x3FC7]  }
0x93: {  	s5 =	sld [smem:$0x3FD0];
	(tm) =	ssettm $0x1  }
0x94: {  	s6 =	sld [smem:$0x3FFB];
	_ =	sdelay $0x3  }
0x95: {  	_ =	strace s6  }
0x96: {  	s6 =	sld [smem:$0x3FFC];
	_ =	sdelay $0x3  }
0x97: {  	_ =	strace s6  }
0x98: {  	s6 =	sld [smem:$0x3FFD];
	_ =	sdelay $0x3  }
0x99: {  	_ =	strace s6  }
0x9a: {  	_ =	strace $0x8FFFFFFF  }
0x9b: {  	s20 =	sld [smem:$0x3FDB];
	_ =	sdelay $0x1  }
0x9c: {  	s7 =	simm.s32 $_scs_section_size  }
0x9d: {  	s8 =	simm.s32 $_size__tile_overlayer_lowered;
	s9 =	simm.s32 $_tile_overlayer_lowered  }
0x9e: {  	s23 =	simm.s32 $0x1BFF;
	s22 =	sshll.u32 s9, $0x1;
	s6 =	sadd.s32 s7, s20  }
0x9f: {  	s10 =	simm.s32 $0x0;
	s21 =	sshll.u32 s8, $0x1;
	s8 =	sadd.s32 s22, s6  }
0xa0: {  	[timem:s10], [sflag:s23] =	dma.local [hbm:s8], s21  }
0xa1: {  	_ =	swait.ge [sflag:s23], s21  }
0xa2: {  	s7 =	ssub.s32 $0x0, s21;
	[sflag:s23] =	ssyncset.done $0x0  }
0xa3: {  	[sflag:s23] =	ssyncadd.s32 s7;
	_ =	sdelay $0x1  }
0xa4: {  	s24 =	simm.s32 $0x1B8B  }
0xa5: {  	_ =	swait.ge [sflag:s24], $0x1  }
0xa6: {  	[sflag:s24] =	ssyncset.done $0x0  }
0xa7: {  	s25 =	simm.s32 $0x1B8E;
	[sflag:s24] =	ssyncadd.s32 $0xFFFFFFFF  }
0xa8: {  	s26 =	simm.s32 $execute0_lowered;
	[smem:$0x3FD2] =	sst s25  }
0xa9: {  	s7 =	sshll.u32 s26, $0x1;
	_ =	strace $0x80000046;
	[dreg:$0x1] =	wrdreg $0xFFFFFFFF  }
0xaa: {  	s28 =	simm.s32 $_size_execute0_lowered;
	s6 =	sadd.s32 s6, s7;
	[dreg:$0x0] =	wrdreg $0x0  }
0xab: {  	s7 =	sshll.u32 s28, $0x1;
	[dreg:$0x2] =	wrdreg s6  }
0xac: {  	[dreg:$0x3] =	wrdreg s7  }
0xad: {  	[dreg:$0x4] =	wrdreg $0xC0  }
0xae: {  	_ =	task [dreg:s10], $0x5FFFF  }
0xaf: {  	[dreg:$0x1] =	wrdreg $0xFFFFFFFF  }
0xb0: {  	[dreg:$0x0] =	wrdreg $0x60  }
0xb1: {  	[dreg:$0x2] =	wrdreg s2  }
0xb2: {  	[dreg:$0x3] =	wrdreg s19  }
0xb3: {  	[dreg:$0x4] =	wrdreg s4  }
0xb4: {  	[dreg:$0x5] =	wrdreg s5  }
0xb5: {  	[dreg:$0x6] =	wrdreg $0x9  }
0xb6: {  	_ =	task.clear_ibuf [dreg:s10], $0x7FFFF;
	_ =	strace $0x90000046  }
0xb7: {  	s29 =	simm.s32 $0x9;
	_ =	strace $0x80000048  }
0xb8: {  	_ =	swait.ge [sflag:s29], $0x1  }
0xb9: {  	[sflag:s29] =	ssyncadd.s32 $0xFFFFFFFF  }
0xba: {  	_ =	strace $0x90000048  }
0xbb: {  	_ =	sfence  }
0xbc: {  	s30 =	sld [smem:$0x0];
	_ =	sdelay $0x2  }
0xbd: {  	s31 =	sshll.u32 s1, $0xD;
	s1 =	sshrl.u32 s1, $0x2  }
0xbe: {  	s3 =	sand.u32 $0x4000, s31;
	s1 =	sadd.s32 s1, s30  }
0xbf: {  	s0 =	sor.u32 s3, s0;
	s1 =	sshll.u32 s1, $0x11  }
0xc0: {  	s0 =	sor.u32 s1, s0  }
0xc1: {  	s0 =	sadd.s32 $0x8F2B, s0  }
0xc2: {  	[sflag:s0] =	ssyncadd.remote.s32 $0x1  }
0xc3: {  	_ =	sfence.sel $0xFFFF  }
0xc4: {  	[dreg:$0x0] =	wrdreg $0xFFFFFFFF;
	(pc) =	sbr.abs _section_cstart, $3  }
0xc5: {  	[dreg:$0x1] =	wrdreg $0xFFFFFFFF  }
0xc6: {  	_ =	task.clear_ibuf [dreg:s10], $0x2FFFF;
	_ =	strace $0x9FFFFFFF  }
0xc7: {  	(tm) =	ssettm $0x7FFFFFFF  }
tec
execute0_lowered:
.L_overlay_start_1:
0x0: {  	(tag) =	ssettag $0x1  }
0x1: {  	s2 =	srdreg.scid;
	s3 =	stileid.u32  }
0x2: {  	s2 =	sand.u32 $0x1, s2;
	s3 =	sshll.u32 s3, $0x1  }
0x3: {  	s1 =	rddreg [dreg:$0x0];
	s3 =	sor.u32 s2, s3  }
0x4: {  	s0 =	rddreg [dreg:$0x1];
	s2 =	ssub.s32 $0x2, s2;
	s3 =	smul.u32 $0x620, s3  }
0x5: {  	s5 =	rddreg [dreg:$0x3];
	s4 =	simm.s32 $0x0;
	s6 =	sshrl.u32 s2, $0x1  }
0x6: {  	[smem:$0x7FF] =	sst s4;
	s2 =	ssub.s32 s2, s6;
	s3 =	smin.u32 s3, $0xBD30  }
0x7: {  	_ =	strace $0x80000047;
	s2 =	smax.u32 s2, $0x1;
	s7 =	sshrl.u32 s3, $0x3  }
0x8: {  	s3 =	sshll.u32 s3, $0x4;
	[dreg:$0x19] =	wrdreg s2;
	s0 =	sadd.s32 s0, s7  }
0x9: {  	[dreg:$0x5] =	wrdreg s0;
	s0 =	sadd.s32 s5, s3  }
0xa: {  	s3 =	sadd.s32 $0x700, s0;
	[dreg:$0x6] =	wrdreg s0  }
0xb: {  	s24 =	sadd.s32 $0xE00, s0;
	[dreg:$0x7] =	wrdreg s3  }
0xc: {  	s25 =	sadd.s32 $0x1500, s0;
	[dreg:$0x8] =	wrdreg s24  }
0xd: {  	s26 =	sadd.s32 $0x1C00, s0;
	[dreg:$0x9] =	wrdreg s25  }
0xe: {  	s5 =	sadd.s32 $0x2300, s0;
	[dreg:$0xa] =	wrdreg s26  }
0xf: {  	s6 =	sadd.s32 $0x2A00, s0;
	[dreg:$0xb] =	wrdreg s5  }
0x10: {  	s7 =	sadd.s32 $0x3100, s0;
	[dreg:$0xc] =	wrdreg s6  }
0x11: {  	s8 =	sadd.s32 $0x3800, s0;
	[dreg:$0xd] =	wrdreg s7  }
0x12: {  	s9 =	sadd.s32 $0x3F00, s0;
	[dreg:$0xe] =	wrdreg s8  }
0x13: {  	s10 =	sadd.s32 $0x4600, s0;
	[dreg:$0xf] =	wrdreg s9  }
0x14: {  	s11 =	sadd.s32 $0x4D00, s0;
	[dreg:$0x10] =	wrdreg s10  }
0x15: {  	s12 =	sadd.s32 $0x5400, s0;
	[dreg:$0x11] =	wrdreg s11  }
0x16: {  	s13 =	sadd.s32 $0x5B00, s0;
	[dreg:$0x12] =	wrdreg s12  }
0x17: {  	s14 =	sadd.s32 $0xC3500, s0;
	[dreg:$0x13] =	wrdreg s13  }
0x18: {  	s15 =	sadd.s32 $0xC3C00, s0;
	[dreg:$0x14] =	wrdreg s14  }
0x19: {  	s16 =	sadd.s32 $0xC4300, s0;
	[dreg:$0x15] =	wrdreg s15  }
0x1a: {  	s17 =	sadd.s32 $0xC4A00, s0;
	[dreg:$0x16] =	wrdreg s16  }
0x1b: {  	s18 =	sadd.s32 $0xC5100, s0;
	[dreg:$0x17] =	wrdreg s17  }
0x1c: {  	s19 =	sadd.s32 $0xC5800, s0;
	[dreg:$0x18] =	wrdreg s18  }
0x1d: {  	s28 =	simm.s32 $0xC;
	s20 =	sadd.s32 $0xC5F00, s0;
	[dreg:$0x1a] =	wrdreg s19  }
0x1e: {  	s29 =	simm.s32 $0xD;
	s21 =	sadd.s32 $0xC6600, s0;
	[dreg:$0x1b] =	wrdreg s20  }
0x1f: {  	s30 =	simm.s32 $0xE;
	s22 =	sadd.s32 $0xC6D00, s0;
	[dreg:$0x1c] =	wrdreg s21  }
0x20: {  	s31 =	simm.s32 $0x0;
	s23 =	sadd.s32 $0xC7400, s0;
	[dreg:$0x1d] =	wrdreg s22  }
0x21: {  	[dreg:$0x1e] =	wrdreg s23;
	s24 =	sadd.s32 $0xC7B00, s0;
	s25 =	sadd.s32 $0xC8200, s0  }
0x22: {  	s26 =	sadd.s32 $0xC8900, s0;
	s0 =	sadd.s32 $0xC9000, s0;
	s8 =	simm.s32 $0x70  }
0x23: {  	s5 =	simm.s32 $0x1780;
	s6 =	simm.s32 $0x4F80;
	s7 =	simm.s32 $0x8780  }
0x24: {  	s9 =	simm.s32 $0xBF80;
	s13 =	simm.s32 $0x1;
	s15 =	simm.s32 $0x2  }
0x25: {  	s16 =	simm.s32 $0x12F80;
	s17 =	simm.s32 $0x3;
	[dreg:$0x1f] =	wrdreg s24  }
0x26: {  	s18 =	simm.s32 $0x16780;
	s19 =	simm.s32 $0x4;
	[smem:$0x7FB] =	sst s25  }
0x27: {  	s20 =	simm.s32 $0x8;
	s21 =	simm.s32 $0x5;
	[smem:$0x7FC] =	sst s26  }
0x28: {  	s22 =	simm.s32 $0x9;
	s23 =	simm.s32 $0x6;
	[smem:$0x7FD] =	sst s0  }
0x29: {  	s24 =	simm.s32 $0xA;
	s25 =	simm.s32 $0x7;
	s26 =	simm.s32 $0xB  }
.LBB2_1:
0x2a: {  	s0 =	rddreg [dreg:$0x5];
	s2 =	simm.s32 $0xF  }
0x2b: {  	[tilespmem:s4], [sflag:$0xF] =	stream.linear.gather [hbm4b:s0+s4], $0x620, $0x38;
	[tilespmem:$0x19F80] =	vst v63  }
0x2c: {  	_ =	swait.ge [sflag:s2], $0x620  }
0x2d: {  	[sflag:s2] =	ssyncset.done $0x0  }
0x2e: {  	[sflag:s2] =	ssyncadd.s32 $0xFFFFF9E0  }
0x2f: {  	s3 =	simm.s32 $0x1680;
	s14 =	rddreg [dreg:$0x2]  }
0x30: {  	[tilespmem:s3], [sflag:$0xF] =	stream.linear.gather [hbm4b:s14+s4], $0x100, $0x38;
	[tilespmem:$0x19F80] =	vst v63  }
0x31: {  	_ =	swait.ge [sflag:s2], $0x100  }
0x32: {  	[sflag:s2] =	ssyncset.done $0x0  }
0x33: {  	[sflag:s2] =	ssyncadd.s32 $0xFFFFFF00  }
0x34: {  	v0 =	vld [tilespmem:$0x1680]  }
0x35: {  	v1 =	vld [tilespmem:$0x0]  }
0x36: {  	v2 =	vld [tilespmem:$0x10]  }
0x37: {  	v3 =	vld [tilespmem:$0x20]  }
0x38: {  	v4 =	vld [tilespmem:$0x30]  }
0x39: {  	v5 =	vld [tilespmem:$0x40]  }
0x3a: {  	v6 =	vld [tilespmem:$0x50];
	v1 =	vadd.s32 v0, v1  }
0x3b: {  	[tilespmem:$0x680] =	vst v1;
	v1 =	vadd.s32 v0, v2;
	v2 =	vld [tilespmem:$0x60]  }
0x3c: {  	[tilespmem:$0x690] =	vst v1;
	v1 =	vadd.s32 v0, v3  }
0x3d: {  	[tilespmem:$0x6A0] =	vst v1;
	v1 =	vadd.s32 v0, v4  }
0x3e: {  	[tilespmem:$0x6B0] =	vst v1;
	v1 =	vadd.s32 v0, v5  }
0x3f: {  	[tilespmem:$0x6C0] =	vst v1;
	v1 =	vadd.s32 v0, v6  }
0x40: {  	[tilespmem:$0x6D0] =	vst v1;
	v0 =	vadd.s32 v0, v2  }
0x41: {  	s2 =	simm.s32 $0x680;
	[tilespmem:$0x6E0] =	vst v0  }
0x42: {  	[tilespmem:s5], [sflag:$0x1] =	stream.indirect.gather [hbm4b:s1+s8], $0x80, s2, s8, $0xb8;
	[tilespmem:$0x19F80] =	vst v63  }
0x43: {  	v0 =	vld [tilespmem:$0x1680]  }
0x44: {  	v1 =	vld [tilespmem:$0x70]  }
0x45: {  	v2 =	vld [tilespmem:$0x80]  }
0x46: {  	v3 =	vld [tilespmem:$0x90]  }
0x47: {  	v55 =	vld [tilespmem:$0xA0]  }
0x48: {  	v56 =	vld [tilespmem:$0xB0]  }
0x49: {  	v57 =	vld [tilespmem:$0xC0];
	v1 =	vadd.s32 v0, v1  }
0x4a: {  	[tilespmem:$0x700] =	vst v1;
	v1 =	vadd.s32 v0, v2;
	v2 =	vld [tilespmem:$0xD0]  }
0x4b: {  	[tilespmem:$0x710] =	vst v1;
	v1 =	vadd.s32 v0, v3  }
0x4c: {  	[tilespmem:$0x720] =	vst v1;
	v1 =	vadd.s32 v0, v55  }
0x4d: {  	[tilespmem:$0x730] =	vst v1;
	v1 =	vadd.s32 v0, v56  }
0x4e: {  	[tilespmem:$0x740] =	vst v1;
	v1 =	vadd.s32 v0, v57  }
0x4f: {  	[tilespmem:$0x750] =	vst v1;
	v0 =	vadd.s32 v0, v2  }
0x50: {  	s3 =	simm.s32 $0x700;
	[tilespmem:$0x760] =	vst v0  }
0x51: {  	[tilespmem:s6], [sflag:$0x2] =	stream.indirect.gather [hbm4b:s1+s8], $0x80, s3, s8, $0xb8;
	[tilespmem:$0x19F80] =	vst v63  }
0x52: {  	v0 =	vld [tilespmem:$0x1680]  }
0x53: {  	v1 =	vld [tilespmem:$0xE0]  }
0x54: {  	v2 =	vld [tilespmem:$0xF0]  }
0x55: {  	v3 =	vld [tilespmem:$0x100]  }
0x56: {  	v58 =	vld [tilespmem:$0x110]  }
0x57: {  	v59 =	vld [tilespmem:$0x120]  }
0x58: {  	v60 =	vld [tilespmem:$0x130];
	v1 =	vadd.s32 v0, v1  }
0x59: {  	[tilespmem:$0x780] =	vst v1;
	v1 =	vadd.s32 v0, v2;
	v2 =	vld [tilespmem:$0x140]  }
0x5a: {  	[tilespmem:$0x790] =	vst v1;
	v1 =	vadd.s32 v0, v3  }
0x5b: {  	[tilespmem:$0x7A0] =	vst v1;
	v1 =	vadd.s32 v0, v58  }
0x5c: {  	[tilespmem:$0x7B0] =	vst v1;
	v1 =	vadd.s32 v0, v59  }
0x5d: {  	[tilespmem:$0x7C0] =	vst v1;
	v1 =	vadd.s32 v0, v60  }
0x5e: {  	[tilespmem:$0x7D0] =	vst v1;
	v0 =	vadd.s32 v0, v2  }
0x5f: {  	s5 =	simm.s32 $0x780;
	[tilespmem:$0x7E0] =	vst v0  }
0x60: {  	[tilespmem:s7], [sflag:$0x3] =	stream.indirect.gather [hbm4b:s1+s8], $0x80, s5, s8, $0xb8;
	[tilespmem:$0x19F80] =	vst v63  }
0x61: {  	v0 =	vld [tilespmem:$0x1680]  }
0x62: {  	v1 =	vld [tilespmem:$0x150]  }
0x63: {  	v2 =	vld [tilespmem:$0x160]  }
0x64: {  	v3 =	vld [tilespmem:$0x170]  }
0x65: {  	v61 =	vld [tilespmem:$0x180]  }
0x66: {  	v62 =	vld [tilespmem:$0x190]  }
0x67: {  	v63 =	vld [tilespmem:$0x1A0];
	v1 =	vadd.s32 v0, v1  }
0x68: {  	[tilespmem:$0x800] =	vst v1;
	v1 =	vadd.s32 v0, v2;
	v2 =	vld [tilespmem:$0x1B0]  }
0x69: {  	[tilespmem:$0x810] =	vst v1;
	v1 =	vadd.s32 v0, v3  }
0x6a: {  	s6 =	simm.s32 $0x1C;
	[tilespmem:$0x820] =	vst v1;
	v1 =	vadd.s32 v0, v61  }
0x6b: {  	s0 =	sand.u32 $0xFF, s6;
	[tilespmem:$0x830] =	vst v1;
	v1 =	vadd.s32 v0, v62  }
0x6c: {  	s0 =	smul.u32 $0x25, s0;
	[tilespmem:$0x840] =	vst v1;
	v1 =	vadd.s32 v0, v63  }
0x6d: {  	[tilespmem:$0x850] =	vst v1;
	v0 =	vadd.s32 v0, v2  }
0x6e: {  	s0 =	sshrl.u32 s0, $0x8;
	s7 =	simm.s32 $0x800;
	[tilespmem:$0x860] =	vst v0  }
0x6f: {  	[tilespmem:s9], [sflag:$0x4] =	stream.indirect.gather [hbm4b:s1+s8], $0x80, s7, s8, $0xb8;
	[tilespmem:$0x19F80] =	vst v63  }
0x70: {  	s2 =	simm.s32 $0x1D;
	s9 =	ssub.s32 $0x1C, s0  }
0x71: {  	s10 =	sand.u32 $0xFF, s2;
	s3 =	sand.u32 $0xFE, s9  }
0x72: {  	s5 =	smul.u32 $0x25, s10;
	s3 =	sshrl.u32 s3, $0x1  }
0x73: {  	s0 =	sadd.s32 s0, s3  }
0x74: {  	s5 =	sshrl.u32 s5, $0x8;
	s10 =	sshrl.u32 s0, $0x2  }
0x75: {  	s12 =	ssub.s32 $0x1D, s5;
	v0 =	vld [tilespmem:$0x1680];
	s3 =	simm.s32 $0x1C0;
	s11 =	smul.u32 $0x7, s10  }
0x76: {  	s7 =	sand.u32 $0xFE, s12;
	v1 =	vld [tilespmem:s3+$0x0]  }
0x77: {  	s9 =	sshrl.u32 s7, $0x1;
	s0 =	simm.s32 $0x1E;
	s11 =	ssub.s32 $0x1C, s11  }
0x78: {  	s7 =	simm.s32 $0x3;
	s14 =	sand.u32 $0xFF, s0;
	s11 =	sand.u32 $0xFF, s11  }
0x79: {  	s10 =	sshll.u32 s10, $0x7;
	s6 =	smul.u32 $0x25, s14;
	s11 =	sshll.u32 s11, $0x4  }
.LBB2_2:
0x7a: {  	p0 =	sne.s32 s7, $0x45;
	s5 =	sadd.s32 s5, s9  }
0x7b: {  	v1 =	vadd.s32 v0, v1;
	s9 =	sor.u32 s11, s10;
	s3 =	sadd.s32 $0x10, s3;
	s10 =	sshrl.u32 s5, $0x2  }
0x7c: {  	[tilespmem:s9+$0x680] =	vst v1;
	s9 =	smov.u32 s2;
	s5 =	sshrl.u32 s6, $0x8;
	s6 =	smul.u32 $0x7, s10  }
.Ltmp0:
0x7d: {  	v1 =	vld [tilespmem:s3+$0x0];
	(pc) =	sbr.rel @p0 .LBB2_2-.Ltmp0, $4  }
0x7e: {  	s2 =	smov.u32 s0;
	s11 =	ssub.s32 s0, s5;
	s0 =	sadd.s32 $0x1C, s7  }
0x7f: {  	s12 =	sand.u32 $0xFF, s0;
	s11 =	sand.u32 $0xFE, s11;
	s14 =	ssub.s32 s9, s6  }
0x80: {  	s6 =	smul.u32 $0x25, s12;
	s9 =	sshrl.u32 s11, $0x1;
	s11 =	sand.u32 $0xFF, s14  }
0x81: {  	s7 =	sadd.s32 $0x1, s7;
	s10 =	sshll.u32 s10, $0x7;
	s11 =	sshll.u32 s11, $0x4  }
0x82: {  	s5 =	sadd.s32 s5, s9;
	v1 =	vadd.s32 v0, v1;
	s7 =	sor.u32 s11, s10  }
0x83: {  	s3 =	sadd.s32 $0x10, s3;
	s5 =	sshrl.u32 s5, $0x2;
	[tilespmem:s7+$0x680] =	vst v1  }
0x84: {  	s9 =	smul.u32 $0x7, s5;
	v1 =	vld [tilespmem:s3+$0x0]  }
0x85: {  	s6 =	sshrl.u32 s6, $0x8  }
0x86: {  	s10 =	ssub.s32 s0, s6;
	s2 =	ssub.s32 s2, s9  }
0x87: {  	s11 =	sand.u32 $0xFE, s10;
	s2 =	sand.u32 $0xFF, s2  }
0x88: {  	s5 =	sshll.u32 s5, $0x7;
	s7 =	sshrl.u32 s11, $0x1;
	s2 =	sshll.u32 s2, $0x4  }
0x89: {  	s6 =	sadd.s32 s6, s7;
	v1 =	vadd.s32 v0, v1;
	s5 =	sor.u32 s2, s5;
	s2 =	simm.s32 $0x0  }
0x8a: {  	s3 =	sadd.s32 $0x10, s3;
	s6 =	sshrl.u32 s6, $0x2;
	[tilespmem:s5+$0x680] =	vst v1;
	s12 =	smul.u32 $0x25, s2  }
0x8b: {  	s14 =	smul.u32 $0x7, s6;
	v1 =	vld [tilespmem:s3+$0x0]  }
0x8c: {  	s5 =	sshrl.u32 s12, $0x8  }
0x8d: {  	s9 =	ssub.s32 s0, s14;
	s10 =	ssub.s32 $0x0, s5  }
0x8e: {  	s0 =	sand.u32 $0xFF, s9;
	s3 =	sand.u32 $0xFE, s10  }
0x8f: {  	s6 =	sshll.u32 s6, $0x7;
	s0 =	sshll.u32 s0, $0x4;
	s11 =	sshrl.u32 s3, $0x1  }
0x90: {  	s0 =	sor.u32 s0, s6;
	s3 =	simm.s32 $0x1;
	v0 =	vadd.s32 v0, v1;
	s5 =	sadd.s32 s5, s11  }
0x91: {  	s12 =	smul.u32 $0x25, s3;
	[tilespmem:s0+$0x680] =	vst v0;
	s5 =	sand.u32 $0xFC, s5  }
0x92: {  	v0 =	vld [tilespmem:$0x1700];
	s5 =	sshrl.u32 s5, $0x2  }
0x93: {  	s14 =	sshrl.u32 s12, $0x8;
	v1 =	vld [tilespmem:s2+$0x0];
	s10 =	smul.u32 $0x7, s5  }
0x94: {  	s11 =	ssub.s32 $0x1, s14  }
0x95: {  	s0 =	simm.s32 $0x2;
	s9 =	sand.u32 $0xFE, s11;
	s12 =	ssub.s32 $0x0, s10  }
0x96: {  	s6 =	smul.u32 $0x25, s0;
	s9 =	sshrl.u32 s9, $0x1;
	s10 =	sand.u32 $0xFF, s12  }
0x97: {  	s7 =	sadd.s32 s14, s9;
	s14 =	sshll.u32 s5, $0x7;
	s10 =	sshll.u32 s10, $0x4  }
0x98: {  	s5 =	simm.s32 $0x3;
	s7 =	sand.u32 $0xFC, s7;
	v1 =	vadd.s32 v0, v1;
	s9 =	sor.u32 s10, s14  }
.LBB2_4:
0x99: {  	p0 =	sne.s32 s5, $0x61;
	s7 =	sshrl.u32 s7, $0x2;
	[tilespmem:s9+$0xD80] =	vst v1;
	s2 =	sadd.s32 $0x10, s2  }
0x9a: {  	s9 =	sshrl.u32 s6, $0x8;
	s10 =	smov.u32 s0;
	s6 =	smul.u32 $0x7, s7;
	v1 =	vld [tilespmem:s2+$0x0]  }
.Ltmp1:
0x9b: {  	s0 =	smov.u32 s5;
	s11 =	ssub.s32 s10, s9;
	(pc) =	sbr.rel @p0 .LBB2_4-.Ltmp1, $4  }
0x9c: {  	s11 =	sand.u32 $0xFE, s11;
	s12 =	ssub.s32 s3, s6;
	s3 =	smov.u32 s10  }
0x9d: {  	s6 =	smul.u32 $0x25, s5;
	s10 =	sshrl.u32 s11, $0x1;
	s11 =	sand.u32 $0xFF, s12  }
0x9e: {  	s9 =	sadd.s32 s9, s10;
	s10 =	sshll.u32 s7, $0x7;
	s11 =	sshll.u32 s11, $0x4  }
0x9f: {  	s5 =	sadd.s32 $0x1, s5;
	s7 =	sand.u32 $0xFC, s9;
	v1 =	vadd.s32 v0, v1;
	s9 =	sor.u32 s11, s10  }
0xa0: {  	s5 =	sshrl.u32 s7, $0x2;
	[tilespmem:s9+$0xD80] =	vst v1;
	s2 =	sadd.s32 $0x10, s2  }
0xa1: {  	s6 =	sshrl.u32 s6, $0x8;
	s7 =	smul.u32 $0x7, s5;
	v1 =	vld [tilespmem:s2+$0x0]  }
0xa2: {  	s12 =	ssub.s32 s0, s6  }
0xa3: {  	s14 =	sand.u32 $0xFE, s12;
	s3 =	ssub.s32 s3, s7  }
0xa4: {  	s7 =	sshrl.u32 s14, $0x1;
	s3 =	sand.u32 $0xFF, s3  }
0xa5: {  	s5 =	sshll.u32 s5, $0x7;
	s6 =	sadd.s32 s6, s7;
	s3 =	sshll.u32 s3, $0x4  }
0xa6: {  	s9 =	sand.u32 $0xFC, s6;
	s3 =	sor.u32 s3, s5;
	v1 =	vadd.s32 v0, v1  }
0xa7: {  	s2 =	sadd.s32 $0x10, s2;
	s10 =	sshrl.u32 s9, $0x2;
	[tilespmem:s3+$0xD80] =	vst v1  }
0xa8: {  	s11 =	smul.u32 $0x7, s10;
	v1 =	vld [tilespmem:s2+$0x0];
	_ =	sdelay $0x1  }
0xa9: {  	s12 =	ssub.s32 s0, s11  }
0xaa: {  	s0 =	sand.u32 $0xFF, s12  }
0xab: {  	s14 =	sshll.u32 s10, $0x7;
	s0 =	sshll.u32 s0, $0x4  }
0xac: {  	s0 =	sor.u32 s0, s14;
	v63 =	vadd.s32 v0, v1  }
0xad: {  	[tilespmem:s0+$0xD80] =	vst v63  }
0xae: {  	_ =	swait.ge [sflag:s13], $0x3800  }
0xaf: {  	[sflag:s13] =	ssyncset.done $0x0  }
0xb0: {  	s5 =	simm.s32 $0x1780;
	s3 =	rddreg [dreg:$0x6];
	[sflag:s13] =	ssyncadd.s32 $0xFFFFC800  }
0xb1: {  	[hbm4b:s3+s4] =	stream.linear.scatter [tilespmem:s5], [sflag:$0x8], $0x3800, $0x38;
	[tilespmem:$0x19F80] =	vst v63  }
0xb2: {  	s6 =	simm.s32 $0x880;
	s2 =	simm.s32 $0xF780  }
0xb3: {  	[tilespmem:s2], [sflag:$0x5] =	stream.indirect.gather [hbm4b:s1+s8], $0x80, s6, s8, $0xb8;
	[tilespmem:$0x19F80] =	vst v63  }
0xb4: {  	_ =	swait.ge [sflag:s15], $0x3800  }
0xb5: {  	[sflag:s15] =	ssyncset.done $0x0  }
0xb6: {  	s6 =	simm.s32 $0x4F80;
	s7 =	rddreg [dreg:$0x7];
	[sflag:s15] =	ssyncadd.s32 $0xFFFFC800  }
0xb7: {  	[hbm4b:s7+s4] =	stream.linear.scatter [tilespmem:s6], [sflag:$0x9], $0x3800, $0x38;
	[tilespmem:$0x19F80] =	vst v63  }
0xb8: {  	s9 =	simm.s32 $0x900  }
0xb9: {  	[tilespmem:s16], [sflag:$0x6] =	stream.indirect.gather [hbm4b:s1+s8], $0x80, s9, s8, $0xb8;
	[tilespmem:$0x19F80] =	vst v63  }
0xba: {  	_ =	swait.ge [sflag:s17], $0x3800  }
0xbb: {  	[sflag:s17] =	ssyncset.done $0x0  }
0xbc: {  	s7 =	simm.s32 $0x8780;
	s10 =	rddreg [dreg:$0x8];
	[sflag:s17] =	ssyncadd.s32 $0xFFFFC800  }
0xbd: {  	[hbm4b:s10+s4] =	stream.linear.scatter [tilespmem:s7], [sflag:$0xA], $0x3800, $0x38;
	[tilespmem:$0x19F80] =	vst v63  }
0xbe: {  	s11 =	simm.s32 $0x980  }
0xbf: {  	[tilespmem:s18], [sflag:$0x7] =	stream.indirect.gather [hbm4b:s1+s8], $0x80, s11, s8, $0xb8;
	[tilespmem:$0x19F80] =	vst v63  }
0xc0: {  	_ =	swait.ge [sflag:s19], $0x3800  }
0xc1: {  	[sflag:s19] =	ssyncset.done $0x0  }
0xc2: {  	s9 =	simm.s32 $0xBF80;
	s12 =	rddreg [dreg:$0x9];
	[sflag:s19] =	ssyncadd.s32 $0xFFFFC800  }
0xc3: {  	[hbm4b:s12+s4] =	stream.linear.scatter [tilespmem:s9], [sflag:$0xB], $0x3800, $0x38;
	[tilespmem:$0x19F80] =	vst v63  }
0xc4: {  	_ =	swait.ge [sflag:s20], $0x3800  }
0xc5: {  	[sflag:s20] =	ssyncset.done $0x0  }
0xc6: {  	s14 =	simm.s32 $0xA00;
	[sflag:s20] =	ssyncadd.s32 $0xFFFFC800  }
0xc7: {  	[tilespmem:s5], [sflag:$0x1] =	stream.indirect.gather [hbm4b:s1+s8], $0x80, s14, s8, $0xb8;
	[tilespmem:$0x19F80] =	vst v63  }
0xc8: {  	_ =	swait.ge [sflag:s21], $0x3800  }
0xc9: {  	[sflag:s21] =	ssyncset.done $0x0  }
0xca: {  	s3 =	rddreg [dreg:$0xa];
	[sflag:s21] =	ssyncadd.s32 $0xFFFFC800  }
0xcb: {  	[hbm4b:s3+s4] =	stream.linear.scatter [tilespmem:s2], [sflag:$0xC], $0x3800, $0x38;
	[tilespmem:$0x19F80] =	vst v63  }
0xcc: {  	_ =	swait.ge [sflag:s22], $0x3800  }
0xcd: {  	[sflag:s22] =	ssyncset.done $0x0  }
0xce: {  	s10 =	simm.s32 $0xA80;
	[sflag:s22] =	ssyncadd.s32 $0xFFFFC800  }
0xcf: {  	[tilespmem:s6], [sflag:$0x2] =	stream.indirect.gather [hbm4b:s1+s8], $0x80, s10, s8, $0xb8;
	[tilespmem:$0x19F80] =	vst v63  }
0xd0: {  	_ =	swait.ge [sflag:s23], $0x3800  }
0xd1: {  	[sflag:s23] =	ssyncset.done $0x0  }
0xd2: {  	s11 =	rddreg [dreg:$0xb];
	[sflag:s23] =	ssyncadd.s32 $0xFFFFC800  }
0xd3: {  	[hbm4b:s11+s4] =	stream.linear.scatter [tilespmem:s16], [sflag:$0xD], $0x3800, $0x38;
	[tilespmem:$0x19F80] =	vst v63  }
0xd4: {  	_ =	swait.ge [sflag:s24], $0x3800  }
0xd5: {  	[sflag:s24] =	ssyncset.done $0x0  }
0xd6: {  	s12 =	simm.s32 $0xB00;
	[sflag:s24] =	ssyncadd.s32 $0xFFFFC800  }
0xd7: {  	[tilespmem:s7], [sflag:$0x3] =	stream.indirect.gather [hbm4b:s1+s8], $0x80, s12, s8, $0xb8;
	[tilespmem:$0x19F80] =	vst v63  }
0xd8: {  	_ =	swait.ge [sflag:s25], $0x3800  }
0xd9: {  	[sflag:s25] =	ssyncset.done $0x0  }
0xda: {  	s14 =	rddreg [dreg:$0xc];
	[sflag:s25] =	ssyncadd.s32 $0xFFFFC800  }
0xdb: {  	[hbm4b:s14+s4] =	stream.linear.scatter [tilespmem:s18], [sflag:$0xE], $0x3800, $0x38;
	[tilespmem:$0x19F80] =	vst v63  }
0xdc: {  	_ =	swait.ge [sflag:s26], $0x3800  }
0xdd: {  	[sflag:s26] =	ssyncset.done $0x0  }
0xde: {  	s3 =	simm.s32 $0xB80;
	[sflag:s26] =	ssyncadd.s32 $0xFFFFC800  }
0xdf: {  	[tilespmem:s9], [sflag:$0x4] =	stream.indirect.gather [hbm4b:s1+s8], $0x80, s3, s8, $0xb8;
	[tilespmem:$0x19F80] =	vst v63  }
0xe0: {  	_ =	swait.ge [sflag:s13], $0x3800  }
0xe1: {  	[sflag:s13] =	ssyncset.done $0x0  }
0xe2: {  	s10 =	rddreg [dreg:$0xd];
	[sflag:s13] =	ssyncadd.s32 $0xFFFFC800  }
0xe3: {  	[hbm4b:s10+s4] =	stream.linear.scatter [tilespmem:s5], [sflag:$0x8], $0x3800, $0x38;
	[tilespmem:$0x19F80] =	vst v63  }
0xe4: {  	_ =	swait.ge [sflag:s28], $0x3800  }
0xe5: {  	[sflag:s28] =	ssyncset.done $0x0  }
0xe6: {  	s11 =	simm.s32 $0xC00;
	[sflag:s28] =	ssyncadd.s32 $0xFFFFC800  }
0xe7: {  	[tilespmem:s2], [sflag:$0x5] =	stream.indirect.gather [hbm4b:s1+s8], $0x80, s11, s8, $0xb8;
	[tilespmem:$0x19F80] =	vst v63  }
0xe8: {  	_ =	swait.ge [sflag:s15], $0x3800  }
0xe9: {  	[sflag:s15] =	ssyncset.done $0x0  }
0xea: {  	s12 =	rddreg [dreg:$0xe];
	[sflag:s15] =	ssyncadd.s32 $0xFFFFC800  }
0xeb: {  	[hbm4b:s12+s4] =	stream.linear.scatter [tilespmem:s6], [sflag:$0x9], $0x3800, $0x38;
	[tilespmem:$0x19F80] =	vst v63  }
0xec: {  	_ =	swait.ge [sflag:s29], $0x3800  }
0xed: {  	[sflag:s29] =	ssyncset.done $0x0  }
0xee: {  	s14 =	simm.s32 $0xC80;
	[sflag:s29] =	ssyncadd.s32 $0xFFFFC800  }
0xef: {  	[tilespmem:s16], [sflag:$0x6] =	stream.indirect.gather [hbm4b:s1+s8], $0x80, s14, s8, $0xb8;
	[tilespmem:$0x19F80] =	vst v63  }
0xf0: {  	_ =	swait.ge [sflag:s17], $0x3800  }
0xf1: {  	[sflag:s17] =	ssyncset.done $0x0  }
0xf2: {  	s3 =	rddreg [dreg:$0xf];
	[sflag:s17] =	ssyncadd.s32 $0xFFFFC800  }
0xf3: {  	[hbm4b:s3+s4] =	stream.linear.scatter [tilespmem:s7], [sflag:$0xA], $0x3800, $0x38;
	[tilespmem:$0x19F80] =	vst v63  }
0xf4: {  	_ =	swait.ge [sflag:s30], $0x3800  }
0xf5: {  	[sflag:s30] =	ssyncset.done $0x0  }
0xf6: {  	s10 =	simm.s32 $0xD00;
	[sflag:s30] =	ssyncadd.s32 $0xFFFFC800  }
0xf7: {  	[tilespmem:s18], [sflag:$0x7] =	stream.indirect.gather [hbm4b:s1+s8], $0x80, s10, s8, $0xb8;
	[tilespmem:$0x19F80] =	vst v63  }
0xf8: {  	_ =	swait.ge [sflag:s19], $0x3800  }
0xf9: {  	[sflag:s19] =	ssyncset.done $0x0  }
0xfa: {  	s11 =	rddreg [dreg:$0x10];
	[sflag:s19] =	ssyncadd.s32 $0xFFFFC800  }
0xfb: {  	[hbm4b:s11+s4] =	stream.linear.scatter [tilespmem:s9], [sflag:$0xB], $0x3800, $0x38;
	[tilespmem:$0x19F80] =	vst v63  }
0xfc: {  	_ =	swait.ge [sflag:s20], $0x3800  }
0xfd: {  	[sflag:s20] =	ssyncset.done $0x0  }
0xfe: {  	s12 =	simm.s32 $0xD80;
	[sflag:s20] =	ssyncadd.s32 $0xFFFFC800  }
0xff: {  	[tilespmem:s5], [sflag:$0x1] =	stream.indirect.gather [hbm4b:s1+s8], $0x80, s12, s8, $0xb8;
	[tilespmem:$0x19F80] =	vst v63  }
0x100: {  	_ =	swait.ge [sflag:s21], $0x3800  }
0x101: {  	[sflag:s21] =	ssyncset.done $0x0  }
0x102: {  	s14 =	rddreg [dreg:$0x11];
	[sflag:s21] =	ssyncadd.s32 $0xFFFFC800  }
0x103: {  	[hbm4b:s14+s4] =	stream.linear.scatter [tilespmem:s2], [sflag:$0xC], $0x3800, $0x38;
	[tilespmem:$0x19F80] =	vst v63  }
0x104: {  	_ =	swait.ge [sflag:s22], $0x3800  }
0x105: {  	[sflag:s22] =	ssyncset.done $0x0  }
0x106: {  	s3 =	simm.s32 $0xE00;
	[sflag:s22] =	ssyncadd.s32 $0xFFFFC800  }
0x107: {  	[tilespmem:s6], [sflag:$0x2] =	stream.indirect.gather [hbm4b:s1+s8], $0x80, s3, s8, $0xb8;
	[tilespmem:$0x19F80] =	vst v63  }
0x108: {  	_ =	swait.ge [sflag:s23], $0x3800  }
0x109: {  	[sflag:s23] =	ssyncset.done $0x0  }
0x10a: {  	s10 =	rddreg [dreg:$0x12];
	[sflag:s23] =	ssyncadd.s32 $0xFFFFC800  }
0x10b: {  	[hbm4b:s10+s4] =	stream.linear.scatter [tilespmem:s16], [sflag:$0xD], $0x3800, $0x38;
	[tilespmem:$0x19F80] =	vst v63  }
0x10c: {  	_ =	swait.ge [sflag:s24], $0x3800  }
0x10d: {  	[sflag:s24] =	ssyncset.done $0x0  }
0x10e: {  	s11 =	simm.s32 $0xE80;
	[sflag:s24] =	ssyncadd.s32 $0xFFFFC800  }
0x10f: {  	[tilespmem:s7], [sflag:$0x3] =	stream.indirect.gather [hbm4b:s1+s8], $0x80, s11, s8, $0xb8;
	[tilespmem:$0x19F80] =	vst v63  }
0x110: {  	_ =	swait.ge [sflag:s25], $0x3800  }
0x111: {  	[sflag:s25] =	ssyncset.done $0x0  }
0x112: {  	s12 =	rddreg [dreg:$0x13];
	[sflag:s25] =	ssyncadd.s32 $0xFFFFC800  }
0x113: {  	[hbm4b:s12+s4] =	stream.linear.scatter [tilespmem:s18], [sflag:$0xE], $0x3800, $0x38;
	[tilespmem:$0x19F80] =	vst v63  }
0x114: {  	_ =	swait.ge [sflag:s26], $0x3800  }
0x115: {  	[sflag:s26] =	ssyncset.done $0x0  }
0x116: {  	s14 =	simm.s32 $0xF00;
	[sflag:s26] =	ssyncadd.s32 $0xFFFFC800  }
0x117: {  	[tilespmem:s9], [sflag:$0x4] =	stream.indirect.gather [hbm4b:s1+s8], $0x80, s14, s8, $0xb8;
	[tilespmem:$0x19F80] =	vst v63  }
0x118: {  	_ =	swait.ge [sflag:s13], $0x3800  }
0x119: {  	[sflag:s13] =	ssyncset.done $0x0  }
0x11a: {  	s3 =	rddreg [dreg:$0x14];
	[sflag:s13] =	ssyncadd.s32 $0xFFFFC800  }
0x11b: {  	[hbm4b:s3+s4] =	stream.linear.scatter [tilespmem:s5], [sflag:$0x8], $0x3800, $0x38;
	[tilespmem:$0x19F80] =	vst v63  }
0x11c: {  	_ =	swait.ge [sflag:s28], $0x3800  }
0x11d: {  	[sflag:s28] =	ssyncset.done $0x0  }
0x11e: {  	s10 =	simm.s32 $0xF80;
	[sflag:s28] =	ssyncadd.s32 $0xFFFFC800  }
0x11f: {  	[tilespmem:s2], [sflag:$0x5] =	stream.indirect.gather [hbm4b:s1+s8], $0x80, s10, s8, $0xb8;
	[tilespmem:$0x19F80] =	vst v63  }
0x120: {  	_ =	swait.ge [sflag:s15], $0x3800  }
0x121: {  	[sflag:s15] =	ssyncset.done $0x0  }
0x122: {  	s11 =	rddreg [dreg:$0x15];
	[sflag:s15] =	ssyncadd.s32 $0xFFFFC800  }
0x123: {  	[hbm4b:s11+s4] =	stream.linear.scatter [tilespmem:s6], [sflag:$0x9], $0x3800, $0x38;
	[tilespmem:$0x19F80] =	vst v63  }
0x124: {  	_ =	swait.ge [sflag:s29], $0x3800  }
0x125: {  	[sflag:s29] =	ssyncset.done $0x0  }
0x126: {  	s12 =	simm.s32 $0x1000;
	[sflag:s29] =	ssyncadd.s32 $0xFFFFC800  }
0x127: {  	[tilespmem:s16], [sflag:$0x6] =	stream.indirect.gather [hbm4b:s1+s8], $0x80, s12, s8, $0xb8;
	[tilespmem:$0x19F80] =	vst v63  }
0x128: {  	_ =	swait.ge [sflag:s17], $0x3800  }
0x129: {  	[sflag:s17] =	ssyncset.done $0x0  }
0x12a: {  	s14 =	rddreg [dreg:$0x16];
	[sflag:s17] =	ssyncadd.s32 $0xFFFFC800  }
0x12b: {  	[hbm4b:s14+s4] =	stream.linear.scatter [tilespmem:s7], [sflag:$0xA], $0x3800, $0x38;
	[tilespmem:$0x19F80] =	vst v63  }
0x12c: {  	_ =	swait.ge [sflag:s30], $0x3800  }
0x12d: {  	[sflag:s30] =	ssyncset.done $0x0  }
0x12e: {  	s3 =	simm.s32 $0x1080;
	[sflag:s30] =	ssyncadd.s32 $0xFFFFC800  }
0x12f: {  	[tilespmem:s18], [sflag:$0x7] =	stream.indirect.gather [hbm4b:s1+s8], $0x80, s3, s8, $0xb8;
	[tilespmem:$0x19F80] =	vst v63  }
0x130: {  	_ =	swait.ge [sflag:s19], $0x3800  }
0x131: {  	[sflag:s19] =	ssyncset.done $0x0  }
0x132: {  	s10 =	rddreg [dreg:$0x17];
	[sflag:s19] =	ssyncadd.s32 $0xFFFFC800  }
0x133: {  	[hbm4b:s10+s4] =	stream.linear.scatter [tilespmem:s9], [sflag:$0xB], $0x3800, $0x38;
	[tilespmem:$0x19F80] =	vst v63  }
0x134: {  	_ =	swait.ge [sflag:s20], $0x3800  }
0x135: {  	[sflag:s20] =	ssyncset.done $0x0  }
0x136: {  	s11 =	simm.s32 $0x1100;
	[sflag:s20] =	ssyncadd.s32 $0xFFFFC800  }
0x137: {  	[tilespmem:s5], [sflag:$0x1] =	stream.indirect.gather [hbm4b:s1+s8], $0x80, s11, s8, $0xb8;
	[tilespmem:$0x19F80] =	vst v63  }
0x138: {  	_ =	swait.ge [sflag:s21], $0x3800  }
0x139: {  	[sflag:s21] =	ssyncset.done $0x0  }
0x13a: {  	s12 =	rddreg [dreg:$0x18];
	[sflag:s21] =	ssyncadd.s32 $0xFFFFC800  }
0x13b: {  	[hbm4b:s12+s4] =	stream.linear.scatter [tilespmem:s2], [sflag:$0xC], $0x3800, $0x38;
	[tilespmem:$0x19F80] =	vst v63  }
0x13c: {  	_ =	swait.ge [sflag:s22], $0x3800  }
0x13d: {  	[sflag:s22] =	ssyncset.done $0x0  }
0x13e: {  	s14 =	simm.s32 $0x1180;
	[sflag:s22] =	ssyncadd.s32 $0xFFFFC800  }
0x13f: {  	[tilespmem:s6], [sflag:$0x2] =	stream.indirect.gather [hbm4b:s1+s8], $0x80, s14, s8, $0xb8;
	[tilespmem:$0x19F80] =	vst v63  }
0x140: {  	_ =	swait.ge [sflag:s23], $0x3800  }
0x141: {  	[sflag:s23] =	ssyncset.done $0x0  }
0x142: {  	s3 =	rddreg [dreg:$0x1a];
	[sflag:s23] =	ssyncadd.s32 $0xFFFFC800  }
0x143: {  	[hbm4b:s3+s4] =	stream.linear.scatter [tilespmem:s16], [sflag:$0xD], $0x3800, $0x38;
	[tilespmem:$0x19F80] =	vst v63  }
0x144: {  	_ =	swait.ge [sflag:s24], $0x3800  }
0x145: {  	[sflag:s24] =	ssyncset.done $0x0  }
0x146: {  	s10 =	simm.s32 $0x1200;
	[sflag:s24] =	ssyncadd.s32 $0xFFFFC800  }
0x147: {  	[tilespmem:s7], [sflag:$0x3] =	stream.indirect.gather [hbm4b:s1+s8], $0x80, s10, s8, $0xb8;
	[tilespmem:$0x19F80] =	vst v63  }
0x148: {  	_ =	swait.ge [sflag:s25], $0x3800  }
0x149: {  	[sflag:s25] =	ssyncset.done $0x0  }
0x14a: {  	s11 =	rddreg [dreg:$0x1b];
	[sflag:s25] =	ssyncadd.s32 $0xFFFFC800  }
0x14b: {  	[hbm4b:s11+s4] =	stream.linear.scatter [tilespmem:s18], [sflag:$0xE], $0x3800, $0x38;
	[tilespmem:$0x19F80] =	vst v63  }
0x14c: {  	_ =	swait.ge [sflag:s26], $0x3800  }
0x14d: {  	[sflag:s26] =	ssyncset.done $0x0  }
0x14e: {  	s12 =	simm.s32 $0x1280;
	[sflag:s26] =	ssyncadd.s32 $0xFFFFC800  }
0x14f: {  	[tilespmem:s9], [sflag:$0x4] =	stream.indirect.gather [hbm4b:s1+s8], $0x80, s12, s8, $0xb8;
	[tilespmem:$0x19F80] =	vst v63  }
0x150: {  	_ =	swait.ge [sflag:s13], $0x3800  }
0x151: {  	[sflag:s13] =	ssyncset.done $0x0  }
0x152: {  	s14 =	rddreg [dreg:$0x1c];
	[sflag:s13] =	ssyncadd.s32 $0xFFFFC800  }
0x153: {  	[hbm4b:s14+s4] =	stream.linear.scatter [tilespmem:s5], [sflag:$0x8], $0x3800, $0x38;
	[tilespmem:$0x19F80] =	vst v63  }
0x154: {  	_ =	swait.ge [sflag:s28], $0x3800  }
0x155: {  	[sflag:s28] =	ssyncset.done $0x0  }
0x156: {  	s3 =	simm.s32 $0x1300;
	[sflag:s28] =	ssyncadd.s32 $0xFFFFC800  }
0x157: {  	[tilespmem:s2], [sflag:$0x5] =	stream.indirect.gather [hbm4b:s1+s8], $0x80, s3, s8, $0xb8;
	[tilespmem:$0x19F80] =	vst v63  }
0x158: {  	_ =	swait.ge [sflag:s15], $0x3800  }
0x159: {  	[sflag:s15] =	ssyncset.done $0x0  }
0x15a: {  	s10 =	rddreg [dreg:$0x1d];
	[sflag:s15] =	ssyncadd.s32 $0xFFFFC800  }
0x15b: {  	[hbm4b:s10+s4] =	stream.linear.scatter [tilespmem:s6], [sflag:$0x9], $0x3800, $0x38;
	[tilespmem:$0x19F80] =	vst v63  }
0x15c: {  	_ =	swait.ge [sflag:s29], $0x3800  }
0x15d: {  	[sflag:s29] =	ssyncset.done $0x0  }
0x15e: {  	s11 =	simm.s32 $0x1380;
	[sflag:s29] =	ssyncadd.s32 $0xFFFFC800  }
0x15f: {  	[tilespmem:s16], [sflag:$0x6] =	stream.indirect.gather [hbm4b:s1+s8], $0x80, s11, s8, $0xb8;
	[tilespmem:$0x19F80] =	vst v63  }
0x160: {  	_ =	swait.ge [sflag:s17], $0x3800  }
0x161: {  	[sflag:s17] =	ssyncset.done $0x0  }
0x162: {  	s12 =	rddreg [dreg:$0x1e];
	[sflag:s17] =	ssyncadd.s32 $0xFFFFC800  }
0x163: {  	[hbm4b:s12+s4] =	stream.linear.scatter [tilespmem:s7], [sflag:$0xA], $0x3800, $0x38;
	[tilespmem:$0x19F80] =	vst v63  }
0x164: {  	_ =	swait.ge [sflag:s30], $0x3800  }
0x165: {  	[sflag:s30] =	ssyncset.done $0x0  }
0x166: {  	s14 =	simm.s32 $0x1400;
	[sflag:s30] =	ssyncadd.s32 $0xFFFFC800  }
0x167: {  	[tilespmem:s18], [sflag:$0x7] =	stream.indirect.gather [hbm4b:s1+s8], $0x80, s14, s8, $0xb8;
	[tilespmem:$0x19F80] =	vst v63  }
0x168: {  	_ =	swait.ge [sflag:s19], $0x3800  }
0x169: {  	[sflag:s19] =	ssyncset.done $0x0  }
0x16a: {  	s3 =	rddreg [dreg:$0x1f];
	[sflag:s19] =	ssyncadd.s32 $0xFFFFC800  }
0x16b: {  	[hbm4b:s3+s4] =	stream.linear.scatter [tilespmem:s9], [sflag:$0xB], $0x3800, $0x38;
	[tilespmem:$0x19F80] =	vst v63  }
0x16c: {  	_ =	swait.ge [sflag:s21], $0x3800  }
0x16d: {  	s10 =	sld [smem:$0x7FB]  }
0x16e: {  	[sflag:s21] =	ssyncset.done $0x0  }
0x16f: {  	[sflag:s21] =	ssyncadd.s32 $0xFFFFC800  }
0x170: {  	[hbm4b:s10+s4] =	stream.linear.scatter [tilespmem:s2], [sflag:$0xC], $0x3800, $0x38;
	[tilespmem:$0x19F80] =	vst v63  }
0x171: {  	_ =	swait.ge [sflag:s23], $0x3800  }
0x172: {  	s11 =	sld [smem:$0x7FC]  }
0x173: {  	[sflag:s23] =	ssyncset.done $0x0  }
0x174: {  	[sflag:s23] =	ssyncadd.s32 $0xFFFFC800  }
0x175: {  	[hbm4b:s11+s4] =	stream.linear.scatter [tilespmem:s16], [sflag:$0xD], $0x3800, $0x38;
	[tilespmem:$0x19F80] =	vst v63  }
0x176: {  	_ =	swait.ge [sflag:s25], $0x3800  }
0x177: {  	s12 =	sld [smem:$0x7FD]  }
0x178: {  	[sflag:s25] =	ssyncset.done $0x0  }
0x179: {  	[sflag:s25] =	ssyncadd.s32 $0xFFFFC800  }
0x17a: {  	[hbm4b:s12+s4] =	stream.linear.scatter [tilespmem:s18], [sflag:$0xE], $0x3800, $0x38;
	[tilespmem:$0x19F80] =	vst v63  }
0x17b: {  	_ =	swait.ge [sflag:s20], $0x3800  }
0x17c: {  	[sflag:s20] =	ssyncset.done $0x0  }
0x17d: {  	[sflag:s20] =	ssyncadd.s32 $0xFFFFC800  }
0x17e: {  	_ =	swait.ge [sflag:s22], $0x3800  }
0x17f: {  	[sflag:s22] =	ssyncset.done $0x0  }
0x180: {  	[sflag:s22] =	ssyncadd.s32 $0xFFFFC800  }
0x181: {  	_ =	swait.ge [sflag:s24], $0x3800  }
0x182: {  	[sflag:s24] =	ssyncset.done $0x0  }
0x183: {  	[sflag:s24] =	ssyncadd.s32 $0xFFFFC800  }
0x184: {  	_ =	swait.ge [sflag:s26], $0x3800  }
0x185: {  	[sflag:s26] =	ssyncset.done $0x0  }
0x186: {  	[sflag:s26] =	ssyncadd.s32 $0xFFFFC800  }
0x187: {  	_ =	swait.ge [sflag:s28], $0x3800  }
0x188: {  	[sflag:s28] =	ssyncset.done $0x0  }
0x189: {  	[sflag:s28] =	ssyncadd.s32 $0xFFFFC800  }
0x18a: {  	_ =	swait.ge [sflag:s29], $0x3800  }
0x18b: {  	[sflag:s29] =	ssyncset.done $0x0  }
0x18c: {  	[sflag:s29] =	ssyncadd.s32 $0xFFFFC800  }
0x18d: {  	_ =	swait.ge [sflag:s30], $0x3800  }
0x18e: {  	s31 =	sadd.s32 $0x1, s31;
	s14 =	rddreg [dreg:$0x19]  }
0x18f: {  	p0 =	sne.s32 s31, s14  }
.Ltmp2:
0x190: {  	_ = 	snop;
	(pc) =	sbr.rel @p0 .LBB2_1-.Ltmp2, $3  }
0x191: {  	_ =	sdelay $0x1  }
0x192: {  	[sflag:s30] =	ssyncset.done $0x0  }
0x193: {  	[sflag:s30] =	ssyncadd.s32 $0xFFFFC800  }
0x194: {  	_ =	sfence.sel $0x180000  }
0x195: {  	[bflag:$0x0] =	sbarrier.arrive $0xFFFF  }
0x196: {  	_ =	strace $0x90000047  }
0x197: {  	s0 =	stileid.u32;
	[bflag:$0x2] =	sbarrier.arrive $0xFFFF  }
0x198: {  	p0 =	sne.s32 s0, $0x0;
	s0 =	rddreg [dreg:$0x4]  }
0x199: {  	s0 =	sadd.s32 @!p0 $0x100000, s0  }
0x19a: {  	[sflag:s0] =	ssyncadd.tile.s32 @!p0 $0x1;
	_ =	shalt  }
.Lfunc_end2:
_tile_overlayer_lowered:
.L_overlay_start_2:
0x19b: {  	(tag) =	ssettag $0x2  }
0x19c: {  	s0 =	rddreg [dreg:$0x0];
	s2 =	stileid.u32  }
0x19d: {  	s1 =	rddreg [dreg:$0x1];
	p0 =	sne.s32 s2, $0x0  }
0x19e: {  	s3 =	rddreg [dreg:$0x2];
	[bflag:$0x3] =	sbarrier.arrive $0xFFFF;
	s2 =	simm.s32 @!p0 $0x1C0F  }
0x19f: {  	[timem:s3], [sflag:s2] =	dma.local @!p0 [hbm:s0], s1  }
0x1a0: {  	s0 =	simm.s32 @!p0 $0xF  }
0x1a1: {  	_ =	swait.ge @!p0 [sflag:s0], s1  }
0x1a2: {  	s1 =	ssub.s32 @!p0 $0x0, s1;
	[sflag:s0] =	ssyncset.done @!p0 $0x0  }
0x1a3: {  	[sflag:s0] =	ssyncadd.s32 @!p0 s1  }
0x1a4: {  	[bflag:$0x3] =	sbarrier.arrive $0xFFFF  }
0x1a5: {  	_ =	shalt  }

</sc_bundles>
